<compile_context>
chip_gen: v7x
topology: tpu7x:2x2x1
jax: 0.10.2.dev20260603
libtpu: 0.0.44.dev20260713+nightly
codegen_flags: <defaults>
</compile_context>

<pallas_src>
import functools

import jax
import jax.numpy as jnp
from jax import lax
from jax.experimental import pallas as pl
from jax.experimental.pallas import tpu as pltpu, tpu_sc as plsc

NC = 2
NS = 16
NW = NC * NS


def _sc_mesh():
    return plsc.VectorSubcoreMesh(core_axis_name="c", subcore_axis_name="s")


def _deg_kernel(E, N_pad, CH, K):
    EPW = E // NW
    NCH = EPW // CH
    NBLK = NCH // K
    RPW = N_pad // NS

    @functools.partial(
        pl.kernel,
        out_type=jax.ShapeDtypeStruct((NC, N_pad), jnp.float32),
        mesh=_sc_mesh(),
        scratch_types=[
            pltpu.VMEM((NCH, CH), jnp.int32),
            pltpu.VMEM((128,), jnp.float32),
            pltpu.VMEM_SHARED((N_pad,), jnp.float32),
            pltpu.SemaphoreType.DMA((K,)),
        ],
        compiler_params=pltpu.CompilerParams(use_tc_tiling_on_sc=False),
    )
    def deg_k(edges_hbm, zeros_hbm, out_hbm, idx_v, ones_v, acc_sh, ssem):
        c = lax.axis_index("c")
        s = lax.axis_index("s")
        wid = s * NC + c
        for j in range(8):
            ones_v[pl.ds(j * 16, 16)] = jnp.ones((16,), jnp.float32)
        pltpu.sync_copy(edges_hbm.at[1, wid], idx_v)
        pltpu.sync_copy(zeros_hbm.at[pl.ds(s * RPW, RPW)],
                        acc_sh.at[pl.ds(s * RPW, RPW)])
        plsc.subcore_barrier()

        def block(gb, carry):
            base = gb * K
            sds = [pltpu.async_copy(ones_v.at[pl.ds(0, CH)],
                                    acc_sh.at[idx_v.at[base + k]],
                                    ssem.at[k], add=True)
                   for k in range(K)]
            for k in range(K):
                sds[k].wait()
            return carry

        lax.fori_loop(0, NBLK, block, 0)
        plsc.subcore_barrier()
        pltpu.sync_copy(acc_sh.at[pl.ds(s * RPW, RPW)],
                        out_hbm.at[c, pl.ds(s * RPW, RPW)])

    return deg_k


def _agg_kernel(E, N, N_pad, D, CH, K):
    EPW = E // NW
    NCH = EPW // CH
    NBLK = NCH // K
    RPW = N_pad // NS

    @functools.partial(
        pl.kernel,
        out_type=jax.ShapeDtypeStruct((NC, N_pad, D), jnp.bfloat16),
        mesh=_sc_mesh(),
        scratch_types=[
            pltpu.VMEM((NCH, CH), jnp.int32),
            pltpu.VMEM((NCH, CH), jnp.int32),
        ] + [pltpu.VMEM((CH, D), jnp.bfloat16) for _ in range(2 * K)] + [
            pltpu.VMEM_SHARED((N_pad, D), jnp.bfloat16),
            pltpu.SemaphoreType.DMA((K,)),
            pltpu.SemaphoreType.DMA((K,)),
            pltpu.SemaphoreType.DMA((K,)),
            pltpu.SemaphoreType.DMA((K,)),
        ],
        compiler_params=pltpu.CompilerParams(use_tc_tiling_on_sc=False),
    )
    def agg_k(edges_hbm, ht_hbm, zeros_hbm, out_hbm,
              isrc_v, idst_v, *rest):
        rows = rest[:2 * K]
        acc_sh = rest[2 * K]
        gsem_a, gsem_b, ssem_a, ssem_b = rest[2 * K + 1:2 * K + 5]
        c = lax.axis_index("c")
        s = lax.axis_index("s")
        wid = s * NC + c
        pltpu.sync_copy(edges_hbm.at[0, wid], isrc_v)
        pltpu.sync_copy(edges_hbm.at[1, wid], idst_v)
        pltpu.sync_copy(zeros_hbm.at[pl.ds(s * RPW, RPW)],
                        acc_sh.at[pl.ds(s * RPW, RPW)])
        plsc.subcore_barrier()

        rows_a, rows_b = rows[:K], rows[K:]

        def fire_gathers(blk, rset, sem):
            base = blk * K
            return [pltpu.async_copy(ht_hbm.at[isrc_v.at[base + k]],
                                     rset[k], sem.at[k])
                    for k in range(K)]

        def fire_scatters(blk, rset, sem):
            base = blk * K
            return [pltpu.async_copy(rset[k], acc_sh.at[idst_v.at[base + k]],
                                     sem.at[k], add=True)
                    for k in range(K)]

        def body(g2, carry):
            b0 = g2 * 2
            gA = fire_gathers(b0, rows_a, gsem_a)
            gB = fire_gathers(b0 + 1, rows_b, gsem_b)
            for d in gA:
                d.wait()
            sA = fire_scatters(b0, rows_a, ssem_a)
            for d in gB:
                d.wait()
            sB = fire_scatters(b0 + 1, rows_b, ssem_b)
            for d in sA:
                d.wait()
            for d in sB:
                d.wait()
            return carry

        lax.fori_loop(0, NBLK // 2, body, 0)
        plsc.subcore_barrier()
        pltpu.sync_copy(acc_sh.at[pl.ds(s * RPW, RPW)],
                        out_hbm.at[c, pl.ds(s * RPW, RPW)])

    return agg_k


def _tc1(n, x_ref, w_ref, d0_ref, d1_ref, ht_ref, dis_ref):
    deg = d0_ref[...] + d1_ref[...] + 1.0
    dis = lax.rsqrt(deg)
    h = jnp.dot(x_ref[...], w_ref[...], preferred_element_type=jnp.float32)
    ht_ref[...] = (h * dis).astype(jnp.bfloat16)
    dis_ref[...] = dis


def _tc2(n, aggp_ref, ht_ref, dis_ref, b_ref, w_ref, out_ref):
    agg = (aggp_ref[0, :n, :].astype(jnp.float32)
           + aggp_ref[1, :n, :].astype(jnp.float32))
    t = (agg + ht_ref[...].astype(jnp.float32)) * dis_ref[...] + b_ref[...]
    o = jnp.maximum(t, 0.0)
    out_ref[...] = (jnp.dot(o, w_ref[...], preferred_element_type=jnp.float32)
                    * dis_ref[...]).astype(jnp.bfloat16)


def _tc3(n, aggp_ref, ht_ref, dis_ref, b_ref, wfc_ref, bfc_ref, out_ref):
    agg = (aggp_ref[0, :n, :].astype(jnp.float32)
           + aggp_ref[1, :n, :].astype(jnp.float32))
    t = (agg + ht_ref[...].astype(jnp.float32)) * dis_ref[...] + b_ref[...]
    o = jnp.maximum(t, 0.0)
    m = jnp.sum(o, axis=0, keepdims=True) * (1.0 / n)
    out_ref[...] = jnp.dot(m, wfc_ref[...],
                           preferred_element_type=jnp.float32) + bfc_ref[...]


def kernel(x, edge_index, W1, b1, W2, b2, Wfc, bfc):
    N, D_in = x.shape
    E = edge_index.shape[1]
    D1 = W1.shape[1]
    D2 = W2.shape[1]
    C = Wfc.shape[1]
    N_pad = ((N + NW * 16 - 1) // (NW * 16)) * (NW * 16)
    CH = 125
    K1, K2 = 5, 5
    NCH = (E // NW) // CH
    assert E % (NW * CH) == 0 and NCH % (2 * K1) == 0 and NCH % (2 * K2) == 0

    er = edge_index.astype(jnp.int32).reshape(2, NW, NCH, CH)
    zeros1 = jnp.zeros((N_pad,), jnp.float32)

    degp = _deg_kernel(E, N_pad, CH, 8)(er, zeros1)
    d0 = degp[0, :N].reshape(N, 1)
    d1 = degp[1, :N].reshape(N, 1)

    ht1, dis = pl.pallas_call(
        functools.partial(_tc1, N),
        out_shape=[
            jax.ShapeDtypeStruct((N, D1), jnp.bfloat16),
            jax.ShapeDtypeStruct((N, 1), jnp.float32),
        ],
    )(x, W1, d0, d1)

    zeros2 = jnp.zeros((N_pad, D1), jnp.bfloat16)
    aggp1 = _agg_kernel(E, N, N_pad, D1, CH, K1)(er, ht1, zeros2)

    ht2 = pl.pallas_call(
        functools.partial(_tc2, N),
        out_shape=jax.ShapeDtypeStruct((N, D2), jnp.bfloat16),
    )(aggp1, ht1, dis, b1, W2)

    zeros3 = jnp.zeros((N_pad, D2), jnp.bfloat16)
    aggp2 = _agg_kernel(E, N, N_pad, D2, CH, K2)(er, ht2, zeros3)

    out = pl.pallas_call(
        functools.partial(_tc3, N),
        out_shape=jax.ShapeDtypeStruct((1, C), jnp.float32),
    )(aggp2, ht2, dis, b2, Wfc, bfc)
    return out.reshape(C)

# --- scband reference (transcript-rebuilt; emitter-appended) ---
"""Pipeline reference for scband-qubognn-77412490543690 (READ-ONLY COPY).

The authoritative reference and input builder live on the scoring server;
editing this copy changes nothing except your own understanding.
"""

import jax, jax.numpy as jnp
import numpy as np

NUM_NODES = 10000
NUM_EDGES = 320000
D_IN = 128
D_H1 = 64
D_H2 = 32
NUM_CLASSES = 16


def gcn_conv(x, edge_index, W, b, num_nodes):
    # GCNConv: x' = D^{-1/2} (A + I) D^{-1/2} X W + b
    src = edge_index[0]
    dst = edge_index[1]
    loop = jnp.arange(num_nodes, dtype=edge_index.dtype)
    src = jnp.concatenate([src, loop])
    dst = jnp.concatenate([dst, loop])
    deg = jnp.zeros((num_nodes,), dtype=x.dtype).at[dst].add(1.0)
    deg_inv_sqrt = jnp.where(deg > 0, jax.lax.rsqrt(jnp.maximum(deg, 1e-12)), 0.0)
    norm = deg_inv_sqrt[src] * deg_inv_sqrt[dst]
    h = x @ W
    msg = h[src] * norm[:, None]
    out = jnp.zeros((num_nodes, h.shape[1]), dtype=h.dtype).at[dst].add(msg)
    return out + b


def setup_inputs(seed: int = 0) -> dict:
    key = jax.random.key(seed)
    k_x, k_e, k_w1, k_b1, k_w2, k_b2, k_wf, k_bf = jax.random.split(key, 8)
    x = jax.random.normal(k_x, (NUM_NODES, D_IN), dtype=jnp.float32)
    edge_index = jax.random.randint(k_e, (2, NUM_EDGES), 0, NUM_NODES, dtype=jnp.int64)
    W1 = jax.random.normal(k_w1, (D_IN, D_H1), dtype=jnp.float32) * (1.0 / np.sqrt(D_IN))
    b1 = jnp.zeros((D_H1,), dtype=jnp.float32)
    W2 = jax.random.normal(k_w2, (D_H1, D_H2), dtype=jnp.float32) * (1.0 / np.sqrt(D_H1))
    b2 = jnp.zeros((D_H2,), dtype=jnp.float32)
    Wfc = jax.random.normal(k_wf, (D_H2, NUM_CLASSES), dtype=jnp.float32) * (1.0 / np.sqrt(D_H2))
    bfc = jnp.zeros((NUM_CLASSES,), dtype=jnp.float32)
    return {"x": x, "edge_index": edge_index, "W1": W1, "b1": b1, "W2": W2, "b2": b2, "Wfc": Wfc, "bfc": bfc}


def reference(x, edge_index, W1, b1, W2, b2, Wfc, bfc):
    num_nodes = x.shape[0]
    h = gcn_conv(x, edge_index, W1, b1, num_nodes)
    h = jax.nn.relu(h)
    # dropout p=0.5 is identity in eval mode
    h = gcn_conv(h, edge_index, W2, b2, num_nodes)
    h = jax.nn.relu(h)
    h = jnp.mean(h, axis=0)
    out = h @ Wfc + bfc
    return out

if __name__ == "__main__":
    import jax
    _d = setup_inputs()
    print(jax.jit(kernel)(*tuple(_d.values())))

</pallas_src>

<mosaic_0001>
#map = affine_map<(d0, d1) -> (0, 0, 0, 0)>
#map1 = affine_map<(d0, d1) -> (0, 0)>
#map2 = affine_map<(d0, d1) -> (0, 0, 0)>
module attributes {stable_mosaic.version = 14 : i64} {
  func.func @agg_k(%arg0: i32, %arg1: i32, %arg2: memref<2x32x80x125xi32, #tpu.memory_space<hbm>>, %arg3: memref<10000x32xbf16, #tpu.memory_space<hbm>>, %arg4: memref<10240x32xbf16, #tpu.memory_space<hbm>>, %arg5: memref<2x10240x32xbf16, #tpu.memory_space<hbm>>, %arg6: memref<80x125xi32, #tpu.memory_space<vmem>>, %arg7: memref<80x125xi32, #tpu.memory_space<vmem>>, %arg8: memref<125x32xbf16, #tpu.memory_space<vmem>>, %arg9: memref<125x32xbf16, #tpu.memory_space<vmem>>, %arg10: memref<125x32xbf16, #tpu.memory_space<vmem>>, %arg11: memref<125x32xbf16, #tpu.memory_space<vmem>>, %arg12: memref<125x32xbf16, #tpu.memory_space<vmem>>, %arg13: memref<125x32xbf16, #tpu.memory_space<vmem>>, %arg14: memref<125x32xbf16, #tpu.memory_space<vmem>>, %arg15: memref<125x32xbf16, #tpu.memory_space<vmem>>, %arg16: memref<125x32xbf16, #tpu.memory_space<vmem>>, %arg17: memref<125x32xbf16, #tpu.memory_space<vmem>>, %arg18: memref<10240x32xbf16, #tpu.memory_space<vmem_shared>>, %arg19: memref<5x!tpu.dma_semaphore, #tpu.memory_space<semaphore_mem>>, %arg20: memref<5x!tpu.dma_semaphore, #tpu.memory_space<semaphore_mem>>, %arg21: memref<5x!tpu.dma_semaphore, #tpu.memory_space<semaphore_mem>>, %arg22: memref<5x!tpu.dma_semaphore, #tpu.memory_space<semaphore_mem>>) attributes {dimension_semantics = [#tpu.dimension_semantics<core_parallel>, #tpu.dimension_semantics<subcore_parallel>], iteration_bounds = array<i64: 2, 16>, scalar_prefetch = 0 : i64, scratch_operands = 17 : i64, tpu.core_type = #tpu.core_type<sc_vector_subcore>, window_params = [{transform_indices = #map}, {transform_indices = #map1}, {transform_indices = #map1}, {transform_indices = #map2}]} {
    %mul3A = arith.constant 2 : i32
    %mul3A_0 = arith.muli %arg1, %mul3A : i32
    %add3A = arith.addi %mul3A_0, %arg0 : i32
    %run_scoped3A = arith.constant 0 : i32
    "tpu.region"() ({
      %run_scoped3A_16 = tpu.sem_alloc : memref<!tpu.dma_semaphore, #tpu.memory_space<semaphore_mem>>
      %dma_start3A = arith.constant 0 : i32
      %dma_start3A_17 = arith.constant 0 : i32
      %dma_start3A_18 = tpu.memref_slice %arg2[%run_scoped3A, %add3A, %dma_start3A, %dma_start3A_17] : memref<2x32x80x125xi32, #tpu.memory_space<hbm>> -> memref<1x1x80x125xi32, #tpu.memory_space<hbm>>
      %dma_start3A_19 = tpu.memref_squeeze %dma_start3A_18 : memref<1x1x80x125xi32, #tpu.memory_space<hbm>> -> memref<80x125xi32, #tpu.memory_space<hbm>>
      %dma_start3A_20 = arith.constant 0 : i32
      %dma_start3A_21 = arith.constant 0 : i32
      %dma_start3A_22 = tpu.memref_slice %arg2[%run_scoped3A, %add3A, %dma_start3A_20, %dma_start3A_21] : memref<2x32x80x125xi32, #tpu.memory_space<hbm>> -> memref<1x1x80x125xi32, #tpu.memory_space<hbm>>
      %dma_start3A_23 = tpu.memref_squeeze %dma_start3A_22 : memref<1x1x80x125xi32, #tpu.memory_space<hbm>> -> memref<80x125xi32, #tpu.memory_space<hbm>>
      tpu.enqueue_dma source(%dma_start3A_23 : memref<80x125xi32, #tpu.memory_space<hbm>>) target(%arg6 : memref<80x125xi32, #tpu.memory_space<vmem>>) target_semaphore(%run_scoped3A_16 : memref<!tpu.dma_semaphore, #tpu.memory_space<semaphore_mem>>)
      %dma_wait3A = arith.constant 0 : i32
      %dma_wait3A_24 = arith.constant 0 : i32
      %dma_wait3A_25 = tpu.memref_slice %arg2[%run_scoped3A, %add3A, %dma_wait3A, %dma_wait3A_24] : memref<2x32x80x125xi32, #tpu.memory_space<hbm>> -> memref<1x1x80x125xi32, #tpu.memory_space<hbm>>
      %dma_wait3A_26 = tpu.memref_squeeze %dma_wait3A_25 : memref<1x1x80x125xi32, #tpu.memory_space<hbm>> -> memref<80x125xi32, #tpu.memory_space<hbm>>
      %dma_wait3A_27 = arith.constant 0 : i32
      %dma_wait3A_28 = arith.constant 0 : i32
      %dma_wait3A_29 = tpu.memref_slice %arg2[%run_scoped3A, %add3A, %dma_wait3A_27, %dma_wait3A_28] : memref<2x32x80x125xi32, #tpu.memory_space<hbm>> -> memref<1x1x80x125xi32, #tpu.memory_space<hbm>>
      %dma_wait3A_30 = tpu.memref_squeeze %dma_wait3A_29 : memref<1x1x80x125xi32, #tpu.memory_space<hbm>> -> memref<80x125xi32, #tpu.memory_space<hbm>>
      tpu.wait_dma2 semaphore(%run_scoped3A_16 : memref<!tpu.dma_semaphore, #tpu.memory_space<semaphore_mem>>) src(%dma_wait3A_30 : memref<80x125xi32, #tpu.memory_space<hbm>>) dst(%arg6 : memref<80x125xi32, #tpu.memory_space<vmem>>)
      tpu.yield
    }) : () -> ()
    %run_scoped3A_1 = arith.constant 1 : i32
    "tpu.region"() ({
      %run_scoped3A_16 = tpu.sem_alloc : memref<!tpu.dma_semaphore, #tpu.memory_space<semaphore_mem>>
      %dma_start3A = arith.constant 0 : i32
      %dma_start3A_17 = arith.constant 0 : i32
      %dma_start3A_18 = tpu.memref_slice %arg2[%run_scoped3A_1, %add3A, %dma_start3A, %dma_start3A_17] : memref<2x32x80x125xi32, #tpu.memory_space<hbm>> -> memref<1x1x80x125xi32, #tpu.memory_space<hbm>>
      %dma_start3A_19 = tpu.memref_squeeze %dma_start3A_18 : memref<1x1x80x125xi32, #tpu.memory_space<hbm>> -> memref<80x125xi32, #tpu.memory_space<hbm>>
      %dma_start3A_20 = arith.constant 0 : i32
      %dma_start3A_21 = arith.constant 0 : i32
      %dma_start3A_22 = tpu.memref_slice %arg2[%run_scoped3A_1, %add3A, %dma_start3A_20, %dma_start3A_21] : memref<2x32x80x125xi32, #tpu.memory_space<hbm>> -> memref<1x1x80x125xi32, #tpu.memory_space<hbm>>
      %dma_start3A_23 = tpu.memref_squeeze %dma_start3A_22 : memref<1x1x80x125xi32, #tpu.memory_space<hbm>> -> memref<80x125xi32, #tpu.memory_space<hbm>>
      tpu.enqueue_dma source(%dma_start3A_23 : memref<80x125xi32, #tpu.memory_space<hbm>>) target(%arg7 : memref<80x125xi32, #tpu.memory_space<vmem>>) target_semaphore(%run_scoped3A_16 : memref<!tpu.dma_semaphore, #tpu.memory_space<semaphore_mem>>)
      %dma_wait3A = arith.constant 0 : i32
      %dma_wait3A_24 = arith.constant 0 : i32
      %dma_wait3A_25 = tpu.memref_slice %arg2[%run_scoped3A_1, %add3A, %dma_wait3A, %dma_wait3A_24] : memref<2x32x80x125xi32, #tpu.memory_space<hbm>> -> memref<1x1x80x125xi32, #tpu.memory_space<hbm>>
      %dma_wait3A_26 = tpu.memref_squeeze %dma_wait3A_25 : memref<1x1x80x125xi32, #tpu.memory_space<hbm>> -> memref<80x125xi32, #tpu.memory_space<hbm>>
      %dma_wait3A_27 = arith.constant 0 : i32
      %dma_wait3A_28 = arith.constant 0 : i32
      %dma_wait3A_29 = tpu.memref_slice %arg2[%run_scoped3A_1, %add3A, %dma_wait3A_27, %dma_wait3A_28] : memref<2x32x80x125xi32, #tpu.memory_space<hbm>> -> memref<1x1x80x125xi32, #tpu.memory_space<hbm>>
      %dma_wait3A_30 = tpu.memref_squeeze %dma_wait3A_29 : memref<1x1x80x125xi32, #tpu.memory_space<hbm>> -> memref<80x125xi32, #tpu.memory_space<hbm>>
      tpu.wait_dma2 semaphore(%run_scoped3A_16 : memref<!tpu.dma_semaphore, #tpu.memory_space<semaphore_mem>>) src(%dma_wait3A_30 : memref<80x125xi32, #tpu.memory_space<hbm>>) dst(%arg7 : memref<80x125xi32, #tpu.memory_space<vmem>>)
      tpu.yield
    }) : () -> ()
    %mul3A_2 = arith.constant 640 : i32
    %mul3A_3 = arith.muli %arg1, %mul3A_2 : i32
    %mul3A_4 = arith.constant 640 : i32
    %mul3A_5 = arith.muli %arg1, %mul3A_4 : i32
    "tpu.region"() ({
      %run_scoped3A_16 = tpu.sem_alloc : memref<!tpu.dma_semaphore, #tpu.memory_space<semaphore_mem>>
      %dma_start3A = arith.constant 0 : i32
      %dma_start3A_17 = tpu.memref_slice %arg18[%mul3A_5, %dma_start3A] : memref<10240x32xbf16, #tpu.memory_space<vmem_shared>> -> memref<640x32xbf16, #tpu.memory_space<vmem_shared>>
      %dma_start3A_18 = arith.constant 0 : i32
      %dma_start3A_19 = tpu.memref_slice %arg4[%mul3A_3, %dma_start3A_18] : memref<10240x32xbf16, #tpu.memory_space<hbm>> -> memref<640x32xbf16, #tpu.memory_space<hbm>>
      tpu.enqueue_dma source(%dma_start3A_19 : memref<640x32xbf16, #tpu.memory_space<hbm>>) target(%dma_start3A_17 : memref<640x32xbf16, #tpu.memory_space<vmem_shared>>) target_semaphore(%run_scoped3A_16 : memref<!tpu.dma_semaphore, #tpu.memory_space<semaphore_mem>>)
      %dma_wait3A = arith.constant 0 : i32
      %dma_wait3A_20 = tpu.memref_slice %arg18[%mul3A_5, %dma_wait3A] : memref<10240x32xbf16, #tpu.memory_space<vmem_shared>> -> memref<640x32xbf16, #tpu.memory_space<vmem_shared>>
      %dma_wait3A_21 = arith.constant 0 : i32
      %dma_wait3A_22 = tpu.memref_slice %arg4[%mul3A_3, %dma_wait3A_21] : memref<10240x32xbf16, #tpu.memory_space<hbm>> -> memref<640x32xbf16, #tpu.memory_space<hbm>>
      tpu.wait_dma2 semaphore(%run_scoped3A_16 : memref<!tpu.dma_semaphore, #tpu.memory_space<semaphore_mem>>) src(%dma_wait3A_22 : memref<640x32xbf16, #tpu.memory_space<hbm>>) dst(%dma_wait3A_20 : memref<640x32xbf16, #tpu.memory_space<vmem_shared>>)
      tpu.yield
    }) : () -> ()
    %barrier3A = arith.constant 0 : index
    tpu.barrier barrier_id(%barrier3A)
    %scan3A = arith.constant 0 : i32
    %scan3A_6 = arith.constant 0 : i32
    %scan3A_7 = arith.constant 8 : i32
    %scan3A_8 = arith.addi %scan3A_6, %scan3A_7 : i32
    %scan3A_9 = arith.constant 1 : i32
    scf.for %scan3A_16 = %scan3A_6 to %scan3A_8 step %scan3A_9  : i32 {
      %mul3A_17 = arith.constant 2 : i32
      %mul3A_18 = arith.muli %scan3A_16, %mul3A_17 : i32
      %mul3A_19 = arith.constant 5 : i32
      %mul3A_20 = arith.muli %mul3A_18, %mul3A_19 : i32
      %add3A_21 = arith.constant 0 : i32
      %add3A_22 = arith.addi %mul3A_20, %add3A_21 : i32
      %dma_start3A = arith.constant 0 : i32
      %dma_start3A_23 = arith.constant 0 : i32
      %dma_start3A_24 = tpu.memref_slice %arg6[%add3A_22, %dma_start3A_23] : memref<80x125xi32, #tpu.memory_space<vmem>> -> memref<1x125xi32, #tpu.memory_space<vmem>>
      %dma_start3A_25 = tpu.memref_squeeze %dma_start3A_24 : memref<1x125xi32, #tpu.memory_space<vmem>> -> memref<125xi32, #tpu.memory_space<vmem>>
      %dma_start3A_26 = arith.constant 0 : i32
      %dma_start3A_27 = arith.constant 0 : i32
      %dma_start3A_28 = tpu.memref_slice %arg3[%dma_start3A_26, %dma_start3A_27] : memref<10000x32xbf16, #tpu.memory_space<hbm>> -> memref<10000x32xbf16, #tpu.memory_space<hbm>>
      %dma_start3A_29 = tpu.memref_slice %arg19[%dma_start3A] : memref<5x!tpu.dma_semaphore, #tpu.memory_space<semaphore_mem>> -> memref<1x!tpu.dma_semaphore, #tpu.memory_space<semaphore_mem>>
      %dma_start3A_30 = tpu.memref_squeeze %dma_start3A_29 : memref<1x!tpu.dma_semaphore, #tpu.memory_space<semaphore_mem>> -> memref<!tpu.dma_semaphore, #tpu.memory_space<semaphore_mem>>
      tpu.enqueue_indirect_dma source(%dma_start3A_28 : memref<10000x32xbf16, #tpu.memory_space<hbm>>) target(%arg8 : memref<125x32xbf16, #tpu.memory_space<vmem>>) offsets(%dma_start3A_25 : memref<125xi32, #tpu.memory_space<vmem>>) semaphore(%dma_start3A_30 : memref<!tpu.dma_semaphore, #tpu.memory_space<semaphore_mem>>)
      %add3A_31 = arith.constant 1 : i32
      %add3A_32 = arith.addi %mul3A_20, %add3A_31 : i32
      %dma_start3A_33 = arith.constant 1 : i32
      %dma_start3A_34 = arith.constant 0 : i32
      %dma_start3A_35 = tpu.memref_slice %arg6[%add3A_32, %dma_start3A_34] : memref<80x125xi32, #tpu.memory_space<vmem>> -> memref<1x125xi32, #tpu.memory_space<vmem>>
      %dma_start3A_36 = tpu.memref_squeeze %dma_start3A_35 : memref<1x125xi32, #tpu.memory_space<vmem>> -> memref<125xi32, #tpu.memory_space<vmem>>
      %dma_start3A_37 = arith.constant 0 : i32
      %dma_start3A_38 = arith.constant 0 : i32
      %dma_start3A_39 = tpu.memref_slice %arg3[%dma_start3A_37, %dma_start3A_38] : memref<10000x32xbf16, #tpu.memory_space<hbm>> -> memref<10000x32xbf16, #tpu.memory_space<hbm>>
      %dma_start3A_40 = tpu.memref_slice %arg19[%dma_start3A_33] : memref<5x!tpu.dma_semaphore, #tpu.memory_space<semaphore_mem>> -> memref<1x!tpu.dma_semaphore, #tpu.memory_space<semaphore_mem>>
      %dma_start3A_41 = tpu.memref_squeeze %dma_start3A_40 : memref<1x!tpu.dma_semaphore, #tpu.memory_space<semaphore_mem>> -> memref<!tpu.dma_semaphore, #tpu.memory_space<semaphore_mem>>
      tpu.enqueue_indirect_dma source(%dma_start3A_39 : memref<10000x32xbf16, #tpu.memory_space<hbm>>) target(%arg9 : memref<125x32xbf16, #tpu.memory_space<vmem>>) offsets(%dma_start3A_36 : memref<125xi32, #tpu.memory_space<vmem>>) semaphore(%dma_start3A_41 : memref<!tpu.dma_semaphore, #tpu.memory_space<semaphore_mem>>)
      %add3A_42 = arith.constant 2 : i32
      %add3A_43 = arith.addi %mul3A_20, %add3A_42 : i32
      %dma_start3A_44 = arith.constant 2 : i32
      %dma_start3A_45 = arith.constant 0 : i32
      %dma_start3A_46 = tpu.memref_slice %arg6[%add3A_43, %dma_start3A_45] : memref<80x125xi32, #tpu.memory_space<vmem>> -> memref<1x125xi32, #tpu.memory_space<vmem>>
      %dma_start3A_47 = tpu.memref_squeeze %dma_start3A_46 : memref<1x125xi32, #tpu.memory_space<vmem>> -> memref<125xi32, #tpu.memory_space<vmem>>
      %dma_start3A_48 = arith.constant 0 : i32
      %dma_start3A_49 = arith.constant 0 : i32
      %dma_start3A_50 = tpu.memref_slice %arg3[%dma_start3A_48, %dma_start3A_49] : memref<10000x32xbf16, #tpu.memory_space<hbm>> -> memref<10000x32xbf16, #tpu.memory_space<hbm>>
      %dma_start3A_51 = tpu.memref_slice %arg19[%dma_start3A_44] : memref<5x!tpu.dma_semaphore, #tpu.memory_space<semaphore_mem>> -> memref<1x!tpu.dma_semaphore, #tpu.memory_space<semaphore_mem>>
      %dma_start3A_52 = tpu.memref_squeeze %dma_start3A_51 : memref<1x!tpu.dma_semaphore, #tpu.memory_space<semaphore_mem>> -> memref<!tpu.dma_semaphore, #tpu.memory_space<semaphore_mem>>
      tpu.enqueue_indirect_dma source(%dma_start3A_50 : memref<10000x32xbf16, #tpu.memory_space<hbm>>) target(%arg10 : memref<125x32xbf16, #tpu.memory_space<vmem>>) offsets(%dma_start3A_47 : memref<125xi32, #tpu.memory_space<vmem>>) semaphore(%dma_start3A_52 : memref<!tpu.dma_semaphore, #tpu.memory_space<semaphore_mem>>)
      %add3A_53 = arith.constant 3 : i32
      %add3A_54 = arith.addi %mul3A_20, %add3A_53 : i32
      %dma_start3A_55 = arith.constant 3 : i32
      %dma_start3A_56 = arith.constant 0 : i32
      %dma_start3A_57 = tpu.memref_slice %arg6[%add3A_54, %dma_start3A_56] : memref<80x125xi32, #tpu.memory_space<vmem>> -> memref<1x125xi32, #tpu.memory_space<vmem>>
      %dma_start3A_58 = tpu.memref_squeeze %dma_start3A_57 : memref<1x125xi32, #tpu.memory_space<vmem>> -> memref<125xi32, #tpu.memory_space<vmem>>
      %dma_start3A_59 = arith.constant 0 : i32
      %dma_start3A_60 = arith.constant 0 : i32
      %dma_start3A_61 = tpu.memref_slice %arg3[%dma_start3A_59, %dma_start3A_60] : memref<10000x32xbf16, #tpu.memory_space<hbm>> -> memref<10000x32xbf16, #tpu.memory_space<hbm>>
      %dma_start3A_62 = tpu.memref_slice %arg19[%dma_start3A_55] : memref<5x!tpu.dma_semaphore, #tpu.memory_space<semaphore_mem>> -> memref<1x!tpu.dma_semaphore, #tpu.memory_space<semaphore_mem>>
      %dma_start3A_63 = tpu.memref_squeeze %dma_start3A_62 : memref<1x!tpu.dma_semaphore, #tpu.memory_space<semaphore_mem>> -> memref<!tpu.dma_semaphore, #tpu.memory_space<semaphore_mem>>
      tpu.enqueue_indirect_dma source(%dma_start3A_61 : memref<10000x32xbf16, #tpu.memory_space<hbm>>) target(%arg11 : memref<125x32xbf16, #tpu.memory_space<vmem>>) offsets(%dma_start3A_58 : memref<125xi32, #tpu.memory_space<vmem>>) semaphore(%dma_start3A_63 : memref<!tpu.dma_semaphore, #tpu.memory_space<semaphore_mem>>)
      %add3A_64 = arith.constant 4 : i32
      %add3A_65 = arith.addi %mul3A_20, %add3A_64 : i32
      %dma_start3A_66 = arith.constant 4 : i32
      %dma_start3A_67 = arith.constant 0 : i32
      %dma_start3A_68 = tpu.memref_slice %arg6[%add3A_65, %dma_start3A_67] : memref<80x125xi32, #tpu.memory_space<vmem>> -> memref<1x125xi32, #tpu.memory_space<vmem>>
      %dma_start3A_69 = tpu.memref_squeeze %dma_start3A_68 : memref<1x125xi32, #tpu.memory_space<vmem>> -> memref<125xi32, #tpu.memory_space<vmem>>
      %dma_start3A_70 = arith.constant 0 : i32
      %dma_start3A_71 = arith.constant 0 : i32
      %dma_start3A_72 = tpu.memref_slice %arg3[%dma_start3A_70, %dma_start3A_71] : memref<10000x32xbf16, #tpu.memory_space<hbm>> -> memref<10000x32xbf16, #tpu.memory_space<hbm>>
      %dma_start3A_73 = tpu.memref_slice %arg19[%dma_start3A_66] : memref<5x!tpu.dma_semaphore, #tpu.memory_space<semaphore_mem>> -> memref<1x!tpu.dma_semaphore, #tpu.memory_space<semaphore_mem>>
      %dma_start3A_74 = tpu.memref_squeeze %dma_start3A_73 : memref<1x!tpu.dma_semaphore, #tpu.memory_space<semaphore_mem>> -> memref<!tpu.dma_semaphore, #tpu.memory_space<semaphore_mem>>
      tpu.enqueue_indirect_dma source(%dma_start3A_72 : memref<10000x32xbf16, #tpu.memory_space<hbm>>) target(%arg12 : memref<125x32xbf16, #tpu.memory_space<vmem>>) offsets(%dma_start3A_69 : memref<125xi32, #tpu.memory_space<vmem>>) semaphore(%dma_start3A_74 : memref<!tpu.dma_semaphore, #tpu.memory_space<semaphore_mem>>)
      %add3A_75 = arith.constant 1 : i32
      %add3A_76 = arith.addi %mul3A_18, %add3A_75 : i32
      %mul3A_77 = arith.constant 5 : i32
      %mul3A_78 = arith.muli %add3A_76, %mul3A_77 : i32
      %add3A_79 = arith.constant 0 : i32
      %add3A_80 = arith.addi %mul3A_78, %add3A_79 : i32
      %dma_start3A_81 = arith.constant 0 : i32
      %dma_start3A_82 = arith.constant 0 : i32
      %dma_start3A_83 = tpu.memref_slice %arg6[%add3A_80, %dma_start3A_82] : memref<80x125xi32, #tpu.memory_space<vmem>> -> memref<1x125xi32, #tpu.memory_space<vmem>>
      %dma_start3A_84 = tpu.memref_squeeze %dma_start3A_83 : memref<1x125xi32, #tpu.memory_space<vmem>> -> memref<125xi32, #tpu.memory_space<vmem>>
      %dma_start3A_85 = arith.constant 0 : i32
      %dma_start3A_86 = arith.constant 0 : i32
      %dma_start3A_87 = tpu.memref_slice %arg3[%dma_start3A_85, %dma_start3A_86] : memref<10000x32xbf16, #tpu.memory_space<hbm>> -> memref<10000x32xbf16, #tpu.memory_space<hbm>>
      %dma_start3A_88 = tpu.memref_slice %arg20[%dma_start3A_81] : memref<5x!tpu.dma_semaphore, #tpu.memory_space<semaphore_mem>> -> memref<1x!tpu.dma_semaphore, #tpu.memory_space<semaphore_mem>>
      %dma_start3A_89 = tpu.memref_squeeze %dma_start3A_88 : memref<1x!tpu.dma_semaphore, #tpu.memory_space<semaphore_mem>> -> memref<!tpu.dma_semaphore, #tpu.memory_space<semaphore_mem>>
      tpu.enqueue_indirect_dma source(%dma_start3A_87 : memref<10000x32xbf16, #tpu.memory_space<hbm>>) target(%arg13 : memref<125x32xbf16, #tpu.memory_space<vmem>>) offsets(%dma_start3A_84 : memref<125xi32, #tpu.memory_space<vmem>>) semaphore(%dma_start3A_89 : memref<!tpu.dma_semaphore, #tpu.memory_space<semaphore_mem>>)
      %add3A_90 = arith.constant 1 : i32
      %add3A_91 = arith.addi %mul3A_78, %add3A_90 : i32
      %dma_start3A_92 = arith.constant 1 : i32
      %dma_start3A_93 = arith.constant 0 : i32
      %dma_start3A_94 = tpu.memref_slice %arg6[%add3A_91, %dma_start3A_93] : memref<80x125xi32, #tpu.memory_space<vmem>> -> memref<1x125xi32, #tpu.memory_space<vmem>>
      %dma_start3A_95 = tpu.memref_squeeze %dma_start3A_94 : memref<1x125xi32, #tpu.memory_space<vmem>> -> memref<125xi32, #tpu.memory_space<vmem>>
      %dma_start3A_96 = arith.constant 0 : i32
      %dma_start3A_97 = arith.constant 0 : i32
      %dma_start3A_98 = tpu.memref_slice %arg3[%dma_start3A_96, %dma_start3A_97] : memref<10000x32xbf16, #tpu.memory_space<hbm>> -> memref<10000x32xbf16, #tpu.memory_space<hbm>>
      %dma_start3A_99 = tpu.memref_slice %arg20[%dma_start3A_92] : memref<5x!tpu.dma_semaphore, #tpu.memory_space<semaphore_mem>> -> memref<1x!tpu.dma_semaphore, #tpu.memory_space<semaphore_mem>>
      %dma_start3A_100 = tpu.memref_squeeze %dma_start3A_99 : memref<1x!tpu.dma_semaphore, #tpu.memory_space<semaphore_mem>> -> memref<!tpu.dma_semaphore, #tpu.memory_space<semaphore_mem>>
      tpu.enqueue_indirect_dma source(%dma_start3A_98 : memref<10000x32xbf16, #tpu.memory_space<hbm>>) target(%arg14 : memref<125x32xbf16, #tpu.memory_space<vmem>>) offsets(%dma_start3A_95 : memref<125xi32, #tpu.memory_space<vmem>>) semaphore(%dma_start3A_100 : memref<!tpu.dma_semaphore, #tpu.memory_space<semaphore_mem>>)
      %add3A_101 = arith.constant 2 : i32
      %add3A_102 = arith.addi %mul3A_78, %add3A_101 : i32
      %dma_start3A_103 = arith.constant 2 : i32
      %dma_start3A_104 = arith.constant 0 : i32
      %dma_start3A_105 = tpu.memref_slice %arg6[%add3A_102, %dma_start3A_104] : memref<80x125xi32, #tpu.memory_space<vmem>> -> memref<1x125xi32, #tpu.memory_space<vmem>>
      %dma_start3A_106 = tpu.memref_squeeze %dma_start3A_105 : memref<1x125xi32, #tpu.memory_space<vmem>> -> memref<125xi32, #tpu.memory_space<vmem>>
      %dma_start3A_107 = arith.constant 0 : i32
      %dma_start3A_108 = arith.constant 0 : i32
      %dma_start3A_109 = tpu.memref_slice %arg3[%dma_start3A_107, %dma_start3A_108] : memref<10000x32xbf16, #tpu.memory_space<hbm>> -> memref<10000x32xbf16, #tpu.memory_space<hbm>>
      %dma_start3A_110 = tpu.memref_slice %arg20[%dma_start3A_103] : memref<5x!tpu.dma_semaphore, #tpu.memory_space<semaphore_mem>> -> memref<1x!tpu.dma_semaphore, #tpu.memory_space<semaphore_mem>>
      %dma_start3A_111 = tpu.memref_squeeze %dma_start3A_110 : memref<1x!tpu.dma_semaphore, #tpu.memory_space<semaphore_mem>> -> memref<!tpu.dma_semaphore, #tpu.memory_space<semaphore_mem>>
      tpu.enqueue_indirect_dma source(%dma_start3A_109 : memref<10000x32xbf16, #tpu.memory_space<hbm>>) target(%arg15 : memref<125x32xbf16, #tpu.memory_space<vmem>>) offsets(%dma_start3A_106 : memref<125xi32, #tpu.memory_space<vmem>>) semaphore(%dma_start3A_111 : memref<!tpu.dma_semaphore, #tpu.memory_space<semaphore_mem>>)
      %add3A_112 = arith.constant 3 : i32
      %add3A_113 = arith.addi %mul3A_78, %add3A_112 : i32
      %dma_start3A_114 = arith.constant 3 : i32
      %dma_start3A_115 = arith.constant 0 : i32
      %dma_start3A_116 = tpu.memref_slice %arg6[%add3A_113, %dma_start3A_115] : memref<80x125xi32, #tpu.memory_space<vmem>> -> memref<1x125xi32, #tpu.memory_space<vmem>>
      %dma_start3A_117 = tpu.memref_squeeze %dma_start3A_116 : memref<1x125xi32, #tpu.memory_space<vmem>> -> memref<125xi32, #tpu.memory_space<vmem>>
      %dma_start3A_118 = arith.constant 0 : i32
      %dma_start3A_119 = arith.constant 0 : i32
      %dma_start3A_120 = tpu.memref_slice %arg3[%dma_start3A_118, %dma_start3A_119] : memref<10000x32xbf16, #tpu.memory_space<hbm>> -> memref<10000x32xbf16, #tpu.memory_space<hbm>>
      %dma_start3A_121 = tpu.memref_slice %arg20[%dma_start3A_114] : memref<5x!tpu.dma_semaphore, #tpu.memory_space<semaphore_mem>> -> memref<1x!tpu.dma_semaphore, #tpu.memory_space<semaphore_mem>>
      %dma_start3A_122 = tpu.memref_squeeze %dma_start3A_121 : memref<1x!tpu.dma_semaphore, #tpu.memory_space<semaphore_mem>> -> memref<!tpu.dma_semaphore, #tpu.memory_space<semaphore_mem>>
      tpu.enqueue_indirect_dma source(%dma_start3A_120 : memref<10000x32xbf16, #tpu.memory_space<hbm>>) target(%arg16 : memref<125x32xbf16, #tpu.memory_space<vmem>>) offsets(%dma_start3A_117 : memref<125xi32, #tpu.memory_space<vmem>>) semaphore(%dma_start3A_122 : memref<!tpu.dma_semaphore, #tpu.memory_space<semaphore_mem>>)
      %add3A_123 = arith.constant 4 : i32
      %add3A_124 = arith.addi %mul3A_78, %add3A_123 : i32
      %dma_start3A_125 = arith.constant 4 : i32
      %dma_start3A_126 = arith.constant 0 : i32
      %dma_start3A_127 = tpu.memref_slice %arg6[%add3A_124, %dma_start3A_126] : memref<80x125xi32, #tpu.memory_space<vmem>> -> memref<1x125xi32, #tpu.memory_space<vmem>>
      %dma_start3A_128 = tpu.memref_squeeze %dma_start3A_127 : memref<1x125xi32, #tpu.memory_space<vmem>> -> memref<125xi32, #tpu.memory_space<vmem>>
      %dma_start3A_129 = arith.constant 0 : i32
      %dma_start3A_130 = arith.constant 0 : i32
      %dma_start3A_131 = tpu.memref_slice %arg3[%dma_start3A_129, %dma_start3A_130] : memref<10000x32xbf16, #tpu.memory_space<hbm>> -> memref<10000x32xbf16, #tpu.memory_space<hbm>>
      %dma_start3A_132 = tpu.memref_slice %arg20[%dma_start3A_125] : memref<5x!tpu.dma_semaphore, #tpu.memory_space<semaphore_mem>> -> memref<1x!tpu.dma_semaphore, #tpu.memory_space<semaphore_mem>>
      %dma_start3A_133 = tpu.memref_squeeze %dma_start3A_132 : memref<1x!tpu.dma_semaphore, #tpu.memory_space<semaphore_mem>> -> memref<!tpu.dma_semaphore, #tpu.memory_space<semaphore_mem>>
      tpu.enqueue_indirect_dma source(%dma_start3A_131 : memref<10000x32xbf16, #tpu.memory_space<hbm>>) target(%arg17 : memref<125x32xbf16, #tpu.memory_space<vmem>>) offsets(%dma_start3A_128 : memref<125xi32, #tpu.memory_space<vmem>>) semaphore(%dma_start3A_133 : memref<!tpu.dma_semaphore, #tpu.memory_space<semaphore_mem>>)
      %dma_wait3A = arith.constant 0 : i32
      %dma_wait3A_134 = arith.constant 0 : i32
      %dma_wait3A_135 = tpu.memref_slice %arg6[%add3A_22, %dma_wait3A_134] : memref<80x125xi32, #tpu.memory_space<vmem>> -> memref<1x125xi32, #tpu.memory_space<vmem>>
      %dma_wait3A_136 = tpu.memref_squeeze %dma_wait3A_135 : memref<1x125xi32, #tpu.memory_space<vmem>> -> memref<125xi32, #tpu.memory_space<vmem>>
      %dma_wait3A_137 = arith.constant 0 : i32
      %dma_wait3A_138 = arith.constant 0 : i32
      %dma_wait3A_139 = tpu.memref_slice %arg3[%dma_wait3A_137, %dma_wait3A_138] : memref<10000x32xbf16, #tpu.memory_space<hbm>> -> memref<10000x32xbf16, #tpu.memory_space<hbm>>
      %dma_wait3A_140 = tpu.memref_slice %arg19[%dma_wait3A] : memref<5x!tpu.dma_semaphore, #tpu.memory_space<semaphore_mem>> -> memref<1x!tpu.dma_semaphore, #tpu.memory_space<semaphore_mem>>
      %dma_wait3A_141 = tpu.memref_squeeze %dma_wait3A_140 : memref<1x!tpu.dma_semaphore, #tpu.memory_space<semaphore_mem>> -> memref<!tpu.dma_semaphore, #tpu.memory_space<semaphore_mem>>
      tpu.wait_indirect_dma semaphore(%dma_wait3A_141 : memref<!tpu.dma_semaphore, #tpu.memory_space<semaphore_mem>>) src(%dma_wait3A_139 : memref<10000x32xbf16, #tpu.memory_space<hbm>>) dst(%arg8 : memref<125x32xbf16, #tpu.memory_space<vmem>>)
      %dma_wait3A_142 = arith.constant 1 : i32
      %dma_wait3A_143 = arith.constant 0 : i32
      %dma_wait3A_144 = tpu.memref_slice %arg6[%add3A_32, %dma_wait3A_143] : memref<80x125xi32, #tpu.memory_space<vmem>> -> memref<1x125xi32, #tpu.memory_space<vmem>>
      %dma_wait3A_145 = tpu.memref_squeeze %dma_wait3A_144 : memref<1x125xi32, #tpu.memory_space<vmem>> -> memref<125xi32, #tpu.memory_space<vmem>>
      %dma_wait3A_146 = arith.constant 0 : i32
      %dma_wait3A_147 = arith.constant 0 : i32
      %dma_wait3A_148 = tpu.memref_slice %arg3[%dma_wait3A_146, %dma_wait3A_147] : memref<10000x32xbf16, #tpu.memory_space<hbm>> -> memref<10000x32xbf16, #tpu.memory_space<hbm>>
      %dma_wait3A_149 = tpu.memref_slice %arg19[%dma_wait3A_142] : memref<5x!tpu.dma_semaphore, #tpu.memory_space<semaphore_mem>> -> memref<1x!tpu.dma_semaphore, #tpu.memory_space<semaphore_mem>>
      %dma_wait3A_150 = tpu.memref_squeeze %dma_wait3A_149 : memref<1x!tpu.dma_semaphore, #tpu.memory_space<semaphore_mem>> -> memref<!tpu.dma_semaphore, #tpu.memory_space<semaphore_mem>>
      tpu.wait_indirect_dma semaphore(%dma_wait3A_150 : memref<!tpu.dma_semaphore, #tpu.memory_space<semaphore_mem>>) src(%dma_wait3A_148 : memref<10000x32xbf16, #tpu.memory_space<hbm>>) dst(%arg9 : memref<125x32xbf16, #tpu.memory_space<vmem>>)
      %dma_wait3A_151 = arith.constant 2 : i32
      %dma_wait3A_152 = arith.constant 0 : i32
      %dma_wait3A_153 = tpu.memref_slice %arg6[%add3A_43, %dma_wait3A_152] : memref<80x125xi32, #tpu.memory_space<vmem>> -> memref<1x125xi32, #tpu.memory_space<vmem>>
      %dma_wait3A_154 = tpu.memref_squeeze %dma_wait3A_153 : memref<1x125xi32, #tpu.memory_space<vmem>> -> memref<125xi32, #tpu.memory_space<vmem>>
      %dma_wait3A_155 = arith.constant 0 : i32
      %dma_wait3A_156 = arith.constant 0 : i32
      %dma_wait3A_157 = tpu.memref_slice %arg3[%dma_wait3A_155, %dma_wait3A_156] : memref<10000x32xbf16, #tpu.memory_space<hbm>> -> memref<10000x32xbf16, #tpu.memory_space<hbm>>
      %dma_wait3A_158 = tpu.memref_slice %arg19[%dma_wait3A_151] : memref<5x!tpu.dma_semaphore, #tpu.memory_space<semaphore_mem>> -> memref<1x!tpu.dma_semaphore, #tpu.memory_space<semaphore_mem>>
      %dma_wait3A_159 = tpu.memref_squeeze %dma_wait3A_158 : memref<1x!tpu.dma_semaphore, #tpu.memory_space<semaphore_mem>> -> memref<!tpu.dma_semaphore, #tpu.memory_space<semaphore_mem>>
      tpu.wait_indirect_dma semaphore(%dma_wait3A_159 : memref<!tpu.dma_semaphore, #tpu.memory_space<semaphore_mem>>) src(%dma_wait3A_157 : memref<10000x32xbf16, #tpu.memory_space<hbm>>) dst(%arg10 : memref<125x32xbf16, #tpu.memory_space<vmem>>)
      %dma_wait3A_160 = arith.constant 3 : i32
      %dma_wait3A_161 = arith.constant 0 : i32
      %dma_wait3A_162 = tpu.memref_slice %arg6[%add3A_54, %dma_wait3A_161] : memref<80x125xi32, #tpu.memory_space<vmem>> -> memref<1x125xi32, #tpu.memory_space<vmem>>
      %dma_wait3A_163 = tpu.memref_squeeze %dma_wait3A_162 : memref<1x125xi32, #tpu.memory_space<vmem>> -> memref<125xi32, #tpu.memory_space<vmem>>
      %dma_wait3A_164 = arith.constant 0 : i32
      %dma_wait3A_165 = arith.constant 0 : i32
      %dma_wait3A_166 = tpu.memref_slice %arg3[%dma_wait3A_164, %dma_wait3A_165] : memref<10000x32xbf16, #tpu.memory_space<hbm>> -> memref<10000x32xbf16, #tpu.memory_space<hbm>>
      %dma_wait3A_167 = tpu.memref_slice %arg19[%dma_wait3A_160] : memref<5x!tpu.dma_semaphore, #tpu.memory_space<semaphore_mem>> -> memref<1x!tpu.dma_semaphore, #tpu.memory_space<semaphore_mem>>
      %dma_wait3A_168 = tpu.memref_squeeze %dma_wait3A_167 : memref<1x!tpu.dma_semaphore, #tpu.memory_space<semaphore_mem>> -> memref<!tpu.dma_semaphore, #tpu.memory_space<semaphore_mem>>
      tpu.wait_indirect_dma semaphore(%dma_wait3A_168 : memref<!tpu.dma_semaphore, #tpu.memory_space<semaphore_mem>>) src(%dma_wait3A_166 : memref<10000x32xbf16, #tpu.memory_space<hbm>>) dst(%arg11 : memref<125x32xbf16, #tpu.memory_space<vmem>>)
      %dma_wait3A_169 = arith.constant 4 : i32
      %dma_wait3A_170 = arith.constant 0 : i32
      %dma_wait3A_171 = tpu.memref_slice %arg6[%add3A_65, %dma_wait3A_170] : memref<80x125xi32, #tpu.memory_space<vmem>> -> memref<1x125xi32, #tpu.memory_space<vmem>>
      %dma_wait3A_172 = tpu.memref_squeeze %dma_wait3A_171 : memref<1x125xi32, #tpu.memory_space<vmem>> -> memref<125xi32, #tpu.memory_space<vmem>>
      %dma_wait3A_173 = arith.constant 0 : i32
      %dma_wait3A_174 = arith.constant 0 : i32
      %dma_wait3A_175 = tpu.memref_slice %arg3[%dma_wait3A_173, %dma_wait3A_174] : memref<10000x32xbf16, #tpu.memory_space<hbm>> -> memref<10000x32xbf16, #tpu.memory_space<hbm>>
      %dma_wait3A_176 = tpu.memref_slice %arg19[%dma_wait3A_169] : memref<5x!tpu.dma_semaphore, #tpu.memory_space<semaphore_mem>> -> memref<1x!tpu.dma_semaphore, #tpu.memory_space<semaphore_mem>>
      %dma_wait3A_177 = tpu.memref_squeeze %dma_wait3A_176 : memref<1x!tpu.dma_semaphore, #tpu.memory_space<semaphore_mem>> -> memref<!tpu.dma_semaphore, #tpu.memory_space<semaphore_mem>>
      tpu.wait_indirect_dma semaphore(%dma_wait3A_177 : memref<!tpu.dma_semaphore, #tpu.memory_space<semaphore_mem>>) src(%dma_wait3A_175 : memref<10000x32xbf16, #tpu.memory_space<hbm>>) dst(%arg12 : memref<125x32xbf16, #tpu.memory_space<vmem>>)
      %mul3A_178 = arith.constant 5 : i32
      %mul3A_179 = arith.muli %mul3A_18, %mul3A_178 : i32
      %add3A_180 = arith.constant 0 : i32
      %add3A_181 = arith.addi %mul3A_179, %add3A_180 : i32
      %dma_start3A_182 = arith.constant 0 : i32
      %dma_start3A_183 = arith.constant 0 : i32
      %dma_start3A_184 = tpu.memref_slice %arg7[%add3A_181, %dma_start3A_183] : memref<80x125xi32, #tpu.memory_space<vmem>> -> memref<1x125xi32, #tpu.memory_space<vmem>>
      %dma_start3A_185 = tpu.memref_squeeze %dma_start3A_184 : memref<1x125xi32, #tpu.memory_space<vmem>> -> memref<125xi32, #tpu.memory_space<vmem>>
      %dma_start3A_186 = arith.constant 0 : i32
      %dma_start3A_187 = arith.constant 0 : i32
      %dma_start3A_188 = tpu.memref_slice %arg18[%dma_start3A_186, %dma_start3A_187] : memref<10240x32xbf16, #tpu.memory_space<vmem_shared>> -> memref<10240x32xbf16, #tpu.memory_space<vmem_shared>>
      %dma_start3A_189 = tpu.memref_slice %arg21[%dma_start3A_182] : memref<5x!tpu.dma_semaphore, #tpu.memory_space<semaphore_mem>> -> memref<1x!tpu.dma_semaphore, #tpu.memory_space<semaphore_mem>>
      %dma_start3A_190 = tpu.memref_squeeze %dma_start3A_189 : memref<1x!tpu.dma_semaphore, #tpu.memory_space<semaphore_mem>> -> memref<!tpu.dma_semaphore, #tpu.memory_space<semaphore_mem>>
      tpu.enqueue_indirect_dma source(%arg8 : memref<125x32xbf16, #tpu.memory_space<vmem>>) target(%dma_start3A_188 : memref<10240x32xbf16, #tpu.memory_space<vmem_shared>>) offsets(%dma_start3A_185 : memref<125xi32, #tpu.memory_space<vmem>>) semaphore(%dma_start3A_190 : memref<!tpu.dma_semaphore, #tpu.memory_space<semaphore_mem>>) {add = true}
      %add3A_191 = arith.constant 1 : i32
      %add3A_192 = arith.addi %mul3A_179, %add3A_191 : i32
      %dma_start3A_193 = arith.constant 1 : i32
      %dma_start3A_194 = arith.constant 0 : i32
      %dma_start3A_195 = tpu.memref_slice %arg7[%add3A_192, %dma_start3A_194] : memref<80x125xi32, #tpu.memory_space<vmem>> -> memref<1x125xi32, #tpu.memory_space<vmem>>
      %dma_start3A_196 = tpu.memref_squeeze %dma_start3A_195 : memref<1x125xi32, #tpu.memory_space<vmem>> -> memref<125xi32, #tpu.memory_space<vmem>>
      %dma_start3A_197 = arith.constant 0 : i32
      %dma_start3A_198 = arith.constant 0 : i32
      %dma_start3A_199 = tpu.memref_slice %arg18[%dma_start3A_197, %dma_start3A_198] : memref<10240x32xbf16, #tpu.memory_space<vmem_shared>> -> memref<10240x32xbf16, #tpu.memory_space<vmem_shared>>
      %dma_start3A_200 = tpu.memref_slice %arg21[%dma_start3A_193] : memref<5x!tpu.dma_semaphore, #tpu.memory_space<semaphore_mem>> -> memref<1x!tpu.dma_semaphore, #tpu.memory_space<semaphore_mem>>
      %dma_start3A_201 = tpu.memref_squeeze %dma_start3A_200 : memref<1x!tpu.dma_semaphore, #tpu.memory_space<semaphore_mem>> -> memref<!tpu.dma_semaphore, #tpu.memory_space<semaphore_mem>>
      tpu.enqueue_indirect_dma source(%arg9 : memref<125x32xbf16, #tpu.memory_space<vmem>>) target(%dma_start3A_199 : memref<10240x32xbf16, #tpu.memory_space<vmem_shared>>) offsets(%dma_start3A_196 : memref<125xi32, #tpu.memory_space<vmem>>) semaphore(%dma_start3A_201 : memref<!tpu.dma_semaphore, #tpu.memory_space<semaphore_mem>>) {add = true}
      %add3A_202 = arith.constant 2 : i32
      %add3A_203 = arith.addi %mul3A_179, %add3A_202 : i32
      %dma_start3A_204 = arith.constant 2 : i32
      %dma_start3A_205 = arith.constant 0 : i32
      %dma_start3A_206 = tpu.memref_slice %arg7[%add3A_203, %dma_start3A_205] : memref<80x125xi32, #tpu.memory_space<vmem>> -> memref<1x125xi32, #tpu.memory_space<vmem>>
      %dma_start3A_207 = tpu.memref_squeeze %dma_start3A_206 : memref<1x125xi32, #tpu.memory_space<vmem>> -> memref<125xi32, #tpu.memory_space<vmem>>
      %dma_start3A_208 = arith.constant 0 : i32
      %dma_start3A_209 = arith.constant 0 : i32
      %dma_start3A_210 = tpu.memref_slice %arg18[%dma_start3A_208, %dma_start3A_209] : memref<10240x32xbf16, #tpu.memory_space<vmem_shared>> -> memref<10240x32xbf16, #tpu.memory_space<vmem_shared>>
      %dma_start3A_211 = tpu.memref_slice %arg21[%dma_start3A_204] : memref<5x!tpu.dma_semaphore, #tpu.memory_space<semaphore_mem>> -> memref<1x!tpu.dma_semaphore, #tpu.memory_space<semaphore_mem>>
      %dma_start3A_212 = tpu.memref_squeeze %dma_start3A_211 : memref<1x!tpu.dma_semaphore, #tpu.memory_space<semaphore_mem>> -> memref<!tpu.dma_semaphore, #tpu.memory_space<semaphore_mem>>
      tpu.enqueue_indirect_dma source(%arg10 : memref<125x32xbf16, #tpu.memory_space<vmem>>) target(%dma_start3A_210 : memref<10240x32xbf16, #tpu.memory_space<vmem_shared>>) offsets(%dma_start3A_207 : memref<125xi32, #tpu.memory_space<vmem>>) semaphore(%dma_start3A_212 : memref<!tpu.dma_semaphore, #tpu.memory_space<semaphore_mem>>) {add = true}
      %add3A_213 = arith.constant 3 : i32
      %add3A_214 = arith.addi %mul3A_179, %add3A_213 : i32
      %dma_start3A_215 = arith.constant 3 : i32
      %dma_start3A_216 = arith.constant 0 : i32
      %dma_start3A_217 = tpu.memref_slice %arg7[%add3A_214, %dma_start3A_216] : memref<80x125xi32, #tpu.memory_space<vmem>> -> memref<1x125xi32, #tpu.memory_space<vmem>>
      %dma_start3A_218 = tpu.memref_squeeze %dma_start3A_217 : memref<1x125xi32, #tpu.memory_space<vmem>> -> memref<125xi32, #tpu.memory_space<vmem>>
      %dma_start3A_219 = arith.constant 0 : i32
      %dma_start3A_220 = arith.constant 0 : i32
      %dma_start3A_221 = tpu.memref_slice %arg18[%dma_start3A_219, %dma_start3A_220] : memref<10240x32xbf16, #tpu.memory_space<vmem_shared>> -> memref<10240x32xbf16, #tpu.memory_space<vmem_shared>>
      %dma_start3A_222 = tpu.memref_slice %arg21[%dma_start3A_215] : memref<5x!tpu.dma_semaphore, #tpu.memory_space<semaphore_mem>> -> memref<1x!tpu.dma_semaphore, #tpu.memory_space<semaphore_mem>>
      %dma_start3A_223 = tpu.memref_squeeze %dma_start3A_222 : memref<1x!tpu.dma_semaphore, #tpu.memory_space<semaphore_mem>> -> memref<!tpu.dma_semaphore, #tpu.memory_space<semaphore_mem>>
      tpu.enqueue_indirect_dma source(%arg11 : memref<125x32xbf16, #tpu.memory_space<vmem>>) target(%dma_start3A_221 : memref<10240x32xbf16, #tpu.memory_space<vmem_shared>>) offsets(%dma_start3A_218 : memref<125xi32, #tpu.memory_space<vmem>>) semaphore(%dma_start3A_223 : memref<!tpu.dma_semaphore, #tpu.memory_space<semaphore_mem>>) {add = true}
      %add3A_224 = arith.constant 4 : i32
      %add3A_225 = arith.addi %mul3A_179, %add3A_224 : i32
      %dma_start3A_226 = arith.constant 4 : i32
      %dma_start3A_227 = arith.constant 0 : i32
      %dma_start3A_228 = tpu.memref_slice %arg7[%add3A_225, %dma_start3A_227] : memref<80x125xi32, #tpu.memory_space<vmem>> -> memref<1x125xi32, #tpu.memory_space<vmem>>
      %dma_start3A_229 = tpu.memref_squeeze %dma_start3A_228 : memref<1x125xi32, #tpu.memory_space<vmem>> -> memref<125xi32, #tpu.memory_space<vmem>>
      %dma_start3A_230 = arith.constant 0 : i32
      %dma_start3A_231 = arith.constant 0 : i32
      %dma_start3A_232 = tpu.memref_slice %arg18[%dma_start3A_230, %dma_start3A_231] : memref<10240x32xbf16, #tpu.memory_space<vmem_shared>> -> memref<10240x32xbf16, #tpu.memory_space<vmem_shared>>
      %dma_start3A_233 = tpu.memref_slice %arg21[%dma_start3A_226] : memref<5x!tpu.dma_semaphore, #tpu.memory_space<semaphore_mem>> -> memref<1x!tpu.dma_semaphore, #tpu.memory_space<semaphore_mem>>
      %dma_start3A_234 = tpu.memref_squeeze %dma_start3A_233 : memref<1x!tpu.dma_semaphore, #tpu.memory_space<semaphore_mem>> -> memref<!tpu.dma_semaphore, #tpu.memory_space<semaphore_mem>>
      tpu.enqueue_indirect_dma source(%arg12 : memref<125x32xbf16, #tpu.memory_space<vmem>>) target(%dma_start3A_232 : memref<10240x32xbf16, #tpu.memory_space<vmem_shared>>) offsets(%dma_start3A_229 : memref<125xi32, #tpu.memory_space<vmem>>) semaphore(%dma_start3A_234 : memref<!tpu.dma_semaphore, #tpu.memory_space<semaphore_mem>>) {add = true}
      %dma_wait3A_235 = arith.constant 0 : i32
      %dma_wait3A_236 = arith.constant 0 : i32
      %dma_wait3A_237 = tpu.memref_slice %arg6[%add3A_80, %dma_wait3A_236] : memref<80x125xi32, #tpu.memory_space<vmem>> -> memref<1x125xi32, #tpu.memory_space<vmem>>
      %dma_wait3A_238 = tpu.memref_squeeze %dma_wait3A_237 : memref<1x125xi32, #tpu.memory_space<vmem>> -> memref<125xi32, #tpu.memory_space<vmem>>
      %dma_wait3A_239 = arith.constant 0 : i32
      %dma_wait3A_240 = arith.constant 0 : i32
      %dma_wait3A_241 = tpu.memref_slice %arg3[%dma_wait3A_239, %dma_wait3A_240] : memref<10000x32xbf16, #tpu.memory_space<hbm>> -> memref<10000x32xbf16, #tpu.memory_space<hbm>>
      %dma_wait3A_242 = tpu.memref_slice %arg20[%dma_wait3A_235] : memref<5x!tpu.dma_semaphore, #tpu.memory_space<semaphore_mem>> -> memref<1x!tpu.dma_semaphore, #tpu.memory_space<semaphore_mem>>
      %dma_wait3A_243 = tpu.memref_squeeze %dma_wait3A_242 : memref<1x!tpu.dma_semaphore, #tpu.memory_space<semaphore_mem>> -> memref<!tpu.dma_semaphore, #tpu.memory_space<semaphore_mem>>
      tpu.wait_indirect_dma semaphore(%dma_wait3A_243 : memref<!tpu.dma_semaphore, #tpu.memory_space<semaphore_mem>>) src(%dma_wait3A_241 : memref<10000x32xbf16, #tpu.memory_space<hbm>>) dst(%arg13 : memref<125x32xbf16, #tpu.memory_space<vmem>>)
      %dma_wait3A_244 = arith.constant 1 : i32
      %dma_wait3A_245 = arith.constant 0 : i32
      %dma_wait3A_246 = tpu.memref_slice %arg6[%add3A_91, %dma_wait3A_245] : memref<80x125xi32, #tpu.memory_space<vmem>> -> memref<1x125xi32, #tpu.memory_space<vmem>>
      %dma_wait3A_247 = tpu.memref_squeeze %dma_wait3A_246 : memref<1x125xi32, #tpu.memory_space<vmem>> -> memref<125xi32, #tpu.memory_space<vmem>>
      %dma_wait3A_248 = arith.constant 0 : i32
      %dma_wait3A_249 = arith.constant 0 : i32
      %dma_wait3A_250 = tpu.memref_slice %arg3[%dma_wait3A_248, %dma_wait3A_249] : memref<10000x32xbf16, #tpu.memory_space<hbm>> -> memref<10000x32xbf16, #tpu.memory_space<hbm>>
      %dma_wait3A_251 = tpu.memref_slice %arg20[%dma_wait3A_244] : memref<5x!tpu.dma_semaphore, #tpu.memory_space<semaphore_mem>> -> memref<1x!tpu.dma_semaphore, #tpu.memory_space<semaphore_mem>>
      %dma_wait3A_252 = tpu.memref_squeeze %dma_wait3A_251 : memref<1x!tpu.dma_semaphore, #tpu.memory_space<semaphore_mem>> -> memref<!tpu.dma_semaphore, #tpu.memory_space<semaphore_mem>>
      tpu.wait_indirect_dma semaphore(%dma_wait3A_252 : memref<!tpu.dma_semaphore, #tpu.memory_space<semaphore_mem>>) src(%dma_wait3A_250 : memref<10000x32xbf16, #tpu.memory_space<hbm>>) dst(%arg14 : memref<125x32xbf16, #tpu.memory_space<vmem>>)
      %dma_wait3A_253 = arith.constant 2 : i32
      %dma_wait3A_254 = arith.constant 0 : i32
      %dma_wait3A_255 = tpu.memref_slice %arg6[%add3A_102, %dma_wait3A_254] : memref<80x125xi32, #tpu.memory_space<vmem>> -> memref<1x125xi32, #tpu.memory_space<vmem>>
      %dma_wait3A_256 = tpu.memref_squeeze %dma_wait3A_255 : memref<1x125xi32, #tpu.memory_space<vmem>> -> memref<125xi32, #tpu.memory_space<vmem>>
      %dma_wait3A_257 = arith.constant 0 : i32
      %dma_wait3A_258 = arith.constant 0 : i32
      %dma_wait3A_259 = tpu.memref_slice %arg3[%dma_wait3A_257, %dma_wait3A_258] : memref<10000x32xbf16, #tpu.memory_space<hbm>> -> memref<10000x32xbf16, #tpu.memory_space<hbm>>
      %dma_wait3A_260 = tpu.memref_slice %arg20[%dma_wait3A_253] : memref<5x!tpu.dma_semaphore, #tpu.memory_space<semaphore_mem>> -> memref<1x!tpu.dma_semaphore, #tpu.memory_space<semaphore_mem>>
      %dma_wait3A_261 = tpu.memref_squeeze %dma_wait3A_260 : memref<1x!tpu.dma_semaphore, #tpu.memory_space<semaphore_mem>> -> memref<!tpu.dma_semaphore, #tpu.memory_space<semaphore_mem>>
      tpu.wait_indirect_dma semaphore(%dma_wait3A_261 : memref<!tpu.dma_semaphore, #tpu.memory_space<semaphore_mem>>) src(%dma_wait3A_259 : memref<10000x32xbf16, #tpu.memory_space<hbm>>) dst(%arg15 : memref<125x32xbf16, #tpu.memory_space<vmem>>)
      %dma_wait3A_262 = arith.constant 3 : i32
      %dma_wait3A_263 = arith.constant 0 : i32
      %dma_wait3A_264 = tpu.memref_slice %arg6[%add3A_113, %dma_wait3A_263] : memref<80x125xi32, #tpu.memory_space<vmem>> -> memref<1x125xi32, #tpu.memory_space<vmem>>
      %dma_wait3A_265 = tpu.memref_squeeze %dma_wait3A_264 : memref<1x125xi32, #tpu.memory_space<vmem>> -> memref<125xi32, #tpu.memory_space<vmem>>
      %dma_wait3A_266 = arith.constant 0 : i32
      %dma_wait3A_267 = arith.constant 0 : i32
      %dma_wait3A_268 = tpu.memref_slice %arg3[%dma_wait3A_266, %dma_wait3A_267] : memref<10000x32xbf16, #tpu.memory_space<hbm>> -> memref<10000x32xbf16, #tpu.memory_space<hbm>>
      %dma_wait3A_269 = tpu.memref_slice %arg20[%dma_wait3A_262] : memref<5x!tpu.dma_semaphore, #tpu.memory_space<semaphore_mem>> -> memref<1x!tpu.dma_semaphore, #tpu.memory_space<semaphore_mem>>
      %dma_wait3A_270 = tpu.memref_squeeze %dma_wait3A_269 : memref<1x!tpu.dma_semaphore, #tpu.memory_space<semaphore_mem>> -> memref<!tpu.dma_semaphore, #tpu.memory_space<semaphore_mem>>
      tpu.wait_indirect_dma semaphore(%dma_wait3A_270 : memref<!tpu.dma_semaphore, #tpu.memory_space<semaphore_mem>>) src(%dma_wait3A_268 : memref<10000x32xbf16, #tpu.memory_space<hbm>>) dst(%arg16 : memref<125x32xbf16, #tpu.memory_space<vmem>>)
      %dma_wait3A_271 = arith.constant 4 : i32
      %dma_wait3A_272 = arith.constant 0 : i32
      %dma_wait3A_273 = tpu.memref_slice %arg6[%add3A_124, %dma_wait3A_272] : memref<80x125xi32, #tpu.memory_space<vmem>> -> memref<1x125xi32, #tpu.memory_space<vmem>>
      %dma_wait3A_274 = tpu.memref_squeeze %dma_wait3A_273 : memref<1x125xi32, #tpu.memory_space<vmem>> -> memref<125xi32, #tpu.memory_space<vmem>>
      %dma_wait3A_275 = arith.constant 0 : i32
      %dma_wait3A_276 = arith.constant 0 : i32
      %dma_wait3A_277 = tpu.memref_slice %arg3[%dma_wait3A_275, %dma_wait3A_276] : memref<10000x32xbf16, #tpu.memory_space<hbm>> -> memref<10000x32xbf16, #tpu.memory_space<hbm>>
      %dma_wait3A_278 = tpu.memref_slice %arg20[%dma_wait3A_271] : memref<5x!tpu.dma_semaphore, #tpu.memory_space<semaphore_mem>> -> memref<1x!tpu.dma_semaphore, #tpu.memory_space<semaphore_mem>>
      %dma_wait3A_279 = tpu.memref_squeeze %dma_wait3A_278 : memref<1x!tpu.dma_semaphore, #tpu.memory_space<semaphore_mem>> -> memref<!tpu.dma_semaphore, #tpu.memory_space<semaphore_mem>>
      tpu.wait_indirect_dma semaphore(%dma_wait3A_279 : memref<!tpu.dma_semaphore, #tpu.memory_space<semaphore_mem>>) src(%dma_wait3A_277 : memref<10000x32xbf16, #tpu.memory_space<hbm>>) dst(%arg17 : memref<125x32xbf16, #tpu.memory_space<vmem>>)
      %add3A_280 = arith.constant 1 : i32
      %add3A_281 = arith.addi %mul3A_18, %add3A_280 : i32
      %mul3A_282 = arith.constant 5 : i32
      %mul3A_283 = arith.muli %add3A_281, %mul3A_282 : i32
      %add3A_284 = arith.constant 0 : i32
      %add3A_285 = arith.addi %mul3A_283, %add3A_284 : i32
      %dma_start3A_286 = arith.constant 0 : i32
      %dma_start3A_287 = arith.constant 0 : i32
      %dma_start3A_288 = tpu.memref_slice %arg7[%add3A_285, %dma_start3A_287] : memref<80x125xi32, #tpu.memory_space<vmem>> -> memref<1x125xi32, #tpu.memory_space<vmem>>
      %dma_start3A_289 = tpu.memref_squeeze %dma_start3A_288 : memref<1x125xi32, #tpu.memory_space<vmem>> -> memref<125xi32, #tpu.memory_space<vmem>>
      %dma_start3A_290 = arith.constant 0 : i32
      %dma_start3A_291 = arith.constant 0 : i32
      %dma_start3A_292 = tpu.memref_slice %arg18[%dma_start3A_290, %dma_start3A_291] : memref<10240x32xbf16, #tpu.memory_space<vmem_shared>> -> memref<10240x32xbf16, #tpu.memory_space<vmem_shared>>
      %dma_start3A_293 = tpu.memref_slice %arg22[%dma_start3A_286] : memref<5x!tpu.dma_semaphore, #tpu.memory_space<semaphore_mem>> -> memref<1x!tpu.dma_semaphore, #tpu.memory_space<semaphore_mem>>
      %dma_start3A_294 = tpu.memref_squeeze %dma_start3A_293 : memref<1x!tpu.dma_semaphore, #tpu.memory_space<semaphore_mem>> -> memref<!tpu.dma_semaphore, #tpu.memory_space<semaphore_mem>>
      tpu.enqueue_indirect_dma source(%arg13 : memref<125x32xbf16, #tpu.memory_space<vmem>>) target(%dma_start3A_292 : memref<10240x32xbf16, #tpu.memory_space<vmem_shared>>) offsets(%dma_start3A_289 : memref<125xi32, #tpu.memory_space<vmem>>) semaphore(%dma_start3A_294 : memref<!tpu.dma_semaphore, #tpu.memory_space<semaphore_mem>>) {add = true}
      %add3A_295 = arith.constant 1 : i32
      %add3A_296 = arith.addi %mul3A_283, %add3A_295 : i32
      %dma_start3A_297 = arith.constant 1 : i32
      %dma_start3A_298 = arith.constant 0 : i32
      %dma_start3A_299 = tpu.memref_slice %arg7[%add3A_296, %dma_start3A_298] : memref<80x125xi32, #tpu.memory_space<vmem>> -> memref<1x125xi32, #tpu.memory_space<vmem>>
      %dma_start3A_300 = tpu.memref_squeeze %dma_start3A_299 : memref<1x125xi32, #tpu.memory_space<vmem>> -> memref<125xi32, #tpu.memory_space<vmem>>
      %dma_start3A_301 = arith.constant 0 : i32
      %dma_start3A_302 = arith.constant 0 : i32
      %dma_start3A_303 = tpu.memref_slice %arg18[%dma_start3A_301, %dma_start3A_302] : memref<10240x32xbf16, #tpu.memory_space<vmem_shared>> -> memref<10240x32xbf16, #tpu.memory_space<vmem_shared>>
      %dma_start3A_304 = tpu.memref_slice %arg22[%dma_start3A_297] : memref<5x!tpu.dma_semaphore, #tpu.memory_space<semaphore_mem>> -> memref<1x!tpu.dma_semaphore, #tpu.memory_space<semaphore_mem>>
      %dma_start3A_305 = tpu.memref_squeeze %dma_start3A_304 : memref<1x!tpu.dma_semaphore, #tpu.memory_space<semaphore_mem>> -> memref<!tpu.dma_semaphore, #tpu.memory_space<semaphore_mem>>
      tpu.enqueue_indirect_dma source(%arg14 : memref<125x32xbf16, #tpu.memory_space<vmem>>) target(%dma_start3A_303 : memref<10240x32xbf16, #tpu.memory_space<vmem_shared>>) offsets(%dma_start3A_300 : memref<125xi32, #tpu.memory_space<vmem>>) semaphore(%dma_start3A_305 : memref<!tpu.dma_semaphore, #tpu.memory_space<semaphore_mem>>) {add = true}
      %add3A_306 = arith.constant 2 : i32
      %add3A_307 = arith.addi %mul3A_283, %add3A_306 : i32
      %dma_start3A_308 = arith.constant 2 : i32
      %dma_start3A_309 = arith.constant 0 : i32
      %dma_start3A_310 = tpu.memref_slice %arg7[%add3A_307, %dma_start3A_309] : memref<80x125xi32, #tpu.memory_space<vmem>> -> memref<1x125xi32, #tpu.memory_space<vmem>>
      %dma_start3A_311 = tpu.memref_squeeze %dma_start3A_310 : memref<1x125xi32, #tpu.memory_space<vmem>> -> memref<125xi32, #tpu.memory_space<vmem>>
      %dma_start3A_312 = arith.constant 0 : i32
      %dma_start3A_313 = arith.constant 0 : i32
      %dma_start3A_314 = tpu.memref_slice %arg18[%dma_start3A_312, %dma_start3A_313] : memref<10240x32xbf16, #tpu.memory_space<vmem_shared>> -> memref<10240x32xbf16, #tpu.memory_space<vmem_shared>>
      %dma_start3A_315 = tpu.memref_slice %arg22[%dma_start3A_308] : memref<5x!tpu.dma_semaphore, #tpu.memory_space<semaphore_mem>> -> memref<1x!tpu.dma_semaphore, #tpu.memory_space<semaphore_mem>>
      %dma_start3A_316 = tpu.memref_squeeze %dma_start3A_315 : memref<1x!tpu.dma_semaphore, #tpu.memory_space<semaphore_mem>> -> memref<!tpu.dma_semaphore, #tpu.memory_space<semaphore_mem>>
      tpu.enqueue_indirect_dma source(%arg15 : memref<125x32xbf16, #tpu.memory_space<vmem>>) target(%dma_start3A_314 : memref<10240x32xbf16, #tpu.memory_space<vmem_shared>>) offsets(%dma_start3A_311 : memref<125xi32, #tpu.memory_space<vmem>>) semaphore(%dma_start3A_316 : memref<!tpu.dma_semaphore, #tpu.memory_space<semaphore_mem>>) {add = true}
      %add3A_317 = arith.constant 3 : i32
      %add3A_318 = arith.addi %mul3A_283, %add3A_317 : i32
      %dma_start3A_319 = arith.constant 3 : i32
      %dma_start3A_320 = arith.constant 0 : i32
      %dma_start3A_321 = tpu.memref_slice %arg7[%add3A_318, %dma_start3A_320] : memref<80x125xi32, #tpu.memory_space<vmem>> -> memref<1x125xi32, #tpu.memory_space<vmem>>
      %dma_start3A_322 = tpu.memref_squeeze %dma_start3A_321 : memref<1x125xi32, #tpu.memory_space<vmem>> -> memref<125xi32, #tpu.memory_space<vmem>>
      %dma_start3A_323 = arith.constant 0 : i32
      %dma_start3A_324 = arith.constant 0 : i32
      %dma_start3A_325 = tpu.memref_slice %arg18[%dma_start3A_323, %dma_start3A_324] : memref<10240x32xbf16, #tpu.memory_space<vmem_shared>> -> memref<10240x32xbf16, #tpu.memory_space<vmem_shared>>
      %dma_start3A_326 = tpu.memref_slice %arg22[%dma_start3A_319] : memref<5x!tpu.dma_semaphore, #tpu.memory_space<semaphore_mem>> -> memref<1x!tpu.dma_semaphore, #tpu.memory_space<semaphore_mem>>
      %dma_start3A_327 = tpu.memref_squeeze %dma_start3A_326 : memref<1x!tpu.dma_semaphore, #tpu.memory_space<semaphore_mem>> -> memref<!tpu.dma_semaphore, #tpu.memory_space<semaphore_mem>>
      tpu.enqueue_indirect_dma source(%arg16 : memref<125x32xbf16, #tpu.memory_space<vmem>>) target(%dma_start3A_325 : memref<10240x32xbf16, #tpu.memory_space<vmem_shared>>) offsets(%dma_start3A_322 : memref<125xi32, #tpu.memory_space<vmem>>) semaphore(%dma_start3A_327 : memref<!tpu.dma_semaphore, #tpu.memory_space<semaphore_mem>>) {add = true}
      %add3A_328 = arith.constant 4 : i32
      %add3A_329 = arith.addi %mul3A_283, %add3A_328 : i32
      %dma_start3A_330 = arith.constant 4 : i32
      %dma_start3A_331 = arith.constant 0 : i32
      %dma_start3A_332 = tpu.memref_slice %arg7[%add3A_329, %dma_start3A_331] : memref<80x125xi32, #tpu.memory_space<vmem>> -> memref<1x125xi32, #tpu.memory_space<vmem>>
      %dma_start3A_333 = tpu.memref_squeeze %dma_start3A_332 : memref<1x125xi32, #tpu.memory_space<vmem>> -> memref<125xi32, #tpu.memory_space<vmem>>
      %dma_start3A_334 = arith.constant 0 : i32
      %dma_start3A_335 = arith.constant 0 : i32
      %dma_start3A_336 = tpu.memref_slice %arg18[%dma_start3A_334, %dma_start3A_335] : memref<10240x32xbf16, #tpu.memory_space<vmem_shared>> -> memref<10240x32xbf16, #tpu.memory_space<vmem_shared>>
      %dma_start3A_337 = tpu.memref_slice %arg22[%dma_start3A_330] : memref<5x!tpu.dma_semaphore, #tpu.memory_space<semaphore_mem>> -> memref<1x!tpu.dma_semaphore, #tpu.memory_space<semaphore_mem>>
      %dma_start3A_338 = tpu.memref_squeeze %dma_start3A_337 : memref<1x!tpu.dma_semaphore, #tpu.memory_space<semaphore_mem>> -> memref<!tpu.dma_semaphore, #tpu.memory_space<semaphore_mem>>
      tpu.enqueue_indirect_dma source(%arg17 : memref<125x32xbf16, #tpu.memory_space<vmem>>) target(%dma_start3A_336 : memref<10240x32xbf16, #tpu.memory_space<vmem_shared>>) offsets(%dma_start3A_333 : memref<125xi32, #tpu.memory_space<vmem>>) semaphore(%dma_start3A_338 : memref<!tpu.dma_semaphore, #tpu.memory_space<semaphore_mem>>) {add = true}
      %dma_wait3A_339 = arith.constant 0 : i32
      %dma_wait3A_340 = arith.constant 0 : i32
      %dma_wait3A_341 = tpu.memref_slice %arg7[%add3A_181, %dma_wait3A_340] : memref<80x125xi32, #tpu.memory_space<vmem>> -> memref<1x125xi32, #tpu.memory_space<vmem>>
      %dma_wait3A_342 = tpu.memref_squeeze %dma_wait3A_341 : memref<1x125xi32, #tpu.memory_space<vmem>> -> memref<125xi32, #tpu.memory_space<vmem>>
      %dma_wait3A_343 = arith.constant 0 : i32
      %dma_wait3A_344 = arith.constant 0 : i32
      %dma_wait3A_345 = tpu.memref_slice %arg18[%dma_wait3A_343, %dma_wait3A_344] : memref<10240x32xbf16, #tpu.memory_space<vmem_shared>> -> memref<10240x32xbf16, #tpu.memory_space<vmem_shared>>
      %dma_wait3A_346 = tpu.memref_slice %arg21[%dma_wait3A_339] : memref<5x!tpu.dma_semaphore, #tpu.memory_space<semaphore_mem>> -> memref<1x!tpu.dma_semaphore, #tpu.memory_space<semaphore_mem>>
      %dma_wait3A_347 = tpu.memref_squeeze %dma_wait3A_346 : memref<1x!tpu.dma_semaphore, #tpu.memory_space<semaphore_mem>> -> memref<!tpu.dma_semaphore, #tpu.memory_space<semaphore_mem>>
      tpu.wait_indirect_dma semaphore(%dma_wait3A_347 : memref<!tpu.dma_semaphore, #tpu.memory_space<semaphore_mem>>) src(%arg8 : memref<125x32xbf16, #tpu.memory_space<vmem>>) dst(%dma_wait3A_345 : memref<10240x32xbf16, #tpu.memory_space<vmem_shared>>)
      %dma_wait3A_348 = arith.constant 1 : i32
      %dma_wait3A_349 = arith.constant 0 : i32
      %dma_wait3A_350 = tpu.memref_slice %arg7[%add3A_192, %dma_wait3A_349] : memref<80x125xi32, #tpu.memory_space<vmem>> -> memref<1x125xi32, #tpu.memory_space<vmem>>
      %dma_wait3A_351 = tpu.memref_squeeze %dma_wait3A_350 : memref<1x125xi32, #tpu.memory_space<vmem>> -> memref<125xi32, #tpu.memory_space<vmem>>
      %dma_wait3A_352 = arith.constant 0 : i32
      %dma_wait3A_353 = arith.constant 0 : i32
      %dma_wait3A_354 = tpu.memref_slice %arg18[%dma_wait3A_352, %dma_wait3A_353] : memref<10240x32xbf16, #tpu.memory_space<vmem_shared>> -> memref<10240x32xbf16, #tpu.memory_space<vmem_shared>>
      %dma_wait3A_355 = tpu.memref_slice %arg21[%dma_wait3A_348] : memref<5x!tpu.dma_semaphore, #tpu.memory_space<semaphore_mem>> -> memref<1x!tpu.dma_semaphore, #tpu.memory_space<semaphore_mem>>
      %dma_wait3A_356 = tpu.memref_squeeze %dma_wait3A_355 : memref<1x!tpu.dma_semaphore, #tpu.memory_space<semaphore_mem>> -> memref<!tpu.dma_semaphore, #tpu.memory_space<semaphore_mem>>
      tpu.wait_indirect_dma semaphore(%dma_wait3A_356 : memref<!tpu.dma_semaphore, #tpu.memory_space<semaphore_mem>>) src(%arg9 : memref<125x32xbf16, #tpu.memory_space<vmem>>) dst(%dma_wait3A_354 : memref<10240x32xbf16, #tpu.memory_space<vmem_shared>>)
      %dma_wait3A_357 = arith.constant 2 : i32
      %dma_wait3A_358 = arith.constant 0 : i32
      %dma_wait3A_359 = tpu.memref_slice %arg7[%add3A_203, %dma_wait3A_358] : memref<80x125xi32, #tpu.memory_space<vmem>> -> memref<1x125xi32, #tpu.memory_space<vmem>>
      %dma_wait3A_360 = tpu.memref_squeeze %dma_wait3A_359 : memref<1x125xi32, #tpu.memory_space<vmem>> -> memref<125xi32, #tpu.memory_space<vmem>>
      %dma_wait3A_361 = arith.constant 0 : i32
      %dma_wait3A_362 = arith.constant 0 : i32
      %dma_wait3A_363 = tpu.memref_slice %arg18[%dma_wait3A_361, %dma_wait3A_362] : memref<10240x32xbf16, #tpu.memory_space<vmem_shared>> -> memref<10240x32xbf16, #tpu.memory_space<vmem_shared>>
      %dma_wait3A_364 = tpu.memref_slice %arg21[%dma_wait3A_357] : memref<5x!tpu.dma_semaphore, #tpu.memory_space<semaphore_mem>> -> memref<1x!tpu.dma_semaphore, #tpu.memory_space<semaphore_mem>>
      %dma_wait3A_365 = tpu.memref_squeeze %dma_wait3A_364 : memref<1x!tpu.dma_semaphore, #tpu.memory_space<semaphore_mem>> -> memref<!tpu.dma_semaphore, #tpu.memory_space<semaphore_mem>>
      tpu.wait_indirect_dma semaphore(%dma_wait3A_365 : memref<!tpu.dma_semaphore, #tpu.memory_space<semaphore_mem>>) src(%arg10 : memref<125x32xbf16, #tpu.memory_space<vmem>>) dst(%dma_wait3A_363 : memref<10240x32xbf16, #tpu.memory_space<vmem_shared>>)
      %dma_wait3A_366 = arith.constant 3 : i32
      %dma_wait3A_367 = arith.constant 0 : i32
      %dma_wait3A_368 = tpu.memref_slice %arg7[%add3A_214, %dma_wait3A_367] : memref<80x125xi32, #tpu.memory_space<vmem>> -> memref<1x125xi32, #tpu.memory_space<vmem>>
      %dma_wait3A_369 = tpu.memref_squeeze %dma_wait3A_368 : memref<1x125xi32, #tpu.memory_space<vmem>> -> memref<125xi32, #tpu.memory_space<vmem>>
      %dma_wait3A_370 = arith.constant 0 : i32
      %dma_wait3A_371 = arith.constant 0 : i32
      %dma_wait3A_372 = tpu.memref_slice %arg18[%dma_wait3A_370, %dma_wait3A_371] : memref<10240x32xbf16, #tpu.memory_space<vmem_shared>> -> memref<10240x32xbf16, #tpu.memory_space<vmem_shared>>
      %dma_wait3A_373 = tpu.memref_slice %arg21[%dma_wait3A_366] : memref<5x!tpu.dma_semaphore, #tpu.memory_space<semaphore_mem>> -> memref<1x!tpu.dma_semaphore, #tpu.memory_space<semaphore_mem>>
      %dma_wait3A_374 = tpu.memref_squeeze %dma_wait3A_373 : memref<1x!tpu.dma_semaphore, #tpu.memory_space<semaphore_mem>> -> memref<!tpu.dma_semaphore, #tpu.memory_space<semaphore_mem>>
      tpu.wait_indirect_dma semaphore(%dma_wait3A_374 : memref<!tpu.dma_semaphore, #tpu.memory_space<semaphore_mem>>) src(%arg11 : memref<125x32xbf16, #tpu.memory_space<vmem>>) dst(%dma_wait3A_372 : memref<10240x32xbf16, #tpu.memory_space<vmem_shared>>)
      %dma_wait3A_375 = arith.constant 4 : i32
      %dma_wait3A_376 = arith.constant 0 : i32
      %dma_wait3A_377 = tpu.memref_slice %arg7[%add3A_225, %dma_wait3A_376] : memref<80x125xi32, #tpu.memory_space<vmem>> -> memref<1x125xi32, #tpu.memory_space<vmem>>
      %dma_wait3A_378 = tpu.memref_squeeze %dma_wait3A_377 : memref<1x125xi32, #tpu.memory_space<vmem>> -> memref<125xi32, #tpu.memory_space<vmem>>
      %dma_wait3A_379 = arith.constant 0 : i32
      %dma_wait3A_380 = arith.constant 0 : i32
      %dma_wait3A_381 = tpu.memref_slice %arg18[%dma_wait3A_379, %dma_wait3A_380] : memref<10240x32xbf16, #tpu.memory_space<vmem_shared>> -> memref<10240x32xbf16, #tpu.memory_space<vmem_shared>>
      %dma_wait3A_382 = tpu.memref_slice %arg21[%dma_wait3A_375] : memref<5x!tpu.dma_semaphore, #tpu.memory_space<semaphore_mem>> -> memref<1x!tpu.dma_semaphore, #tpu.memory_space<semaphore_mem>>
      %dma_wait3A_383 = tpu.memref_squeeze %dma_wait3A_382 : memref<1x!tpu.dma_semaphore, #tpu.memory_space<semaphore_mem>> -> memref<!tpu.dma_semaphore, #tpu.memory_space<semaphore_mem>>
      tpu.wait_indirect_dma semaphore(%dma_wait3A_383 : memref<!tpu.dma_semaphore, #tpu.memory_space<semaphore_mem>>) src(%arg12 : memref<125x32xbf16, #tpu.memory_space<vmem>>) dst(%dma_wait3A_381 : memref<10240x32xbf16, #tpu.memory_space<vmem_shared>>)
      %dma_wait3A_384 = arith.constant 0 : i32
      %dma_wait3A_385 = arith.constant 0 : i32
      %dma_wait3A_386 = tpu.memref_slice %arg7[%add3A_285, %dma_wait3A_385] : memref<80x125xi32, #tpu.memory_space<vmem>> -> memref<1x125xi32, #tpu.memory_space<vmem>>
      %dma_wait3A_387 = tpu.memref_squeeze %dma_wait3A_386 : memref<1x125xi32, #tpu.memory_space<vmem>> -> memref<125xi32, #tpu.memory_space<vmem>>
      %dma_wait3A_388 = arith.constant 0 : i32
      %dma_wait3A_389 = arith.constant 0 : i32
      %dma_wait3A_390 = tpu.memref_slice %arg18[%dma_wait3A_388, %dma_wait3A_389] : memref<10240x32xbf16, #tpu.memory_space<vmem_shared>> -> memref<10240x32xbf16, #tpu.memory_space<vmem_shared>>
      %dma_wait3A_391 = tpu.memref_slice %arg22[%dma_wait3A_384] : memref<5x!tpu.dma_semaphore, #tpu.memory_space<semaphore_mem>> -> memref<1x!tpu.dma_semaphore, #tpu.memory_space<semaphore_mem>>
      %dma_wait3A_392 = tpu.memref_squeeze %dma_wait3A_391 : memref<1x!tpu.dma_semaphore, #tpu.memory_space<semaphore_mem>> -> memref<!tpu.dma_semaphore, #tpu.memory_space<semaphore_mem>>
      tpu.wait_indirect_dma semaphore(%dma_wait3A_392 : memref<!tpu.dma_semaphore, #tpu.memory_space<semaphore_mem>>) src(%arg13 : memref<125x32xbf16, #tpu.memory_space<vmem>>) dst(%dma_wait3A_390 : memref<10240x32xbf16, #tpu.memory_space<vmem_shared>>)
      %dma_wait3A_393 = arith.constant 1 : i32
      %dma_wait3A_394 = arith.constant 0 : i32
      %dma_wait3A_395 = tpu.memref_slice %arg7[%add3A_296, %dma_wait3A_394] : memref<80x125xi32, #tpu.memory_space<vmem>> -> memref<1x125xi32, #tpu.memory_space<vmem>>
      %dma_wait3A_396 = tpu.memref_squeeze %dma_wait3A_395 : memref<1x125xi32, #tpu.memory_space<vmem>> -> memref<125xi32, #tpu.memory_space<vmem>>
      %dma_wait3A_397 = arith.constant 0 : i32
      %dma_wait3A_398 = arith.constant 0 : i32
      %dma_wait3A_399 = tpu.memref_slice %arg18[%dma_wait3A_397, %dma_wait3A_398] : memref<10240x32xbf16, #tpu.memory_space<vmem_shared>> -> memref<10240x32xbf16, #tpu.memory_space<vmem_shared>>
      %dma_wait3A_400 = tpu.memref_slice %arg22[%dma_wait3A_393] : memref<5x!tpu.dma_semaphore, #tpu.memory_space<semaphore_mem>> -> memref<1x!tpu.dma_semaphore, #tpu.memory_space<semaphore_mem>>
      %dma_wait3A_401 = tpu.memref_squeeze %dma_wait3A_400 : memref<1x!tpu.dma_semaphore, #tpu.memory_space<semaphore_mem>> -> memref<!tpu.dma_semaphore, #tpu.memory_space<semaphore_mem>>
      tpu.wait_indirect_dma semaphore(%dma_wait3A_401 : memref<!tpu.dma_semaphore, #tpu.memory_space<semaphore_mem>>) src(%arg14 : memref<125x32xbf16, #tpu.memory_space<vmem>>) dst(%dma_wait3A_399 : memref<10240x32xbf16, #tpu.memory_space<vmem_shared>>)
      %dma_wait3A_402 = arith.constant 2 : i32
      %dma_wait3A_403 = arith.constant 0 : i32
      %dma_wait3A_404 = tpu.memref_slice %arg7[%add3A_307, %dma_wait3A_403] : memref<80x125xi32, #tpu.memory_space<vmem>> -> memref<1x125xi32, #tpu.memory_space<vmem>>
      %dma_wait3A_405 = tpu.memref_squeeze %dma_wait3A_404 : memref<1x125xi32, #tpu.memory_space<vmem>> -> memref<125xi32, #tpu.memory_space<vmem>>
      %dma_wait3A_406 = arith.constant 0 : i32
      %dma_wait3A_407 = arith.constant 0 : i32
      %dma_wait3A_408 = tpu.memref_slice %arg18[%dma_wait3A_406, %dma_wait3A_407] : memref<10240x32xbf16, #tpu.memory_space<vmem_shared>> -> memref<10240x32xbf16, #tpu.memory_space<vmem_shared>>
      %dma_wait3A_409 = tpu.memref_slice %arg22[%dma_wait3A_402] : memref<5x!tpu.dma_semaphore, #tpu.memory_space<semaphore_mem>> -> memref<1x!tpu.dma_semaphore, #tpu.memory_space<semaphore_mem>>
      %dma_wait3A_410 = tpu.memref_squeeze %dma_wait3A_409 : memref<1x!tpu.dma_semaphore, #tpu.memory_space<semaphore_mem>> -> memref<!tpu.dma_semaphore, #tpu.memory_space<semaphore_mem>>
      tpu.wait_indirect_dma semaphore(%dma_wait3A_410 : memref<!tpu.dma_semaphore, #tpu.memory_space<semaphore_mem>>) src(%arg15 : memref<125x32xbf16, #tpu.memory_space<vmem>>) dst(%dma_wait3A_408 : memref<10240x32xbf16, #tpu.memory_space<vmem_shared>>)
      %dma_wait3A_411 = arith.constant 3 : i32
      %dma_wait3A_412 = arith.constant 0 : i32
      %dma_wait3A_413 = tpu.memref_slice %arg7[%add3A_318, %dma_wait3A_412] : memref<80x125xi32, #tpu.memory_space<vmem>> -> memref<1x125xi32, #tpu.memory_space<vmem>>
      %dma_wait3A_414 = tpu.memref_squeeze %dma_wait3A_413 : memref<1x125xi32, #tpu.memory_space<vmem>> -> memref<125xi32, #tpu.memory_space<vmem>>
      %dma_wait3A_415 = arith.constant 0 : i32
      %dma_wait3A_416 = arith.constant 0 : i32
      %dma_wait3A_417 = tpu.memref_slice %arg18[%dma_wait3A_415, %dma_wait3A_416] : memref<10240x32xbf16, #tpu.memory_space<vmem_shared>> -> memref<10240x32xbf16, #tpu.memory_space<vmem_shared>>
      %dma_wait3A_418 = tpu.memref_slice %arg22[%dma_wait3A_411] : memref<5x!tpu.dma_semaphore, #tpu.memory_space<semaphore_mem>> -> memref<1x!tpu.dma_semaphore, #tpu.memory_space<semaphore_mem>>
      %dma_wait3A_419 = tpu.memref_squeeze %dma_wait3A_418 : memref<1x!tpu.dma_semaphore, #tpu.memory_space<semaphore_mem>> -> memref<!tpu.dma_semaphore, #tpu.memory_space<semaphore_mem>>
      tpu.wait_indirect_dma semaphore(%dma_wait3A_419 : memref<!tpu.dma_semaphore, #tpu.memory_space<semaphore_mem>>) src(%arg16 : memref<125x32xbf16, #tpu.memory_space<vmem>>) dst(%dma_wait3A_417 : memref<10240x32xbf16, #tpu.memory_space<vmem_shared>>)
      %dma_wait3A_420 = arith.constant 4 : i32
      %dma_wait3A_421 = arith.constant 0 : i32
      %dma_wait3A_422 = tpu.memref_slice %arg7[%add3A_329, %dma_wait3A_421] : memref<80x125xi32, #tpu.memory_space<vmem>> -> memref<1x125xi32, #tpu.memory_space<vmem>>
      %dma_wait3A_423 = tpu.memref_squeeze %dma_wait3A_422 : memref<1x125xi32, #tpu.memory_space<vmem>> -> memref<125xi32, #tpu.memory_space<vmem>>
      %dma_wait3A_424 = arith.constant 0 : i32
      %dma_wait3A_425 = arith.constant 0 : i32
      %dma_wait3A_426 = tpu.memref_slice %arg18[%dma_wait3A_424, %dma_wait3A_425] : memref<10240x32xbf16, #tpu.memory_space<vmem_shared>> -> memref<10240x32xbf16, #tpu.memory_space<vmem_shared>>
      %dma_wait3A_427 = tpu.memref_slice %arg22[%dma_wait3A_420] : memref<5x!tpu.dma_semaphore, #tpu.memory_space<semaphore_mem>> -> memref<1x!tpu.dma_semaphore, #tpu.memory_space<semaphore_mem>>
      %dma_wait3A_428 = tpu.memref_squeeze %dma_wait3A_427 : memref<1x!tpu.dma_semaphore, #tpu.memory_space<semaphore_mem>> -> memref<!tpu.dma_semaphore, #tpu.memory_space<semaphore_mem>>
      tpu.wait_indirect_dma semaphore(%dma_wait3A_428 : memref<!tpu.dma_semaphore, #tpu.memory_space<semaphore_mem>>) src(%arg17 : memref<125x32xbf16, #tpu.memory_space<vmem>>) dst(%dma_wait3A_426 : memref<10240x32xbf16, #tpu.memory_space<vmem_shared>>)
    }
    %scan3A_10 = arith.constant 8 : i32
    %barrier3A_11 = arith.constant 0 : index
    tpu.barrier barrier_id(%barrier3A_11)
    %mul3A_12 = arith.constant 640 : i32
    %mul3A_13 = arith.muli %arg1, %mul3A_12 : i32
    %mul3A_14 = arith.constant 640 : i32
    %mul3A_15 = arith.muli %arg1, %mul3A_14 : i32
    "tpu.region"() ({
      %run_scoped3A_16 = tpu.sem_alloc : memref<!tpu.dma_semaphore, #tpu.memory_space<semaphore_mem>>
      %dma_start3A = arith.constant 0 : i32
      %dma_start3A_17 = tpu.memref_slice %arg5[%arg0, %mul3A_15, %dma_start3A] : memref<2x10240x32xbf16, #tpu.memory_space<hbm>> -> memref<1x640x32xbf16, #tpu.memory_space<hbm>>
      %dma_start3A_18 = tpu.memref_squeeze %dma_start3A_17 : memref<1x640x32xbf16, #tpu.memory_space<hbm>> -> memref<640x32xbf16, #tpu.memory_space<hbm>>
      %dma_start3A_19 = arith.constant 0 : i32
      %dma_start3A_20 = tpu.memref_slice %arg18[%mul3A_13, %dma_start3A_19] : memref<10240x32xbf16, #tpu.memory_space<vmem_shared>> -> memref<640x32xbf16, #tpu.memory_space<vmem_shared>>
      tpu.enqueue_dma source(%dma_start3A_20 : memref<640x32xbf16, #tpu.memory_space<vmem_shared>>) target(%dma_start3A_18 : memref<640x32xbf16, #tpu.memory_space<hbm>>) target_semaphore(%run_scoped3A_16 : memref<!tpu.dma_semaphore, #tpu.memory_space<semaphore_mem>>)
      %dma_wait3A = arith.constant 0 : i32
      %dma_wait3A_21 = tpu.memref_slice %arg5[%arg0, %mul3A_15, %dma_wait3A] : memref<2x10240x32xbf16, #tpu.memory_space<hbm>> -> memref<1x640x32xbf16, #tpu.memory_space<hbm>>
      %dma_wait3A_22 = tpu.memref_squeeze %dma_wait3A_21 : memref<1x640x32xbf16, #tpu.memory_space<hbm>> -> memref<640x32xbf16, #tpu.memory_space<hbm>>
      %dma_wait3A_23 = arith.constant 0 : i32
      %dma_wait3A_24 = tpu.memref_slice %arg18[%mul3A_13, %dma_wait3A_23] : memref<10240x32xbf16, #tpu.memory_space<vmem_shared>> -> memref<640x32xbf16, #tpu.memory_space<vmem_shared>>
      tpu.wait_dma2 semaphore(%run_scoped3A_16 : memref<!tpu.dma_semaphore, #tpu.memory_space<semaphore_mem>>) src(%dma_wait3A_24 : memref<640x32xbf16, #tpu.memory_space<vmem_shared>>) dst(%dma_wait3A_22 : memref<640x32xbf16, #tpu.memory_space<hbm>>)
      tpu.yield
    }) : () -> ()
    return
  }
}

#map = affine_map<(d0, d1) -> (0, 0, 0, 0)>
#map1 = affine_map<(d0, d1) -> (0)>
#map2 = affine_map<(d0, d1) -> (0, 0)>
module attributes {stable_mosaic.version = 14 : i64} {
  func.func @deg_k(%arg0: i32, %arg1: i32, %arg2: memref<2x32x80x125xi32, #tpu.memory_space<hbm>>, %arg3: memref<10240xf32, #tpu.memory_space<hbm>>, %arg4: memref<2x10240xf32, #tpu.memory_space<hbm>>, %arg5: memref<80x125xi32, #tpu.memory_space<vmem>>, %arg6: memref<128xf32, #tpu.memory_space<vmem>>, %arg7: memref<10240xf32, #tpu.memory_space<vmem_shared>>, %arg8: memref<8x!tpu.dma_semaphore, #tpu.memory_space<semaphore_mem>>) attributes {dimension_semantics = [#tpu.dimension_semantics<core_parallel>, #tpu.dimension_semantics<subcore_parallel>], iteration_bounds = array<i64: 2, 16>, scalar_prefetch = 0 : i64, scratch_operands = 4 : i64, tpu.core_type = #tpu.core_type<sc_vector_subcore>, window_params = [{transform_indices = #map}, {transform_indices = #map1}, {transform_indices = #map2}]} {
    %mul3A = arith.constant 2 : i32
    %mul3A_0 = arith.muli %arg1, %mul3A : i32
    %add3A = arith.addi %mul3A_0, %arg0 : i32
    %broadcast_in_dim3A = arith.constant 1.000000e+00 : f32
    %broadcast_in_dim3A_1 = vector.broadcast %broadcast_in_dim3A : f32 to vector<16xf32>
    %swap3A = arith.constant 0 : index
    %swap3A_2 = tpu.vector_load %arg6[%swap3A] {strides = array<i32>} : memref<128xf32, #tpu.memory_space<vmem>>, vector<16xf32>,
    %swap3A_3 = vector.shape_cast %swap3A_2 : vector<16xf32> to vector<16xf32>
    %swap3A_4 = vector.shape_cast %broadcast_in_dim3A_1 : vector<16xf32> to vector<16xf32>
    tpu.vector_store %arg6[%swap3A], %swap3A_4 {strides = array<i32>} : memref<128xf32, #tpu.memory_space<vmem>>, vector<16xf32>,
    %broadcast_in_dim3A_5 = arith.constant 1.000000e+00 : f32
    %broadcast_in_dim3A_6 = vector.broadcast %broadcast_in_dim3A_5 : f32 to vector<16xf32>
    %swap3A_7 = arith.constant 16 : index
    %swap3A_8 = tpu.vector_load %arg6[%swap3A_7] {strides = array<i32>} : memref<128xf32, #tpu.memory_space<vmem>>, vector<16xf32>,
    %swap3A_9 = vector.shape_cast %swap3A_8 : vector<16xf32> to vector<16xf32>
    %swap3A_10 = vector.shape_cast %broadcast_in_dim3A_6 : vector<16xf32> to vector<16xf32>
    tpu.vector_store %arg6[%swap3A_7], %swap3A_10 {strides = array<i32>} : memref<128xf32, #tpu.memory_space<vmem>>, vector<16xf32>,
    %broadcast_in_dim3A_11 = arith.constant 1.000000e+00 : f32
    %broadcast_in_dim3A_12 = vector.broadcast %broadcast_in_dim3A_11 : f32 to vector<16xf32>
    %swap3A_13 = arith.constant 32 : index
    %swap3A_14 = tpu.vector_load %arg6[%swap3A_13] {strides = array<i32>} : memref<128xf32, #tpu.memory_space<vmem>>, vector<16xf32>,
    %swap3A_15 = vector.shape_cast %swap3A_14 : vector<16xf32> to vector<16xf32>
    %swap3A_16 = vector.shape_cast %broadcast_in_dim3A_12 : vector<16xf32> to vector<16xf32>
    tpu.vector_store %arg6[%swap3A_13], %swap3A_16 {strides = array<i32>} : memref<128xf32, #tpu.memory_space<vmem>>, vector<16xf32>,
    %broadcast_in_dim3A_17 = arith.constant 1.000000e+00 : f32
    %broadcast_in_dim3A_18 = vector.broadcast %broadcast_in_dim3A_17 : f32 to vector<16xf32>
    %swap3A_19 = arith.constant 48 : index
    %swap3A_20 = tpu.vector_load %arg6[%swap3A_19] {strides = array<i32>} : memref<128xf32, #tpu.memory_space<vmem>>, vector<16xf32>,
    %swap3A_21 = vector.shape_cast %swap3A_20 : vector<16xf32> to vector<16xf32>
    %swap3A_22 = vector.shape_cast %broadcast_in_dim3A_18 : vector<16xf32> to vector<16xf32>
    tpu.vector_store %arg6[%swap3A_19], %swap3A_22 {strides = array<i32>} : memref<128xf32, #tpu.memory_space<vmem>>, vector<16xf32>,
    %broadcast_in_dim3A_23 = arith.constant 1.000000e+00 : f32
    %broadcast_in_dim3A_24 = vector.broadcast %broadcast_in_dim3A_23 : f32 to vector<16xf32>
    %swap3A_25 = arith.constant 64 : index
    %swap3A_26 = tpu.vector_load %arg6[%swap3A_25] {strides = array<i32>} : memref<128xf32, #tpu.memory_space<vmem>>, vector<16xf32>,
    %swap3A_27 = vector.shape_cast %swap3A_26 : vector<16xf32> to vector<16xf32>
    %swap3A_28 = vector.shape_cast %broadcast_in_dim3A_24 : vector<16xf32> to vector<16xf32>
    tpu.vector_store %arg6[%swap3A_25], %swap3A_28 {strides = array<i32>} : memref<128xf32, #tpu.memory_space<vmem>>, vector<16xf32>,
    %broadcast_in_dim3A_29 = arith.constant 1.000000e+00 : f32
    %broadcast_in_dim3A_30 = vector.broadcast %broadcast_in_dim3A_29 : f32 to vector<16xf32>
    %swap3A_31 = arith.constant 80 : index
    %swap3A_32 = tpu.vector_load %arg6[%swap3A_31] {strides = array<i32>} : memref<128xf32, #tpu.memory_space<vmem>>, vector<16xf32>,
    %swap3A_33 = vector.shape_cast %swap3A_32 : vector<16xf32> to vector<16xf32>
    %swap3A_34 = vector.shape_cast %broadcast_in_dim3A_30 : vector<16xf32> to vector<16xf32>
    tpu.vector_store %arg6[%swap3A_31], %swap3A_34 {strides = array<i32>} : memref<128xf32, #tpu.memory_space<vmem>>, vector<16xf32>,
    %broadcast_in_dim3A_35 = arith.constant 1.000000e+00 : f32
    %broadcast_in_dim3A_36 = vector.broadcast %broadcast_in_dim3A_35 : f32 to vector<16xf32>
    %swap3A_37 = arith.constant 96 : index
    %swap3A_38 = tpu.vector_load %arg6[%swap3A_37] {strides = array<i32>} : memref<128xf32, #tpu.memory_space<vmem>>, vector<16xf32>,
    %swap3A_39 = vector.shape_cast %swap3A_38 : vector<16xf32> to vector<16xf32>
    %swap3A_40 = vector.shape_cast %broadcast_in_dim3A_36 : vector<16xf32> to vector<16xf32>
    tpu.vector_store %arg6[%swap3A_37], %swap3A_40 {strides = array<i32>} : memref<128xf32, #tpu.memory_space<vmem>>, vector<16xf32>,
    %broadcast_in_dim3A_41 = arith.constant 1.000000e+00 : f32
    %broadcast_in_dim3A_42 = vector.broadcast %broadcast_in_dim3A_41 : f32 to vector<16xf32>
    %swap3A_43 = arith.constant 112 : index
    %swap3A_44 = tpu.vector_load %arg6[%swap3A_43] {strides = array<i32>} : memref<128xf32, #tpu.memory_space<vmem>>, vector<16xf32>,
    %swap3A_45 = vector.shape_cast %swap3A_44 : vector<16xf32> to vector<16xf32>
    %swap3A_46 = vector.shape_cast %broadcast_in_dim3A_42 : vector<16xf32> to vector<16xf32>
    tpu.vector_store %arg6[%swap3A_43], %swap3A_46 {strides = array<i32>} : memref<128xf32, #tpu.memory_space<vmem>>, vector<16xf32>,
    %run_scoped3A = arith.constant 1 : i32
    "tpu.region"() ({
      %run_scoped3A_61 = tpu.sem_alloc : memref<!tpu.dma_semaphore, #tpu.memory_space<semaphore_mem>>
      %dma_start3A = arith.constant 0 : i32
      %dma_start3A_62 = arith.constant 0 : i32
      %dma_start3A_63 = tpu.memref_slice %arg2[%run_scoped3A, %add3A, %dma_start3A, %dma_start3A_62] : memref<2x32x80x125xi32, #tpu.memory_space<hbm>> -> memref<1x1x80x125xi32, #tpu.memory_space<hbm>>
      %dma_start3A_64 = tpu.memref_squeeze %dma_start3A_63 : memref<1x1x80x125xi32, #tpu.memory_space<hbm>> -> memref<80x125xi32, #tpu.memory_space<hbm>>
      %dma_start3A_65 = arith.constant 0 : i32
      %dma_start3A_66 = arith.constant 0 : i32
      %dma_start3A_67 = tpu.memref_slice %arg2[%run_scoped3A, %add3A, %dma_start3A_65, %dma_start3A_66] : memref<2x32x80x125xi32, #tpu.memory_space<hbm>> -> memref<1x1x80x125xi32, #tpu.memory_space<hbm>>
      %dma_start3A_68 = tpu.memref_squeeze %dma_start3A_67 : memref<1x1x80x125xi32, #tpu.memory_space<hbm>> -> memref<80x125xi32, #tpu.memory_space<hbm>>
      tpu.enqueue_dma source(%dma_start3A_68 : memref<80x125xi32, #tpu.memory_space<hbm>>) target(%arg5 : memref<80x125xi32, #tpu.memory_space<vmem>>) target_semaphore(%run_scoped3A_61 : memref<!tpu.dma_semaphore, #tpu.memory_space<semaphore_mem>>)
      %dma_wait3A = arith.constant 0 : i32
      %dma_wait3A_69 = arith.constant 0 : i32
      %dma_wait3A_70 = tpu.memref_slice %arg2[%run_scoped3A, %add3A, %dma_wait3A, %dma_wait3A_69] : memref<2x32x80x125xi32, #tpu.memory_space<hbm>> -> memref<1x1x80x125xi32, #tpu.memory_space<hbm>>
      %dma_wait3A_71 = tpu.memref_squeeze %dma_wait3A_70 : memref<1x1x80x125xi32, #tpu.memory_space<hbm>> -> memref<80x125xi32, #tpu.memory_space<hbm>>
      %dma_wait3A_72 = arith.constant 0 : i32
      %dma_wait3A_73 = arith.constant 0 : i32
      %dma_wait3A_74 = tpu.memref_slice %arg2[%run_scoped3A, %add3A, %dma_wait3A_72, %dma_wait3A_73] : memref<2x32x80x125xi32, #tpu.memory_space<hbm>> -> memref<1x1x80x125xi32, #tpu.memory_space<hbm>>
      %dma_wait3A_75 = tpu.memref_squeeze %dma_wait3A_74 : memref<1x1x80x125xi32, #tpu.memory_space<hbm>> -> memref<80x125xi32, #tpu.memory_space<hbm>>
      tpu.wait_dma2 semaphore(%run_scoped3A_61 : memref<!tpu.dma_semaphore, #tpu.memory_space<semaphore_mem>>) src(%dma_wait3A_75 : memref<80x125xi32, #tpu.memory_space<hbm>>) dst(%arg5 : memref<80x125xi32, #tpu.memory_space<vmem>>)
      tpu.yield
    }) : () -> ()
    %mul3A_47 = arith.constant 640 : i32
    %mul3A_48 = arith.muli %arg1, %mul3A_47 : i32
    %mul3A_49 = arith.constant 640 : i32
    %mul3A_50 = arith.muli %arg1, %mul3A_49 : i32
    "tpu.region"() ({
      %run_scoped3A_61 = tpu.sem_alloc : memref<!tpu.dma_semaphore, #tpu.memory_space<semaphore_mem>>
      %dma_start3A = tpu.memref_slice %arg7[%mul3A_50] : memref<10240xf32, #tpu.memory_space<vmem_shared>> -> memref<640xf32, #tpu.memory_space<vmem_shared>>
      %dma_start3A_62 = tpu.memref_slice %arg3[%mul3A_48] : memref<10240xf32, #tpu.memory_space<hbm>> -> memref<640xf32, #tpu.memory_space<hbm>>
      tpu.enqueue_dma source(%dma_start3A_62 : memref<640xf32, #tpu.memory_space<hbm>>) target(%dma_start3A : memref<640xf32, #tpu.memory_space<vmem_shared>>) target_semaphore(%run_scoped3A_61 : memref<!tpu.dma_semaphore, #tpu.memory_space<semaphore_mem>>)
      %dma_wait3A = tpu.memref_slice %arg7[%mul3A_50] : memref<10240xf32, #tpu.memory_space<vmem_shared>> -> memref<640xf32, #tpu.memory_space<vmem_shared>>
      %dma_wait3A_63 = tpu.memref_slice %arg3[%mul3A_48] : memref<10240xf32, #tpu.memory_space<hbm>> -> memref<640xf32, #tpu.memory_space<hbm>>
      tpu.wait_dma2 semaphore(%run_scoped3A_61 : memref<!tpu.dma_semaphore, #tpu.memory_space<semaphore_mem>>) src(%dma_wait3A_63 : memref<640xf32, #tpu.memory_space<hbm>>) dst(%dma_wait3A : memref<640xf32, #tpu.memory_space<vmem_shared>>)
      tpu.yield
    }) : () -> ()
    %barrier3A = arith.constant 0 : index
    tpu.barrier barrier_id(%barrier3A)
    %scan3A = arith.constant 0 : i32
    %scan3A_51 = arith.constant 0 : i32
    %scan3A_52 = arith.constant 10 : i32
    %scan3A_53 = arith.addi %scan3A_51, %scan3A_52 : i32
    %scan3A_54 = arith.constant 1 : i32
    scf.for %scan3A_61 = %scan3A_51 to %scan3A_53 step %scan3A_54  : i32 {
      %mul3A_62 = arith.constant 8 : i32
      %mul3A_63 = arith.muli %scan3A_61, %mul3A_62 : i32
      %add3A_64 = arith.constant 0 : i32
      %add3A_65 = arith.addi %mul3A_63, %add3A_64 : i32
      %dma_start3A = arith.constant 0 : i32
      %dma_start3A_66 = arith.constant 0 : i32
      %dma_start3A_67 = tpu.memref_slice %arg6[%dma_start3A_66] : memref<128xf32, #tpu.memory_space<vmem>> -> memref<125xf32, #tpu.memory_space<vmem>>
      %dma_start3A_68 = arith.constant 0 : i32
      %dma_start3A_69 = tpu.memref_slice %arg5[%add3A_65, %dma_start3A_68] : memref<80x125xi32, #tpu.memory_space<vmem>> -> memref<1x125xi32, #tpu.memory_space<vmem>>
      %dma_start3A_70 = tpu.memref_squeeze %dma_start3A_69 : memref<1x125xi32, #tpu.memory_space<vmem>> -> memref<125xi32, #tpu.memory_space<vmem>>
      %dma_start3A_71 = arith.constant 0 : i32
      %dma_start3A_72 = tpu.memref_slice %arg7[%dma_start3A_71] : memref<10240xf32, #tpu.memory_space<vmem_shared>> -> memref<10240xf32, #tpu.memory_space<vmem_shared>>
      %dma_start3A_73 = tpu.memref_slice %arg8[%dma_start3A] : memref<8x!tpu.dma_semaphore, #tpu.memory_space<semaphore_mem>> -> memref<1x!tpu.dma_semaphore, #tpu.memory_space<semaphore_mem>>
      %dma_start3A_74 = tpu.memref_squeeze %dma_start3A_73 : memref<1x!tpu.dma_semaphore, #tpu.memory_space<semaphore_mem>> -> memref<!tpu.dma_semaphore, #tpu.memory_space<semaphore_mem>>
      tpu.enqueue_indirect_dma source(%dma_start3A_67 : memref<125xf32, #tpu.memory_space<vmem>>) target(%dma_start3A_72 : memref<10240xf32, #tpu.memory_space<vmem_shared>>) offsets(%dma_start3A_70 : memref<125xi32, #tpu.memory_space<vmem>>) semaphore(%dma_start3A_74 : memref<!tpu.dma_semaphore, #tpu.memory_space<semaphore_mem>>) {add = true}
      %add3A_75 = arith.constant 1 : i32
      %add3A_76 = arith.addi %mul3A_63, %add3A_75 : i32
      %dma_start3A_77 = arith.constant 1 : i32
      %dma_start3A_78 = arith.constant 0 : i32
      %dma_start3A_79 = tpu.memref_slice %arg6[%dma_start3A_78] : memref<128xf32, #tpu.memory_space<vmem>> -> memref<125xf32, #tpu.memory_space<vmem>>
      %dma_start3A_80 = arith.constant 0 : i32
      %dma_start3A_81 = tpu.memref_slice %arg5[%add3A_76, %dma_start3A_80] : memref<80x125xi32, #tpu.memory_space<vmem>> -> memref<1x125xi32, #tpu.memory_space<vmem>>
      %dma_start3A_82 = tpu.memref_squeeze %dma_start3A_81 : memref<1x125xi32, #tpu.memory_space<vmem>> -> memref<125xi32, #tpu.memory_space<vmem>>
      %dma_start3A_83 = arith.constant 0 : i32
      %dma_start3A_84 = tpu.memref_slice %arg7[%dma_start3A_83] : memref<10240xf32, #tpu.memory_space<vmem_shared>> -> memref<10240xf32, #tpu.memory_space<vmem_shared>>
      %dma_start3A_85 = tpu.memref_slice %arg8[%dma_start3A_77] : memref<8x!tpu.dma_semaphore, #tpu.memory_space<semaphore_mem>> -> memref<1x!tpu.dma_semaphore, #tpu.memory_space<semaphore_mem>>
      %dma_start3A_86 = tpu.memref_squeeze %dma_start3A_85 : memref<1x!tpu.dma_semaphore, #tpu.memory_space<semaphore_mem>> -> memref<!tpu.dma_semaphore, #tpu.memory_space<semaphore_mem>>
      tpu.enqueue_indirect_dma source(%dma_start3A_79 : memref<125xf32, #tpu.memory_space<vmem>>) target(%dma_start3A_84 : memref<10240xf32, #tpu.memory_space<vmem_shared>>) offsets(%dma_start3A_82 : memref<125xi32, #tpu.memory_space<vmem>>) semaphore(%dma_start3A_86 : memref<!tpu.dma_semaphore, #tpu.memory_space<semaphore_mem>>) {add = true}
      %add3A_87 = arith.constant 2 : i32
      %add3A_88 = arith.addi %mul3A_63, %add3A_87 : i32
      %dma_start3A_89 = arith.constant 2 : i32
      %dma_start3A_90 = arith.constant 0 : i32
      %dma_start3A_91 = tpu.memref_slice %arg6[%dma_start3A_90] : memref<128xf32, #tpu.memory_space<vmem>> -> memref<125xf32, #tpu.memory_space<vmem>>
      %dma_start3A_92 = arith.constant 0 : i32
      %dma_start3A_93 = tpu.memref_slice %arg5[%add3A_88, %dma_start3A_92] : memref<80x125xi32, #tpu.memory_space<vmem>> -> memref<1x125xi32, #tpu.memory_space<vmem>>
      %dma_start3A_94 = tpu.memref_squeeze %dma_start3A_93 : memref<1x125xi32, #tpu.memory_space<vmem>> -> memref<125xi32, #tpu.memory_space<vmem>>
      %dma_start3A_95 = arith.constant 0 : i32
      %dma_start3A_96 = tpu.memref_slice %arg7[%dma_start3A_95] : memref<10240xf32, #tpu.memory_space<vmem_shared>> -> memref<10240xf32, #tpu.memory_space<vmem_shared>>
      %dma_start3A_97 = tpu.memref_slice %arg8[%dma_start3A_89] : memref<8x!tpu.dma_semaphore, #tpu.memory_space<semaphore_mem>> -> memref<1x!tpu.dma_semaphore, #tpu.memory_space<semaphore_mem>>
      %dma_start3A_98 = tpu.memref_squeeze %dma_start3A_97 : memref<1x!tpu.dma_semaphore, #tpu.memory_space<semaphore_mem>> -> memref<!tpu.dma_semaphore, #tpu.memory_space<semaphore_mem>>
      tpu.enqueue_indirect_dma source(%dma_start3A_91 : memref<125xf32, #tpu.memory_space<vmem>>) target(%dma_start3A_96 : memref<10240xf32, #tpu.memory_space<vmem_shared>>) offsets(%dma_start3A_94 : memref<125xi32, #tpu.memory_space<vmem>>) semaphore(%dma_start3A_98 : memref<!tpu.dma_semaphore, #tpu.memory_space<semaphore_mem>>) {add = true}
      %add3A_99 = arith.constant 3 : i32
      %add3A_100 = arith.addi %mul3A_63, %add3A_99 : i32
      %dma_start3A_101 = arith.constant 3 : i32
      %dma_start3A_102 = arith.constant 0 : i32
      %dma_start3A_103 = tpu.memref_slice %arg6[%dma_start3A_102] : memref<128xf32, #tpu.memory_space<vmem>> -> memref<125xf32, #tpu.memory_space<vmem>>
      %dma_start3A_104 = arith.constant 0 : i32
      %dma_start3A_105 = tpu.memref_slice %arg5[%add3A_100, %dma_start3A_104] : memref<80x125xi32, #tpu.memory_space<vmem>> -> memref<1x125xi32, #tpu.memory_space<vmem>>
      %dma_start3A_106 = tpu.memref_squeeze %dma_start3A_105 : memref<1x125xi32, #tpu.memory_space<vmem>> -> memref<125xi32, #tpu.memory_space<vmem>>
      %dma_start3A_107 = arith.constant 0 : i32
      %dma_start3A_108 = tpu.memref_slice %arg7[%dma_start3A_107] : memref<10240xf32, #tpu.memory_space<vmem_shared>> -> memref<10240xf32, #tpu.memory_space<vmem_shared>>
      %dma_start3A_109 = tpu.memref_slice %arg8[%dma_start3A_101] : memref<8x!tpu.dma_semaphore, #tpu.memory_space<semaphore_mem>> -> memref<1x!tpu.dma_semaphore, #tpu.memory_space<semaphore_mem>>
      %dma_start3A_110 = tpu.memref_squeeze %dma_start3A_109 : memref<1x!tpu.dma_semaphore, #tpu.memory_space<semaphore_mem>> -> memref<!tpu.dma_semaphore, #tpu.memory_space<semaphore_mem>>
      tpu.enqueue_indirect_dma source(%dma_start3A_103 : memref<125xf32, #tpu.memory_space<vmem>>) target(%dma_start3A_108 : memref<10240xf32, #tpu.memory_space<vmem_shared>>) offsets(%dma_start3A_106 : memref<125xi32, #tpu.memory_space<vmem>>) semaphore(%dma_start3A_110 : memref<!tpu.dma_semaphore, #tpu.memory_space<semaphore_mem>>) {add = true}
      %add3A_111 = arith.constant 4 : i32
      %add3A_112 = arith.addi %mul3A_63, %add3A_111 : i32
      %dma_start3A_113 = arith.constant 4 : i32
      %dma_start3A_114 = arith.constant 0 : i32
      %dma_start3A_115 = tpu.memref_slice %arg6[%dma_start3A_114] : memref<128xf32, #tpu.memory_space<vmem>> -> memref<125xf32, #tpu.memory_space<vmem>>
      %dma_start3A_116 = arith.constant 0 : i32
      %dma_start3A_117 = tpu.memref_slice %arg5[%add3A_112, %dma_start3A_116] : memref<80x125xi32, #tpu.memory_space<vmem>> -> memref<1x125xi32, #tpu.memory_space<vmem>>
      %dma_start3A_118 = tpu.memref_squeeze %dma_start3A_117 : memref<1x125xi32, #tpu.memory_space<vmem>> -> memref<125xi32, #tpu.memory_space<vmem>>
      %dma_start3A_119 = arith.constant 0 : i32
      %dma_start3A_120 = tpu.memref_slice %arg7[%dma_start3A_119] : memref<10240xf32, #tpu.memory_space<vmem_shared>> -> memref<10240xf32, #tpu.memory_space<vmem_shared>>
      %dma_start3A_121 = tpu.memref_slice %arg8[%dma_start3A_113] : memref<8x!tpu.dma_semaphore, #tpu.memory_space<semaphore_mem>> -> memref<1x!tpu.dma_semaphore, #tpu.memory_space<semaphore_mem>>
      %dma_start3A_122 = tpu.memref_squeeze %dma_start3A_121 : memref<1x!tpu.dma_semaphore, #tpu.memory_space<semaphore_mem>> -> memref<!tpu.dma_semaphore, #tpu.memory_space<semaphore_mem>>
      tpu.enqueue_indirect_dma source(%dma_start3A_115 : memref<125xf32, #tpu.memory_space<vmem>>) target(%dma_start3A_120 : memref<10240xf32, #tpu.memory_space<vmem_shared>>) offsets(%dma_start3A_118 : memref<125xi32, #tpu.memory_space<vmem>>) semaphore(%dma_start3A_122 : memref<!tpu.dma_semaphore, #tpu.memory_space<semaphore_mem>>) {add = true}
      %add3A_123 = arith.constant 5 : i32
      %add3A_124 = arith.addi %mul3A_63, %add3A_123 : i32
      %dma_start3A_125 = arith.constant 5 : i32
      %dma_start3A_126 = arith.constant 0 : i32
      %dma_start3A_127 = tpu.memref_slice %arg6[%dma_start3A_126] : memref<128xf32, #tpu.memory_space<vmem>> -> memref<125xf32, #tpu.memory_space<vmem>>
      %dma_start3A_128 = arith.constant 0 : i32
      %dma_start3A_129 = tpu.memref_slice %arg5[%add3A_124, %dma_start3A_128] : memref<80x125xi32, #tpu.memory_space<vmem>> -> memref<1x125xi32, #tpu.memory_space<vmem>>
      %dma_start3A_130 = tpu.memref_squeeze %dma_start3A_129 : memref<1x125xi32, #tpu.memory_space<vmem>> -> memref<125xi32, #tpu.memory_space<vmem>>
      %dma_start3A_131 = arith.constant 0 : i32
      %dma_start3A_132 = tpu.memref_slice %arg7[%dma_start3A_131] : memref<10240xf32, #tpu.memory_space<vmem_shared>> -> memref<10240xf32, #tpu.memory_space<vmem_shared>>
      %dma_start3A_133 = tpu.memref_slice %arg8[%dma_start3A_125] : memref<8x!tpu.dma_semaphore, #tpu.memory_space<semaphore_mem>> -> memref<1x!tpu.dma_semaphore, #tpu.memory_space<semaphore_mem>>
      %dma_start3A_134 = tpu.memref_squeeze %dma_start3A_133 : memref<1x!tpu.dma_semaphore, #tpu.memory_space<semaphore_mem>> -> memref<!tpu.dma_semaphore, #tpu.memory_space<semaphore_mem>>
      tpu.enqueue_indirect_dma source(%dma_start3A_127 : memref<125xf32, #tpu.memory_space<vmem>>) target(%dma_start3A_132 : memref<10240xf32, #tpu.memory_space<vmem_shared>>) offsets(%dma_start3A_130 : memref<125xi32, #tpu.memory_space<vmem>>) semaphore(%dma_start3A_134 : memref<!tpu.dma_semaphore, #tpu.memory_space<semaphore_mem>>) {add = true}
      %add3A_135 = arith.constant 6 : i32
      %add3A_136 = arith.addi %mul3A_63, %add3A_135 : i32
      %dma_start3A_137 = arith.constant 6 : i32
      %dma_start3A_138 = arith.constant 0 : i32
      %dma_start3A_139 = tpu.memref_slice %arg6[%dma_start3A_138] : memref<128xf32, #tpu.memory_space<vmem>> -> memref<125xf32, #tpu.memory_space<vmem>>
      %dma_start3A_140 = arith.constant 0 : i32
      %dma_start3A_141 = tpu.memref_slice %arg5[%add3A_136, %dma_start3A_140] : memref<80x125xi32, #tpu.memory_space<vmem>> -> memref<1x125xi32, #tpu.memory_space<vmem>>
      %dma_start3A_142 = tpu.memref_squeeze %dma_start3A_141 : memref<1x125xi32, #tpu.memory_space<vmem>> -> memref<125xi32, #tpu.memory_space<vmem>>
      %dma_start3A_143 = arith.constant 0 : i32
      %dma_start3A_144 = tpu.memref_slice %arg7[%dma_start3A_143] : memref<10240xf32, #tpu.memory_space<vmem_shared>> -> memref<10240xf32, #tpu.memory_space<vmem_shared>>
      %dma_start3A_145 = tpu.memref_slice %arg8[%dma_start3A_137] : memref<8x!tpu.dma_semaphore, #tpu.memory_space<semaphore_mem>> -> memref<1x!tpu.dma_semaphore, #tpu.memory_space<semaphore_mem>>
      %dma_start3A_146 = tpu.memref_squeeze %dma_start3A_145 : memref<1x!tpu.dma_semaphore, #tpu.memory_space<semaphore_mem>> -> memref<!tpu.dma_semaphore, #tpu.memory_space<semaphore_mem>>
      tpu.enqueue_indirect_dma source(%dma_start3A_139 : memref<125xf32, #tpu.memory_space<vmem>>) target(%dma_start3A_144 : memref<10240xf32, #tpu.memory_space<vmem_shared>>) offsets(%dma_start3A_142 : memref<125xi32, #tpu.memory_space<vmem>>) semaphore(%dma_start3A_146 : memref<!tpu.dma_semaphore, #tpu.memory_space<semaphore_mem>>) {add = true}
      %add3A_147 = arith.constant 7 : i32
      %add3A_148 = arith.addi %mul3A_63, %add3A_147 : i32
      %dma_start3A_149 = arith.constant 7 : i32
      %dma_start3A_150 = arith.constant 0 : i32
      %dma_start3A_151 = tpu.memref_slice %arg6[%dma_start3A_150] : memref<128xf32, #tpu.memory_space<vmem>> -> memref<125xf32, #tpu.memory_space<vmem>>
      %dma_start3A_152 = arith.constant 0 : i32
      %dma_start3A_153 = tpu.memref_slice %arg5[%add3A_148, %dma_start3A_152] : memref<80x125xi32, #tpu.memory_space<vmem>> -> memref<1x125xi32, #tpu.memory_space<vmem>>
      %dma_start3A_154 = tpu.memref_squeeze %dma_start3A_153 : memref<1x125xi32, #tpu.memory_space<vmem>> -> memref<125xi32, #tpu.memory_space<vmem>>
      %dma_start3A_155 = arith.constant 0 : i32
      %dma_start3A_156 = tpu.memref_slice %arg7[%dma_start3A_155] : memref<10240xf32, #tpu.memory_space<vmem_shared>> -> memref<10240xf32, #tpu.memory_space<vmem_shared>>
      %dma_start3A_157 = tpu.memref_slice %arg8[%dma_start3A_149] : memref<8x!tpu.dma_semaphore, #tpu.memory_space<semaphore_mem>> -> memref<1x!tpu.dma_semaphore, #tpu.memory_space<semaphore_mem>>
      %dma_start3A_158 = tpu.memref_squeeze %dma_start3A_157 : memref<1x!tpu.dma_semaphore, #tpu.memory_space<semaphore_mem>> -> memref<!tpu.dma_semaphore, #tpu.memory_space<semaphore_mem>>
      tpu.enqueue_indirect_dma source(%dma_start3A_151 : memref<125xf32, #tpu.memory_space<vmem>>) target(%dma_start3A_156 : memref<10240xf32, #tpu.memory_space<vmem_shared>>) offsets(%dma_start3A_154 : memref<125xi32, #tpu.memory_space<vmem>>) semaphore(%dma_start3A_158 : memref<!tpu.dma_semaphore, #tpu.memory_space<semaphore_mem>>) {add = true}
      %dma_wait3A = arith.constant 0 : i32
      %dma_wait3A_159 = arith.constant 0 : i32
      %dma_wait3A_160 = tpu.memref_slice %arg6[%dma_wait3A_159] : memref<128xf32, #tpu.memory_space<vmem>> -> memref<125xf32, #tpu.memory_space<vmem>>
      %dma_wait3A_161 = arith.constant 0 : i32
      %dma_wait3A_162 = tpu.memref_slice %arg5[%add3A_65, %dma_wait3A_161] : memref<80x125xi32, #tpu.memory_space<vmem>> -> memref<1x125xi32, #tpu.memory_space<vmem>>
      %dma_wait3A_163 = tpu.memref_squeeze %dma_wait3A_162 : memref<1x125xi32, #tpu.memory_space<vmem>> -> memref<125xi32, #tpu.memory_space<vmem>>
      %dma_wait3A_164 = arith.constant 0 : i32
      %dma_wait3A_165 = tpu.memref_slice %arg7[%dma_wait3A_164] : memref<10240xf32, #tpu.memory_space<vmem_shared>> -> memref<10240xf32, #tpu.memory_space<vmem_shared>>
      %dma_wait3A_166 = tpu.memref_slice %arg8[%dma_wait3A] : memref<8x!tpu.dma_semaphore, #tpu.memory_space<semaphore_mem>> -> memref<1x!tpu.dma_semaphore, #tpu.memory_space<semaphore_mem>>
      %dma_wait3A_167 = tpu.memref_squeeze %dma_wait3A_166 : memref<1x!tpu.dma_semaphore, #tpu.memory_space<semaphore_mem>> -> memref<!tpu.dma_semaphore, #tpu.memory_space<semaphore_mem>>
      tpu.wait_indirect_dma semaphore(%dma_wait3A_167 : memref<!tpu.dma_semaphore, #tpu.memory_space<semaphore_mem>>) src(%dma_wait3A_160 : memref<125xf32, #tpu.memory_space<vmem>>) dst(%dma_wait3A_165 : memref<10240xf32, #tpu.memory_space<vmem_shared>>)
      %dma_wait3A_168 = arith.constant 1 : i32
      %dma_wait3A_169 = arith.constant 0 : i32
      %dma_wait3A_170 = tpu.memref_slice %arg6[%dma_wait3A_169] : memref<128xf32, #tpu.memory_space<vmem>> -> memref<125xf32, #tpu.memory_space<vmem>>
      %dma_wait3A_171 = arith.constant 0 : i32
      %dma_wait3A_172 = tpu.memref_slice %arg5[%add3A_76, %dma_wait3A_171] : memref<80x125xi32, #tpu.memory_space<vmem>> -> memref<1x125xi32, #tpu.memory_space<vmem>>
      %dma_wait3A_173 = tpu.memref_squeeze %dma_wait3A_172 : memref<1x125xi32, #tpu.memory_space<vmem>> -> memref<125xi32, #tpu.memory_space<vmem>>
      %dma_wait3A_174 = arith.constant 0 : i32
      %dma_wait3A_175 = tpu.memref_slice %arg7[%dma_wait3A_174] : memref<10240xf32, #tpu.memory_space<vmem_shared>> -> memref<10240xf32, #tpu.memory_space<vmem_shared>>
      %dma_wait3A_176 = tpu.memref_slice %arg8[%dma_wait3A_168] : memref<8x!tpu.dma_semaphore, #tpu.memory_space<semaphore_mem>> -> memref<1x!tpu.dma_semaphore, #tpu.memory_space<semaphore_mem>>
      %dma_wait3A_177 = tpu.memref_squeeze %dma_wait3A_176 : memref<1x!tpu.dma_semaphore, #tpu.memory_space<semaphore_mem>> -> memref<!tpu.dma_semaphore, #tpu.memory_space<semaphore_mem>>
      tpu.wait_indirect_dma semaphore(%dma_wait3A_177 : memref<!tpu.dma_semaphore, #tpu.memory_space<semaphore_mem>>) src(%dma_wait3A_170 : memref<125xf32, #tpu.memory_space<vmem>>) dst(%dma_wait3A_175 : memref<10240xf32, #tpu.memory_space<vmem_shared>>)
      %dma_wait3A_178 = arith.constant 2 : i32
      %dma_wait3A_179 = arith.constant 0 : i32
      %dma_wait3A_180 = tpu.memref_slice %arg6[%dma_wait3A_179] : memref<128xf32, #tpu.memory_space<vmem>> -> memref<125xf32, #tpu.memory_space<vmem>>
      %dma_wait3A_181 = arith.constant 0 : i32
      %dma_wait3A_182 = tpu.memref_slice %arg5[%add3A_88, %dma_wait3A_181] : memref<80x125xi32, #tpu.memory_space<vmem>> -> memref<1x125xi32, #tpu.memory_space<vmem>>
      %dma_wait3A_183 = tpu.memref_squeeze %dma_wait3A_182 : memref<1x125xi32, #tpu.memory_space<vmem>> -> memref<125xi32, #tpu.memory_space<vmem>>
      %dma_wait3A_184 = arith.constant 0 : i32
      %dma_wait3A_185 = tpu.memref_slice %arg7[%dma_wait3A_184] : memref<10240xf32, #tpu.memory_space<vmem_shared>> -> memref<10240xf32, #tpu.memory_space<vmem_shared>>
      %dma_wait3A_186 = tpu.memref_slice %arg8[%dma_wait3A_178] : memref<8x!tpu.dma_semaphore, #tpu.memory_space<semaphore_mem>> -> memref<1x!tpu.dma_semaphore, #tpu.memory_space<semaphore_mem>>
      %dma_wait3A_187 = tpu.memref_squeeze %dma_wait3A_186 : memref<1x!tpu.dma_semaphore, #tpu.memory_space<semaphore_mem>> -> memref<!tpu.dma_semaphore, #tpu.memory_space<semaphore_mem>>
      tpu.wait_indirect_dma semaphore(%dma_wait3A_187 : memref<!tpu.dma_semaphore, #tpu.memory_space<semaphore_mem>>) src(%dma_wait3A_180 : memref<125xf32, #tpu.memory_space<vmem>>) dst(%dma_wait3A_185 : memref<10240xf32, #tpu.memory_space<vmem_shared>>)
      %dma_wait3A_188 = arith.constant 3 : i32
      %dma_wait3A_189 = arith.constant 0 : i32
      %dma_wait3A_190 = tpu.memref_slice %arg6[%dma_wait3A_189] : memref<128xf32, #tpu.memory_space<vmem>> -> memref<125xf32, #tpu.memory_space<vmem>>
      %dma_wait3A_191 = arith.constant 0 : i32
      %dma_wait3A_192 = tpu.memref_slice %arg5[%add3A_100, %dma_wait3A_191] : memref<80x125xi32, #tpu.memory_space<vmem>> -> memref<1x125xi32, #tpu.memory_space<vmem>>
      %dma_wait3A_193 = tpu.memref_squeeze %dma_wait3A_192 : memref<1x125xi32, #tpu.memory_space<vmem>> -> memref<125xi32, #tpu.memory_space<vmem>>
      %dma_wait3A_194 = arith.constant 0 : i32
      %dma_wait3A_195 = tpu.memref_slice %arg7[%dma_wait3A_194] : memref<10240xf32, #tpu.memory_space<vmem_shared>> -> memref<10240xf32, #tpu.memory_space<vmem_shared>>
      %dma_wait3A_196 = tpu.memref_slice %arg8[%dma_wait3A_188] : memref<8x!tpu.dma_semaphore, #tpu.memory_space<semaphore_mem>> -> memref<1x!tpu.dma_semaphore, #tpu.memory_space<semaphore_mem>>
      %dma_wait3A_197 = tpu.memref_squeeze %dma_wait3A_196 : memref<1x!tpu.dma_semaphore, #tpu.memory_space<semaphore_mem>> -> memref<!tpu.dma_semaphore, #tpu.memory_space<semaphore_mem>>
      tpu.wait_indirect_dma semaphore(%dma_wait3A_197 : memref<!tpu.dma_semaphore, #tpu.memory_space<semaphore_mem>>) src(%dma_wait3A_190 : memref<125xf32, #tpu.memory_space<vmem>>) dst(%dma_wait3A_195 : memref<10240xf32, #tpu.memory_space<vmem_shared>>)
      %dma_wait3A_198 = arith.constant 4 : i32
      %dma_wait3A_199 = arith.constant 0 : i32
      %dma_wait3A_200 = tpu.memref_slice %arg6[%dma_wait3A_199] : memref<128xf32, #tpu.memory_space<vmem>> -> memref<125xf32, #tpu.memory_space<vmem>>
      %dma_wait3A_201 = arith.constant 0 : i32
      %dma_wait3A_202 = tpu.memref_slice %arg5[%add3A_112, %dma_wait3A_201] : memref<80x125xi32, #tpu.memory_space<vmem>> -> memref<1x125xi32, #tpu.memory_space<vmem>>
      %dma_wait3A_203 = tpu.memref_squeeze %dma_wait3A_202 : memref<1x125xi32, #tpu.memory_space<vmem>> -> memref<125xi32, #tpu.memory_space<vmem>>
      %dma_wait3A_204 = arith.constant 0 : i32
      %dma_wait3A_205 = tpu.memref_slice %arg7[%dma_wait3A_204] : memref<10240xf32, #tpu.memory_space<vmem_shared>> -> memref<10240xf32, #tpu.memory_space<vmem_shared>>
      %dma_wait3A_206 = tpu.memref_slice %arg8[%dma_wait3A_198] : memref<8x!tpu.dma_semaphore, #tpu.memory_space<semaphore_mem>> -> memref<1x!tpu.dma_semaphore, #tpu.memory_space<semaphore_mem>>
      %dma_wait3A_207 = tpu.memref_squeeze %dma_wait3A_206 : memref<1x!tpu.dma_semaphore, #tpu.memory_space<semaphore_mem>> -> memref<!tpu.dma_semaphore, #tpu.memory_space<semaphore_mem>>
      tpu.wait_indirect_dma semaphore(%dma_wait3A_207 : memref<!tpu.dma_semaphore, #tpu.memory_space<semaphore_mem>>) src(%dma_wait3A_200 : memref<125xf32, #tpu.memory_space<vmem>>) dst(%dma_wait3A_205 : memref<10240xf32, #tpu.memory_space<vmem_shared>>)
      %dma_wait3A_208 = arith.constant 5 : i32
      %dma_wait3A_209 = arith.constant 0 : i32
      %dma_wait3A_210 = tpu.memref_slice %arg6[%dma_wait3A_209] : memref<128xf32, #tpu.memory_space<vmem>> -> memref<125xf32, #tpu.memory_space<vmem>>
      %dma_wait3A_211 = arith.constant 0 : i32
      %dma_wait3A_212 = tpu.memref_slice %arg5[%add3A_124, %dma_wait3A_211] : memref<80x125xi32, #tpu.memory_space<vmem>> -> memref<1x125xi32, #tpu.memory_space<vmem>>
      %dma_wait3A_213 = tpu.memref_squeeze %dma_wait3A_212 : memref<1x125xi32, #tpu.memory_space<vmem>> -> memref<125xi32, #tpu.memory_space<vmem>>
      %dma_wait3A_214 = arith.constant 0 : i32
      %dma_wait3A_215 = tpu.memref_slice %arg7[%dma_wait3A_214] : memref<10240xf32, #tpu.memory_space<vmem_shared>> -> memref<10240xf32, #tpu.memory_space<vmem_shared>>
      %dma_wait3A_216 = tpu.memref_slice %arg8[%dma_wait3A_208] : memref<8x!tpu.dma_semaphore, #tpu.memory_space<semaphore_mem>> -> memref<1x!tpu.dma_semaphore, #tpu.memory_space<semaphore_mem>>
      %dma_wait3A_217 = tpu.memref_squeeze %dma_wait3A_216 : memref<1x!tpu.dma_semaphore, #tpu.memory_space<semaphore_mem>> -> memref<!tpu.dma_semaphore, #tpu.memory_space<semaphore_mem>>
      tpu.wait_indirect_dma semaphore(%dma_wait3A_217 : memref<!tpu.dma_semaphore, #tpu.memory_space<semaphore_mem>>) src(%dma_wait3A_210 : memref<125xf32, #tpu.memory_space<vmem>>) dst(%dma_wait3A_215 : memref<10240xf32, #tpu.memory_space<vmem_shared>>)
      %dma_wait3A_218 = arith.constant 6 : i32
      %dma_wait3A_219 = arith.constant 0 : i32
      %dma_wait3A_220 = tpu.memref_slice %arg6[%dma_wait3A_219] : memref<128xf32, #tpu.memory_space<vmem>> -> memref<125xf32, #tpu.memory_space<vmem>>
      %dma_wait3A_221 = arith.constant 0 : i32
      %dma_wait3A_222 = tpu.memref_slice %arg5[%add3A_136, %dma_wait3A_221] : memref<80x125xi32, #tpu.memory_space<vmem>> -> memref<1x125xi32, #tpu.memory_space<vmem>>
      %dma_wait3A_223 = tpu.memref_squeeze %dma_wait3A_222 : memref<1x125xi32, #tpu.memory_space<vmem>> -> memref<125xi32, #tpu.memory_space<vmem>>
      %dma_wait3A_224 = arith.constant 0 : i32
      %dma_wait3A_225 = tpu.memref_slice %arg7[%dma_wait3A_224] : memref<10240xf32, #tpu.memory_space<vmem_shared>> -> memref<10240xf32, #tpu.memory_space<vmem_shared>>
      %dma_wait3A_226 = tpu.memref_slice %arg8[%dma_wait3A_218] : memref<8x!tpu.dma_semaphore, #tpu.memory_space<semaphore_mem>> -> memref<1x!tpu.dma_semaphore, #tpu.memory_space<semaphore_mem>>
      %dma_wait3A_227 = tpu.memref_squeeze %dma_wait3A_226 : memref<1x!tpu.dma_semaphore, #tpu.memory_space<semaphore_mem>> -> memref<!tpu.dma_semaphore, #tpu.memory_space<semaphore_mem>>
      tpu.wait_indirect_dma semaphore(%dma_wait3A_227 : memref<!tpu.dma_semaphore, #tpu.memory_space<semaphore_mem>>) src(%dma_wait3A_220 : memref<125xf32, #tpu.memory_space<vmem>>) dst(%dma_wait3A_225 : memref<10240xf32, #tpu.memory_space<vmem_shared>>)
      %dma_wait3A_228 = arith.constant 7 : i32
      %dma_wait3A_229 = arith.constant 0 : i32
      %dma_wait3A_230 = tpu.memref_slice %arg6[%dma_wait3A_229] : memref<128xf32, #tpu.memory_space<vmem>> -> memref<125xf32, #tpu.memory_space<vmem>>
      %dma_wait3A_231 = arith.constant 0 : i32
      %dma_wait3A_232 = tpu.memref_slice %arg5[%add3A_148, %dma_wait3A_231] : memref<80x125xi32, #tpu.memory_space<vmem>> -> memref<1x125xi32, #tpu.memory_space<vmem>>
      %dma_wait3A_233 = tpu.memref_squeeze %dma_wait3A_232 : memref<1x125xi32, #tpu.memory_space<vmem>> -> memref<125xi32, #tpu.memory_space<vmem>>
      %dma_wait3A_234 = arith.constant 0 : i32
      %dma_wait3A_235 = tpu.memref_slice %arg7[%dma_wait3A_234] : memref<10240xf32, #tpu.memory_space<vmem_shared>> -> memref<10240xf32, #tpu.memory_space<vmem_shared>>
      %dma_wait3A_236 = tpu.memref_slice %arg8[%dma_wait3A_228] : memref<8x!tpu.dma_semaphore, #tpu.memory_space<semaphore_mem>> -> memref<1x!tpu.dma_semaphore, #tpu.memory_space<semaphore_mem>>
      %dma_wait3A_237 = tpu.memref_squeeze %dma_wait3A_236 : memref<1x!tpu.dma_semaphore, #tpu.memory_space<semaphore_mem>> -> memref<!tpu.dma_semaphore, #tpu.memory_space<semaphore_mem>>
      tpu.wait_indirect_dma semaphore(%dma_wait3A_237 : memref<!tpu.dma_semaphore, #tpu.memory_space<semaphore_mem>>) src(%dma_wait3A_230 : memref<125xf32, #tpu.memory_space<vmem>>) dst(%dma_wait3A_235 : memref<10240xf32, #tpu.memory_space<vmem_shared>>)
    }
    %scan3A_55 = arith.constant 10 : i32
    %barrier3A_56 = arith.constant 0 : index
    tpu.barrier barrier_id(%barrier3A_56)
    %mul3A_57 = arith.constant 640 : i32
    %mul3A_58 = arith.muli %arg1, %mul3A_57 : i32
    %mul3A_59 = arith.constant 640 : i32
    %mul3A_60 = arith.muli %arg1, %mul3A_59 : i32
    "tpu.region"() ({
      %run_scoped3A_61 = tpu.sem_alloc : memref<!tpu.dma_semaphore, #tpu.memory_space<semaphore_mem>>
      %dma_start3A = tpu.memref_slice %arg4[%arg0, %mul3A_60] : memref<2x10240xf32, #tpu.memory_space<hbm>> -> memref<1x640xf32, #tpu.memory_space<hbm>>
      %dma_start3A_62 = tpu.memref_squeeze %dma_start3A : memref<1x640xf32, #tpu.memory_space<hbm>> -> memref<640xf32, #tpu.memory_space<hbm>>
      %dma_start3A_63 = tpu.memref_slice %arg7[%mul3A_58] : memref<10240xf32, #tpu.memory_space<vmem_shared>> -> memref<640xf32, #tpu.memory_space<vmem_shared>>
      tpu.enqueue_dma source(%dma_start3A_63 : memref<640xf32, #tpu.memory_space<vmem_shared>>) target(%dma_start3A_62 : memref<640xf32, #tpu.memory_space<hbm>>) target_semaphore(%run_scoped3A_61 : memref<!tpu.dma_semaphore, #tpu.memory_space<semaphore_mem>>)
      %dma_wait3A = tpu.memref_slice %arg4[%arg0, %mul3A_60] : memref<2x10240xf32, #tpu.memory_space<hbm>> -> memref<1x640xf32, #tpu.memory_space<hbm>>
      %dma_wait3A_64 = tpu.memref_squeeze %dma_wait3A : memref<1x640xf32, #tpu.memory_space<hbm>> -> memref<640xf32, #tpu.memory_space<hbm>>
      %dma_wait3A_65 = tpu.memref_slice %arg7[%mul3A_58] : memref<10240xf32, #tpu.memory_space<vmem_shared>> -> memref<640xf32, #tpu.memory_space<vmem_shared>>
      tpu.wait_dma2 semaphore(%run_scoped3A_61 : memref<!tpu.dma_semaphore, #tpu.memory_space<semaphore_mem>>) src(%dma_wait3A_65 : memref<640xf32, #tpu.memory_space<vmem_shared>>) dst(%dma_wait3A_64 : memref<640xf32, #tpu.memory_space<hbm>>)
      tpu.yield
    }) : () -> ()
    return
  }
}

#map = affine_map<(d0, d1) -> (0, 0, 0, 0)>
#map1 = affine_map<(d0, d1) -> (0, 0)>
#map2 = affine_map<(d0, d1) -> (0, 0, 0)>
module attributes {stable_mosaic.version = 14 : i64} {
  func.func @agg_k(%arg0: i32, %arg1: i32, %arg2: memref<2x32x80x125xi32, #tpu.memory_space<hbm>>, %arg3: memref<10000x64xbf16, #tpu.memory_space<hbm>>, %arg4: memref<10240x64xbf16, #tpu.memory_space<hbm>>, %arg5: memref<2x10240x64xbf16, #tpu.memory_space<hbm>>, %arg6: memref<80x125xi32, #tpu.memory_space<vmem>>, %arg7: memref<80x125xi32, #tpu.memory_space<vmem>>, %arg8: memref<125x64xbf16, #tpu.memory_space<vmem>>, %arg9: memref<125x64xbf16, #tpu.memory_space<vmem>>, %arg10: memref<125x64xbf16, #tpu.memory_space<vmem>>, %arg11: memref<125x64xbf16, #tpu.memory_space<vmem>>, %arg12: memref<125x64xbf16, #tpu.memory_space<vmem>>, %arg13: memref<125x64xbf16, #tpu.memory_space<vmem>>, %arg14: memref<125x64xbf16, #tpu.memory_space<vmem>>, %arg15: memref<125x64xbf16, #tpu.memory_space<vmem>>, %arg16: memref<125x64xbf16, #tpu.memory_space<vmem>>, %arg17: memref<125x64xbf16, #tpu.memory_space<vmem>>, %arg18: memref<10240x64xbf16, #tpu.memory_space<vmem_shared>>, %arg19: memref<5x!tpu.dma_semaphore, #tpu.memory_space<semaphore_mem>>, %arg20: memref<5x!tpu.dma_semaphore, #tpu.memory_space<semaphore_mem>>, %arg21: memref<5x!tpu.dma_semaphore, #tpu.memory_space<semaphore_mem>>, %arg22: memref<5x!tpu.dma_semaphore, #tpu.memory_space<semaphore_mem>>) attributes {dimension_semantics = [#tpu.dimension_semantics<core_parallel>, #tpu.dimension_semantics<subcore_parallel>], iteration_bounds = array<i64: 2, 16>, scalar_prefetch = 0 : i64, scratch_operands = 17 : i64, tpu.core_type = #tpu.core_type<sc_vector_subcore>, window_params = [{transform_indices = #map}, {transform_indices = #map1}, {transform_indices = #map1}, {transform_indices = #map2}]} {
    %mul3A = arith.constant 2 : i32
    %mul3A_0 = arith.muli %arg1, %mul3A : i32
    %add3A = arith.addi %mul3A_0, %arg0 : i32
    %run_scoped3A = arith.constant 0 : i32
    "tpu.region"() ({
      %run_scoped3A_16 = tpu.sem_alloc : memref<!tpu.dma_semaphore, #tpu.memory_space<semaphore_mem>>
      %dma_start3A = arith.constant 0 : i32
      %dma_start3A_17 = arith.constant 0 : i32
      %dma_start3A_18 = tpu.memref_slice %arg2[%run_scoped3A, %add3A, %dma_start3A, %dma_start3A_17] : memref<2x32x80x125xi32, #tpu.memory_space<hbm>> -> memref<1x1x80x125xi32, #tpu.memory_space<hbm>>
      %dma_start3A_19 = tpu.memref_squeeze %dma_start3A_18 : memref<1x1x80x125xi32, #tpu.memory_space<hbm>> -> memref<80x125xi32, #tpu.memory_space<hbm>>
      %dma_start3A_20 = arith.constant 0 : i32
      %dma_start3A_21 = arith.constant 0 : i32
      %dma_start3A_22 = tpu.memref_slice %arg2[%run_scoped3A, %add3A, %dma_start3A_20, %dma_start3A_21] : memref<2x32x80x125xi32, #tpu.memory_space<hbm>> -> memref<1x1x80x125xi32, #tpu.memory_space<hbm>>
      %dma_start3A_23 = tpu.memref_squeeze %dma_start3A_22 : memref<1x1x80x125xi32, #tpu.memory_space<hbm>> -> memref<80x125xi32, #tpu.memory_space<hbm>>
      tpu.enqueue_dma source(%dma_start3A_23 : memref<80x125xi32, #tpu.memory_space<hbm>>) target(%arg6 : memref<80x125xi32, #tpu.memory_space<vmem>>) target_semaphore(%run_scoped3A_16 : memref<!tpu.dma_semaphore, #tpu.memory_space<semaphore_mem>>)
      %dma_wait3A = arith.constant 0 : i32
      %dma_wait3A_24 = arith.constant 0 : i32
      %dma_wait3A_25 = tpu.memref_slice %arg2[%run_scoped3A, %add3A, %dma_wait3A, %dma_wait3A_24] : memref<2x32x80x125xi32, #tpu.memory_space<hbm>> -> memref<1x1x80x125xi32, #tpu.memory_space<hbm>>
      %dma_wait3A_26 = tpu.memref_squeeze %dma_wait3A_25 : memref<1x1x80x125xi32, #tpu.memory_space<hbm>> -> memref<80x125xi32, #tpu.memory_space<hbm>>
      %dma_wait3A_27 = arith.constant 0 : i32
      %dma_wait3A_28 = arith.constant 0 : i32
      %dma_wait3A_29 = tpu.memref_slice %arg2[%run_scoped3A, %add3A, %dma_wait3A_27, %dma_wait3A_28] : memref<2x32x80x125xi32, #tpu.memory_space<hbm>> -> memref<1x1x80x125xi32, #tpu.memory_space<hbm>>
      %dma_wait3A_30 = tpu.memref_squeeze %dma_wait3A_29 : memref<1x1x80x125xi32, #tpu.memory_space<hbm>> -> memref<80x125xi32, #tpu.memory_space<hbm>>
      tpu.wait_dma2 semaphore(%run_scoped3A_16 : memref<!tpu.dma_semaphore, #tpu.memory_space<semaphore_mem>>) src(%dma_wait3A_30 : memref<80x125xi32, #tpu.memory_space<hbm>>) dst(%arg6 : memref<80x125xi32, #tpu.memory_space<vmem>>)
      tpu.yield
    }) : () -> ()
    %run_scoped3A_1 = arith.constant 1 : i32
    "tpu.region"() ({
      %run_scoped3A_16 = tpu.sem_alloc : memref<!tpu.dma_semaphore, #tpu.memory_space<semaphore_mem>>
      %dma_start3A = arith.constant 0 : i32
      %dma_start3A_17 = arith.constant 0 : i32
      %dma_start3A_18 = tpu.memref_slice %arg2[%run_scoped3A_1, %add3A, %dma_start3A, %dma_start3A_17] : memref<2x32x80x125xi32, #tpu.memory_space<hbm>> -> memref<1x1x80x125xi32, #tpu.memory_space<hbm>>
      %dma_start3A_19 = tpu.memref_squeeze %dma_start3A_18 : memref<1x1x80x125xi32, #tpu.memory_space<hbm>> -> memref<80x125xi32, #tpu.memory_space<hbm>>
      %dma_start3A_20 = arith.constant 0 : i32
      %dma_start3A_21 = arith.constant 0 : i32
      %dma_start3A_22 = tpu.memref_slice %arg2[%run_scoped3A_1, %add3A, %dma_start3A_20, %dma_start3A_21] : memref<2x32x80x125xi32, #tpu.memory_space<hbm>> -> memref<1x1x80x125xi32, #tpu.memory_space<hbm>>
      %dma_start3A_23 = tpu.memref_squeeze %dma_start3A_22 : memref<1x1x80x125xi32, #tpu.memory_space<hbm>> -> memref<80x125xi32, #tpu.memory_space<hbm>>
      tpu.enqueue_dma source(%dma_start3A_23 : memref<80x125xi32, #tpu.memory_space<hbm>>) target(%arg7 : memref<80x125xi32, #tpu.memory_space<vmem>>) target_semaphore(%run_scoped3A_16 : memref<!tpu.dma_semaphore, #tpu.memory_space<semaphore_mem>>)
      %dma_wait3A = arith.constant 0 : i32
      %dma_wait3A_24 = arith.constant 0 : i32
      %dma_wait3A_25 = tpu.memref_slice %arg2[%run_scoped3A_1, %add3A, %dma_wait3A, %dma_wait3A_24] : memref<2x32x80x125xi32, #tpu.memory_space<hbm>> -> memref<1x1x80x125xi32, #tpu.memory_space<hbm>>
      %dma_wait3A_26 = tpu.memref_squeeze %dma_wait3A_25 : memref<1x1x80x125xi32, #tpu.memory_space<hbm>> -> memref<80x125xi32, #tpu.memory_space<hbm>>
      %dma_wait3A_27 = arith.constant 0 : i32
      %dma_wait3A_28 = arith.constant 0 : i32
      %dma_wait3A_29 = tpu.memref_slice %arg2[%run_scoped3A_1, %add3A, %dma_wait3A_27, %dma_wait3A_28] : memref<2x32x80x125xi32, #tpu.memory_space<hbm>> -> memref<1x1x80x125xi32, #tpu.memory_space<hbm>>
      %dma_wait3A_30 = tpu.memref_squeeze %dma_wait3A_29 : memref<1x1x80x125xi32, #tpu.memory_space<hbm>> -> memref<80x125xi32, #tpu.memory_space<hbm>>
      tpu.wait_dma2 semaphore(%run_scoped3A_16 : memref<!tpu.dma_semaphore, #tpu.memory_space<semaphore_mem>>) src(%dma_wait3A_30 : memref<80x125xi32, #tpu.memory_space<hbm>>) dst(%arg7 : memref<80x125xi32, #tpu.memory_space<vmem>>)
      tpu.yield
    }) : () -> ()
    %mul3A_2 = arith.constant 640 : i32
    %mul3A_3 = arith.muli %arg1, %mul3A_2 : i32
    %mul3A_4 = arith.constant 640 : i32
    %mul3A_5 = arith.muli %arg1, %mul3A_4 : i32
    "tpu.region"() ({
      %run_scoped3A_16 = tpu.sem_alloc : memref<!tpu.dma_semaphore, #tpu.memory_space<semaphore_mem>>
      %dma_start3A = arith.constant 0 : i32
      %dma_start3A_17 = tpu.memref_slice %arg18[%mul3A_5, %dma_start3A] : memref<10240x64xbf16, #tpu.memory_space<vmem_shared>> -> memref<640x64xbf16, #tpu.memory_space<vmem_shared>>
      %dma_start3A_18 = arith.constant 0 : i32
      %dma_start3A_19 = tpu.memref_slice %arg4[%mul3A_3, %dma_start3A_18] : memref<10240x64xbf16, #tpu.memory_space<hbm>> -> memref<640x64xbf16, #tpu.memory_space<hbm>>
      tpu.enqueue_dma source(%dma_start3A_19 : memref<640x64xbf16, #tpu.memory_space<hbm>>) target(%dma_start3A_17 : memref<640x64xbf16, #tpu.memory_space<vmem_shared>>) target_semaphore(%run_scoped3A_16 : memref<!tpu.dma_semaphore, #tpu.memory_space<semaphore_mem>>)
      %dma_wait3A = arith.constant 0 : i32
      %dma_wait3A_20 = tpu.memref_slice %arg18[%mul3A_5, %dma_wait3A] : memref<10240x64xbf16, #tpu.memory_space<vmem_shared>> -> memref<640x64xbf16, #tpu.memory_space<vmem_shared>>
      %dma_wait3A_21 = arith.constant 0 : i32
      %dma_wait3A_22 = tpu.memref_slice %arg4[%mul3A_3, %dma_wait3A_21] : memref<10240x64xbf16, #tpu.memory_space<hbm>> -> memref<640x64xbf16, #tpu.memory_space<hbm>>
      tpu.wait_dma2 semaphore(%run_scoped3A_16 : memref<!tpu.dma_semaphore, #tpu.memory_space<semaphore_mem>>) src(%dma_wait3A_22 : memref<640x64xbf16, #tpu.memory_space<hbm>>) dst(%dma_wait3A_20 : memref<640x64xbf16, #tpu.memory_space<vmem_shared>>)
      tpu.yield
    }) : () -> ()
    %barrier3A = arith.constant 0 : index
    tpu.barrier barrier_id(%barrier3A)
    %scan3A = arith.constant 0 : i32
    %scan3A_6 = arith.constant 0 : i32
    %scan3A_7 = arith.constant 8 : i32
    %scan3A_8 = arith.addi %scan3A_6, %scan3A_7 : i32
    %scan3A_9 = arith.constant 1 : i32
    scf.for %scan3A_16 = %scan3A_6 to %scan3A_8 step %scan3A_9  : i32 {
      %mul3A_17 = arith.constant 2 : i32
      %mul3A_18 = arith.muli %scan3A_16, %mul3A_17 : i32
      %mul3A_19 = arith.constant 5 : i32
      %mul3A_20 = arith.muli %mul3A_18, %mul3A_19 : i32
      %add3A_21 = arith.constant 0 : i32
      %add3A_22 = arith.addi %mul3A_20, %add3A_21 : i32
      %dma_start3A = arith.constant 0 : i32
      %dma_start3A_23 = arith.constant 0 : i32
      %dma_start3A_24 = tpu.memref_slice %arg6[%add3A_22, %dma_start3A_23] : memref<80x125xi32, #tpu.memory_space<vmem>> -> memref<1x125xi32, #tpu.memory_space<vmem>>
      %dma_start3A_25 = tpu.memref_squeeze %dma_start3A_24 : memref<1x125xi32, #tpu.memory_space<vmem>> -> memref<125xi32, #tpu.memory_space<vmem>>
      %dma_start3A_26 = arith.constant 0 : i32
      %dma_start3A_27 = arith.constant 0 : i32
      %dma_start3A_28 = tpu.memref_slice %arg3[%dma_start3A_26, %dma_start3A_27] : memref<10000x64xbf16, #tpu.memory_space<hbm>> -> memref<10000x64xbf16, #tpu.memory_space<hbm>>
      %dma_start3A_29 = tpu.memref_slice %arg19[%dma_start3A] : memref<5x!tpu.dma_semaphore, #tpu.memory_space<semaphore_mem>> -> memref<1x!tpu.dma_semaphore, #tpu.memory_space<semaphore_mem>>
      %dma_start3A_30 = tpu.memref_squeeze %dma_start3A_29 : memref<1x!tpu.dma_semaphore, #tpu.memory_space<semaphore_mem>> -> memref<!tpu.dma_semaphore, #tpu.memory_space<semaphore_mem>>
      tpu.enqueue_indirect_dma source(%dma_start3A_28 : memref<10000x64xbf16, #tpu.memory_space<hbm>>) target(%arg8 : memref<125x64xbf16, #tpu.memory_space<vmem>>) offsets(%dma_start3A_25 : memref<125xi32, #tpu.memory_space<vmem>>) semaphore(%dma_start3A_30 : memref<!tpu.dma_semaphore, #tpu.memory_space<semaphore_mem>>)
      %add3A_31 = arith.constant 1 : i32
      %add3A_32 = arith.addi %mul3A_20, %add3A_31 : i32
      %dma_start3A_33 = arith.constant 1 : i32
      %dma_start3A_34 = arith.constant 0 : i32
      %dma_start3A_35 = tpu.memref_slice %arg6[%add3A_32, %dma_start3A_34] : memref<80x125xi32, #tpu.memory_space<vmem>> -> memref<1x125xi32, #tpu.memory_space<vmem>>
      %dma_start3A_36 = tpu.memref_squeeze %dma_start3A_35 : memref<1x125xi32, #tpu.memory_space<vmem>> -> memref<125xi32, #tpu.memory_space<vmem>>
      %dma_start3A_37 = arith.constant 0 : i32
      %dma_start3A_38 = arith.constant 0 : i32
      %dma_start3A_39 = tpu.memref_slice %arg3[%dma_start3A_37, %dma_start3A_38] : memref<10000x64xbf16, #tpu.memory_space<hbm>> -> memref<10000x64xbf16, #tpu.memory_space<hbm>>
      %dma_start3A_40 = tpu.memref_slice %arg19[%dma_start3A_33] : memref<5x!tpu.dma_semaphore, #tpu.memory_space<semaphore_mem>> -> memref<1x!tpu.dma_semaphore, #tpu.memory_space<semaphore_mem>>
      %dma_start3A_41 = tpu.memref_squeeze %dma_start3A_40 : memref<1x!tpu.dma_semaphore, #tpu.memory_space<semaphore_mem>> -> memref<!tpu.dma_semaphore, #tpu.memory_space<semaphore_mem>>
      tpu.enqueue_indirect_dma source(%dma_start3A_39 : memref<10000x64xbf16, #tpu.memory_space<hbm>>) target(%arg9 : memref<125x64xbf16, #tpu.memory_space<vmem>>) offsets(%dma_start3A_36 : memref<125xi32, #tpu.memory_space<vmem>>) semaphore(%dma_start3A_41 : memref<!tpu.dma_semaphore, #tpu.memory_space<semaphore_mem>>)
      %add3A_42 = arith.constant 2 : i32
      %add3A_43 = arith.addi %mul3A_20, %add3A_42 : i32
      %dma_start3A_44 = arith.constant 2 : i32
      %dma_start3A_45 = arith.constant 0 : i32
      %dma_start3A_46 = tpu.memref_slice %arg6[%add3A_43, %dma_start3A_45] : memref<80x125xi32, #tpu.memory_space<vmem>> -> memref<1x125xi32, #tpu.memory_space<vmem>>
      %dma_start3A_47 = tpu.memref_squeeze %dma_start3A_46 : memref<1x125xi32, #tpu.memory_space<vmem>> -> memref<125xi32, #tpu.memory_space<vmem>>
      %dma_start3A_48 = arith.constant 0 : i32
      %dma_start3A_49 = arith.constant 0 : i32
      %dma_start3A_50 = tpu.memref_slice %arg3[%dma_start3A_48, %dma_start3A_49] : memref<10000x64xbf16, #tpu.memory_space<hbm>> -> memref<10000x64xbf16, #tpu.memory_space<hbm>>
      %dma_start3A_51 = tpu.memref_slice %arg19[%dma_start3A_44] : memref<5x!tpu.dma_semaphore, #tpu.memory_space<semaphore_mem>> -> memref<1x!tpu.dma_semaphore, #tpu.memory_space<semaphore_mem>>
      %dma_start3A_52 = tpu.memref_squeeze %dma_start3A_51 : memref<1x!tpu.dma_semaphore, #tpu.memory_space<semaphore_mem>> -> memref<!tpu.dma_semaphore, #tpu.memory_space<semaphore_mem>>
      tpu.enqueue_indirect_dma source(%dma_start3A_50 : memref<10000x64xbf16, #tpu.memory_space<hbm>>) target(%arg10 : memref<125x64xbf16, #tpu.memory_space<vmem>>) offsets(%dma_start3A_47 : memref<125xi32, #tpu.memory_space<vmem>>) semaphore(%dma_start3A_52 : memref<!tpu.dma_semaphore, #tpu.memory_space<semaphore_mem>>)
      %add3A_53 = arith.constant 3 : i32
      %add3A_54 = arith.addi %mul3A_20, %add3A_53 : i32
      %dma_start3A_55 = arith.constant 3 : i32
      %dma_start3A_56 = arith.constant 0 : i32
      %dma_start3A_57 = tpu.memref_slice %arg6[%add3A_54, %dma_start3A_56] : memref<80x125xi32, #tpu.memory_space<vmem>> -> memref<1x125xi32, #tpu.memory_space<vmem>>
      %dma_start3A_58 = tpu.memref_squeeze %dma_start3A_57 : memref<1x125xi32, #tpu.memory_space<vmem>> -> memref<125xi32, #tpu.memory_space<vmem>>
      %dma_start3A_59 = arith.constant 0 : i32
      %dma_start3A_60 = arith.constant 0 : i32
      %dma_start3A_61 = tpu.memref_slice %arg3[%dma_start3A_59, %dma_start3A_60] : memref<10000x64xbf16, #tpu.memory_space<hbm>> -> memref<10000x64xbf16, #tpu.memory_space<hbm>>
      %dma_start3A_62 = tpu.memref_slice %arg19[%dma_start3A_55] : memref<5x!tpu.dma_semaphore, #tpu.memory_space<semaphore_mem>> -> memref<1x!tpu.dma_semaphore, #tpu.memory_space<semaphore_mem>>
      %dma_start3A_63 = tpu.memref_squeeze %dma_start3A_62 : memref<1x!tpu.dma_semaphore, #tpu.memory_space<semaphore_mem>> -> memref<!tpu.dma_semaphore, #tpu.memory_space<semaphore_mem>>
      tpu.enqueue_indirect_dma source(%dma_start3A_61 : memref<10000x64xbf16, #tpu.memory_space<hbm>>) target(%arg11 : memref<125x64xbf16, #tpu.memory_space<vmem>>) offsets(%dma_start3A_58 : memref<125xi32, #tpu.memory_space<vmem>>) semaphore(%dma_start3A_63 : memref<!tpu.dma_semaphore, #tpu.memory_space<semaphore_mem>>)
      %add3A_64 = arith.constant 4 : i32
      %add3A_65 = arith.addi %mul3A_20, %add3A_64 : i32
      %dma_start3A_66 = arith.constant 4 : i32
      %dma_start3A_67 = arith.constant 0 : i32
      %dma_start3A_68 = tpu.memref_slice %arg6[%add3A_65, %dma_start3A_67] : memref<80x125xi32, #tpu.memory_space<vmem>> -> memref<1x125xi32, #tpu.memory_space<vmem>>
      %dma_start3A_69 = tpu.memref_squeeze %dma_start3A_68 : memref<1x125xi32, #tpu.memory_space<vmem>> -> memref<125xi32, #tpu.memory_space<vmem>>
      %dma_start3A_70 = arith.constant 0 : i32
      %dma_start3A_71 = arith.constant 0 : i32
      %dma_start3A_72 = tpu.memref_slice %arg3[%dma_start3A_70, %dma_start3A_71] : memref<10000x64xbf16, #tpu.memory_space<hbm>> -> memref<10000x64xbf16, #tpu.memory_space<hbm>>
      %dma_start3A_73 = tpu.memref_slice %arg19[%dma_start3A_66] : memref<5x!tpu.dma_semaphore, #tpu.memory_space<semaphore_mem>> -> memref<1x!tpu.dma_semaphore, #tpu.memory_space<semaphore_mem>>
      %dma_start3A_74 = tpu.memref_squeeze %dma_start3A_73 : memref<1x!tpu.dma_semaphore, #tpu.memory_space<semaphore_mem>> -> memref<!tpu.dma_semaphore, #tpu.memory_space<semaphore_mem>>
      tpu.enqueue_indirect_dma source(%dma_start3A_72 : memref<10000x64xbf16, #tpu.memory_space<hbm>>) target(%arg12 : memref<125x64xbf16, #tpu.memory_space<vmem>>) offsets(%dma_start3A_69 : memref<125xi32, #tpu.memory_space<vmem>>) semaphore(%dma_start3A_74 : memref<!tpu.dma_semaphore, #tpu.memory_space<semaphore_mem>>)
      %add3A_75 = arith.constant 1 : i32
      %add3A_76 = arith.addi %mul3A_18, %add3A_75 : i32
      %mul3A_77 = arith.constant 5 : i32
      %mul3A_78 = arith.muli %add3A_76, %mul3A_77 : i32
      %add3A_79 = arith.constant 0 : i32
      %add3A_80 = arith.addi %mul3A_78, %add3A_79 : i32
      %dma_start3A_81 = arith.constant 0 : i32
      %dma_start3A_82 = arith.constant 0 : i32
      %dma_start3A_83 = tpu.memref_slice %arg6[%add3A_80, %dma_start3A_82] : memref<80x125xi32, #tpu.memory_space<vmem>> -> memref<1x125xi32, #tpu.memory_space<vmem>>
      %dma_start3A_84 = tpu.memref_squeeze %dma_start3A_83 : memref<1x125xi32, #tpu.memory_space<vmem>> -> memref<125xi32, #tpu.memory_space<vmem>>
      %dma_start3A_85 = arith.constant 0 : i32
      %dma_start3A_86 = arith.constant 0 : i32
      %dma_start3A_87 = tpu.memref_slice %arg3[%dma_start3A_85, %dma_start3A_86] : memref<10000x64xbf16, #tpu.memory_space<hbm>> -> memref<10000x64xbf16, #tpu.memory_space<hbm>>
      %dma_start3A_88 = tpu.memref_slice %arg20[%dma_start3A_81] : memref<5x!tpu.dma_semaphore, #tpu.memory_space<semaphore_mem>> -> memref<1x!tpu.dma_semaphore, #tpu.memory_space<semaphore_mem>>
      %dma_start3A_89 = tpu.memref_squeeze %dma_start3A_88 : memref<1x!tpu.dma_semaphore, #tpu.memory_space<semaphore_mem>> -> memref<!tpu.dma_semaphore, #tpu.memory_space<semaphore_mem>>
      tpu.enqueue_indirect_dma source(%dma_start3A_87 : memref<10000x64xbf16, #tpu.memory_space<hbm>>) target(%arg13 : memref<125x64xbf16, #tpu.memory_space<vmem>>) offsets(%dma_start3A_84 : memref<125xi32, #tpu.memory_space<vmem>>) semaphore(%dma_start3A_89 : memref<!tpu.dma_semaphore, #tpu.memory_space<semaphore_mem>>)
      %add3A_90 = arith.constant 1 : i32
      %add3A_91 = arith.addi %mul3A_78, %add3A_90 : i32
      %dma_start3A_92 = arith.constant 1 : i32
      %dma_start3A_93 = arith.constant 0 : i32
      %dma_start3A_94 = tpu.memref_slice %arg6[%add3A_91, %dma_start3A_93] : memref<80x125xi32, #tpu.memory_space<vmem>> -> memref<1x125xi32, #tpu.memory_space<vmem>>
      %dma_start3A_95 = tpu.memref_squeeze %dma_start3A_94 : memref<1x125xi32, #tpu.memory_space<vmem>> -> memref<125xi32, #tpu.memory_space<vmem>>
      %dma_start3A_96 = arith.constant 0 : i32
      %dma_start3A_97 = arith.constant 0 : i32
      %dma_start3A_98 = tpu.memref_slice %arg3[%dma_start3A_96, %dma_start3A_97] : memref<10000x64xbf16, #tpu.memory_space<hbm>> -> memref<10000x64xbf16, #tpu.memory_space<hbm>>
      %dma_start3A_99 = tpu.memref_slice %arg20[%dma_start3A_92] : memref<5x!tpu.dma_semaphore, #tpu.memory_space<semaphore_mem>> -> memref<1x!tpu.dma_semaphore, #tpu.memory_space<semaphore_mem>>
      %dma_start3A_100 = tpu.memref_squeeze %dma_start3A_99 : memref<1x!tpu.dma_semaphore, #tpu.memory_space<semaphore_mem>> -> memref<!tpu.dma_semaphore, #tpu.memory_space<semaphore_mem>>
      tpu.enqueue_indirect_dma source(%dma_start3A_98 : memref<10000x64xbf16, #tpu.memory_space<hbm>>) target(%arg14 : memref<125x64xbf16, #tpu.memory_space<vmem>>) offsets(%dma_start3A_95 : memref<125xi32, #tpu.memory_space<vmem>>) semaphore(%dma_start3A_100 : memref<!tpu.dma_semaphore, #tpu.memory_space<semaphore_mem>>)
      %add3A_101 = arith.constant 2 : i32
      %add3A_102 = arith.addi %mul3A_78, %add3A_101 : i32
      %dma_start3A_103 = arith.constant 2 : i32
      %dma_start3A_104 = arith.constant 0 : i32
      %dma_start3A_105 = tpu.memref_slice %arg6[%add3A_102, %dma_start3A_104] : memref<80x125xi32, #tpu.memory_space<vmem>> -> memref<1x125xi32, #tpu.memory_space<vmem>>
      %dma_start3A_106 = tpu.memref_squeeze %dma_start3A_105 : memref<1x125xi32, #tpu.memory_space<vmem>> -> memref<125xi32, #tpu.memory_space<vmem>>
      %dma_start3A_107 = arith.constant 0 : i32
      %dma_start3A_108 = arith.constant 0 : i32
      %dma_start3A_109 = tpu.memref_slice %arg3[%dma_start3A_107, %dma_start3A_108] : memref<10000x64xbf16, #tpu.memory_space<hbm>> -> memref<10000x64xbf16, #tpu.memory_space<hbm>>
      %dma_start3A_110 = tpu.memref_slice %arg20[%dma_start3A_103] : memref<5x!tpu.dma_semaphore, #tpu.memory_space<semaphore_mem>> -> memref<1x!tpu.dma_semaphore, #tpu.memory_space<semaphore_mem>>
      %dma_start3A_111 = tpu.memref_squeeze %dma_start3A_110 : memref<1x!tpu.dma_semaphore, #tpu.memory_space<semaphore_mem>> -> memref<!tpu.dma_semaphore, #tpu.memory_space<semaphore_mem>>
      tpu.enqueue_indirect_dma source(%dma_start3A_109 : memref<10000x64xbf16, #tpu.memory_space<hbm>>) target(%arg15 : memref<125x64xbf16, #tpu.memory_space<vmem>>) offsets(%dma_start3A_106 : memref<125xi32, #tpu.memory_space<vmem>>) semaphore(%dma_start3A_111 : memref<!tpu.dma_semaphore, #tpu.memory_space<semaphore_mem>>)
      %add3A_112 = arith.constant 3 : i32
      %add3A_113 = arith.addi %mul3A_78, %add3A_112 : i32
      %dma_start3A_114 = arith.constant 3 : i32
      %dma_start3A_115 = arith.constant 0 : i32
      %dma_start3A_116 = tpu.memref_slice %arg6[%add3A_113, %dma_start3A_115] : memref<80x125xi32, #tpu.memory_space<vmem>> -> memref<1x125xi32, #tpu.memory_space<vmem>>
      %dma_start3A_117 = tpu.memref_squeeze %dma_start3A_116 : memref<1x125xi32, #tpu.memory_space<vmem>> -> memref<125xi32, #tpu.memory_space<vmem>>
      %dma_start3A_118 = arith.constant 0 : i32
      %dma_start3A_119 = arith.constant 0 : i32
      %dma_start3A_120 = tpu.memref_slice %arg3[%dma_start3A_118, %dma_start3A_119] : memref<10000x64xbf16, #tpu.memory_space<hbm>> -> memref<10000x64xbf16, #tpu.memory_space<hbm>>
      %dma_start3A_121 = tpu.memref_slice %arg20[%dma_start3A_114] : memref<5x!tpu.dma_semaphore, #tpu.memory_space<semaphore_mem>> -> memref<1x!tpu.dma_semaphore, #tpu.memory_space<semaphore_mem>>
      %dma_start3A_122 = tpu.memref_squeeze %dma_start3A_121 : memref<1x!tpu.dma_semaphore, #tpu.memory_space<semaphore_mem>> -> memref<!tpu.dma_semaphore, #tpu.memory_space<semaphore_mem>>
      tpu.enqueue_indirect_dma source(%dma_start3A_120 : memref<10000x64xbf16, #tpu.memory_space<hbm>>) target(%arg16 : memref<125x64xbf16, #tpu.memory_space<vmem>>) offsets(%dma_start3A_117 : memref<125xi32, #tpu.memory_space<vmem>>) semaphore(%dma_start3A_122 : memref<!tpu.dma_semaphore, #tpu.memory_space<semaphore_mem>>)
      %add3A_123 = arith.constant 4 : i32
      %add3A_124 = arith.addi %mul3A_78, %add3A_123 : i32
      %dma_start3A_125 = arith.constant 4 : i32
      %dma_start3A_126 = arith.constant 0 : i32
      %dma_start3A_127 = tpu.memref_slice %arg6[%add3A_124, %dma_start3A_126] : memref<80x125xi32, #tpu.memory_space<vmem>> -> memref<1x125xi32, #tpu.memory_space<vmem>>
      %dma_start3A_128 = tpu.memref_squeeze %dma_start3A_127 : memref<1x125xi32, #tpu.memory_space<vmem>> -> memref<125xi32, #tpu.memory_space<vmem>>
      %dma_start3A_129 = arith.constant 0 : i32
      %dma_start3A_130 = arith.constant 0 : i32
      %dma_start3A_131 = tpu.memref_slice %arg3[%dma_start3A_129, %dma_start3A_130] : memref<10000x64xbf16, #tpu.memory_space<hbm>> -> memref<10000x64xbf16, #tpu.memory_space<hbm>>
      %dma_start3A_132 = tpu.memref_slice %arg20[%dma_start3A_125] : memref<5x!tpu.dma_semaphore, #tpu.memory_space<semaphore_mem>> -> memref<1x!tpu.dma_semaphore, #tpu.memory_space<semaphore_mem>>
      %dma_start3A_133 = tpu.memref_squeeze %dma_start3A_132 : memref<1x!tpu.dma_semaphore, #tpu.memory_space<semaphore_mem>> -> memref<!tpu.dma_semaphore, #tpu.memory_space<semaphore_mem>>
      tpu.enqueue_indirect_dma source(%dma_start3A_131 : memref<10000x64xbf16, #tpu.memory_space<hbm>>) target(%arg17 : memref<125x64xbf16, #tpu.memory_space<vmem>>) offsets(%dma_start3A_128 : memref<125xi32, #tpu.memory_space<vmem>>) semaphore(%dma_start3A_133 : memref<!tpu.dma_semaphore, #tpu.memory_space<semaphore_mem>>)
      %dma_wait3A = arith.constant 0 : i32
      %dma_wait3A_134 = arith.constant 0 : i32
      %dma_wait3A_135 = tpu.memref_slice %arg6[%add3A_22, %dma_wait3A_134] : memref<80x125xi32, #tpu.memory_space<vmem>> -> memref<1x125xi32, #tpu.memory_space<vmem>>
      %dma_wait3A_136 = tpu.memref_squeeze %dma_wait3A_135 : memref<1x125xi32, #tpu.memory_space<vmem>> -> memref<125xi32, #tpu.memory_space<vmem>>
      %dma_wait3A_137 = arith.constant 0 : i32
      %dma_wait3A_138 = arith.constant 0 : i32
      %dma_wait3A_139 = tpu.memref_slice %arg3[%dma_wait3A_137, %dma_wait3A_138] : memref<10000x64xbf16, #tpu.memory_space<hbm>> -> memref<10000x64xbf16, #tpu.memory_space<hbm>>
      %dma_wait3A_140 = tpu.memref_slice %arg19[%dma_wait3A] : memref<5x!tpu.dma_semaphore, #tpu.memory_space<semaphore_mem>> -> memref<1x!tpu.dma_semaphore, #tpu.memory_space<semaphore_mem>>
      %dma_wait3A_141 = tpu.memref_squeeze %dma_wait3A_140 : memref<1x!tpu.dma_semaphore, #tpu.memory_space<semaphore_mem>> -> memref<!tpu.dma_semaphore, #tpu.memory_space<semaphore_mem>>
      tpu.wait_indirect_dma semaphore(%dma_wait3A_141 : memref<!tpu.dma_semaphore, #tpu.memory_space<semaphore_mem>>) src(%dma_wait3A_139 : memref<10000x64xbf16, #tpu.memory_space<hbm>>) dst(%arg8 : memref<125x64xbf16, #tpu.memory_space<vmem>>)
      %dma_wait3A_142 = arith.constant 1 : i32
      %dma_wait3A_143 = arith.constant 0 : i32
      %dma_wait3A_144 = tpu.memref_slice %arg6[%add3A_32, %dma_wait3A_143] : memref<80x125xi32, #tpu.memory_space<vmem>> -> memref<1x125xi32, #tpu.memory_space<vmem>>
      %dma_wait3A_145 = tpu.memref_squeeze %dma_wait3A_144 : memref<1x125xi32, #tpu.memory_space<vmem>> -> memref<125xi32, #tpu.memory_space<vmem>>
      %dma_wait3A_146 = arith.constant 0 : i32
      %dma_wait3A_147 = arith.constant 0 : i32
      %dma_wait3A_148 = tpu.memref_slice %arg3[%dma_wait3A_146, %dma_wait3A_147] : memref<10000x64xbf16, #tpu.memory_space<hbm>> -> memref<10000x64xbf16, #tpu.memory_space<hbm>>
      %dma_wait3A_149 = tpu.memref_slice %arg19[%dma_wait3A_142] : memref<5x!tpu.dma_semaphore, #tpu.memory_space<semaphore_mem>> -> memref<1x!tpu.dma_semaphore, #tpu.memory_space<semaphore_mem>>
      %dma_wait3A_150 = tpu.memref_squeeze %dma_wait3A_149 : memref<1x!tpu.dma_semaphore, #tpu.memory_space<semaphore_mem>> -> memref<!tpu.dma_semaphore, #tpu.memory_space<semaphore_mem>>
      tpu.wait_indirect_dma semaphore(%dma_wait3A_150 : memref<!tpu.dma_semaphore, #tpu.memory_space<semaphore_mem>>) src(%dma_wait3A_148 : memref<10000x64xbf16, #tpu.memory_space<hbm>>) dst(%arg9 : memref<125x64xbf16, #tpu.memory_space<vmem>>)
      %dma_wait3A_151 = arith.constant 2 : i32
      %dma_wait3A_152 = arith.constant 0 : i32
      %dma_wait3A_153 = tpu.memref_slice %arg6[%add3A_43, %dma_wait3A_152] : memref<80x125xi32, #tpu.memory_space<vmem>> -> memref<1x125xi32, #tpu.memory_space<vmem>>
      %dma_wait3A_154 = tpu.memref_squeeze %dma_wait3A_153 : memref<1x125xi32, #tpu.memory_space<vmem>> -> memref<125xi32, #tpu.memory_space<vmem>>
      %dma_wait3A_155 = arith.constant 0 : i32
      %dma_wait3A_156 = arith.constant 0 : i32
      %dma_wait3A_157 = tpu.memref_slice %arg3[%dma_wait3A_155, %dma_wait3A_156] : memref<10000x64xbf16, #tpu.memory_space<hbm>> -> memref<10000x64xbf16, #tpu.memory_space<hbm>>
      %dma_wait3A_158 = tpu.memref_slice %arg19[%dma_wait3A_151] : memref<5x!tpu.dma_semaphore, #tpu.memory_space<semaphore_mem>> -> memref<1x!tpu.dma_semaphore, #tpu.memory_space<semaphore_mem>>
      %dma_wait3A_159 = tpu.memref_squeeze %dma_wait3A_158 : memref<1x!tpu.dma_semaphore, #tpu.memory_space<semaphore_mem>> -> memref<!tpu.dma_semaphore, #tpu.memory_space<semaphore_mem>>
      tpu.wait_indirect_dma semaphore(%dma_wait3A_159 : memref<!tpu.dma_semaphore, #tpu.memory_space<semaphore_mem>>) src(%dma_wait3A_157 : memref<10000x64xbf16, #tpu.memory_space<hbm>>) dst(%arg10 : memref<125x64xbf16, #tpu.memory_space<vmem>>)
      %dma_wait3A_160 = arith.constant 3 : i32
      %dma_wait3A_161 = arith.constant 0 : i32
      %dma_wait3A_162 = tpu.memref_slice %arg6[%add3A_54, %dma_wait3A_161] : memref<80x125xi32, #tpu.memory_space<vmem>> -> memref<1x125xi32, #tpu.memory_space<vmem>>
      %dma_wait3A_163 = tpu.memref_squeeze %dma_wait3A_162 : memref<1x125xi32, #tpu.memory_space<vmem>> -> memref<125xi32, #tpu.memory_space<vmem>>
      %dma_wait3A_164 = arith.constant 0 : i32
      %dma_wait3A_165 = arith.constant 0 : i32
      %dma_wait3A_166 = tpu.memref_slice %arg3[%dma_wait3A_164, %dma_wait3A_165] : memref<10000x64xbf16, #tpu.memory_space<hbm>> -> memref<10000x64xbf16, #tpu.memory_space<hbm>>
      %dma_wait3A_167 = tpu.memref_slice %arg19[%dma_wait3A_160] : memref<5x!tpu.dma_semaphore, #tpu.memory_space<semaphore_mem>> -> memref<1x!tpu.dma_semaphore, #tpu.memory_space<semaphore_mem>>
      %dma_wait3A_168 = tpu.memref_squeeze %dma_wait3A_167 : memref<1x!tpu.dma_semaphore, #tpu.memory_space<semaphore_mem>> -> memref<!tpu.dma_semaphore, #tpu.memory_space<semaphore_mem>>
      tpu.wait_indirect_dma semaphore(%dma_wait3A_168 : memref<!tpu.dma_semaphore, #tpu.memory_space<semaphore_mem>>) src(%dma_wait3A_166 : memref<10000x64xbf16, #tpu.memory_space<hbm>>) dst(%arg11 : memref<125x64xbf16, #tpu.memory_space<vmem>>)
      %dma_wait3A_169 = arith.constant 4 : i32
      %dma_wait3A_170 = arith.constant 0 : i32
      %dma_wait3A_171 = tpu.memref_slice %arg6[%add3A_65, %dma_wait3A_170] : memref<80x125xi32, #tpu.memory_space<vmem>> -> memref<1x125xi32, #tpu.memory_space<vmem>>
      %dma_wait3A_172 = tpu.memref_squeeze %dma_wait3A_171 : memref<1x125xi32, #tpu.memory_space<vmem>> -> memref<125xi32, #tpu.memory_space<vmem>>
      %dma_wait3A_173 = arith.constant 0 : i32
      %dma_wait3A_174 = arith.constant 0 : i32
      %dma_wait3A_175 = tpu.memref_slice %arg3[%dma_wait3A_173, %dma_wait3A_174] : memref<10000x64xbf16, #tpu.memory_space<hbm>> -> memref<10000x64xbf16, #tpu.memory_space<hbm>>
      %dma_wait3A_176 = tpu.memref_slice %arg19[%dma_wait3A_169] : memref<5x!tpu.dma_semaphore, #tpu.memory_space<semaphore_mem>> -> memref<1x!tpu.dma_semaphore, #tpu.memory_space<semaphore_mem>>
      %dma_wait3A_177 = tpu.memref_squeeze %dma_wait3A_176 : memref<1x!tpu.dma_semaphore, #tpu.memory_space<semaphore_mem>> -> memref<!tpu.dma_semaphore, #tpu.memory_space<semaphore_mem>>
      tpu.wait_indirect_dma semaphore(%dma_wait3A_177 : memref<!tpu.dma_semaphore, #tpu.memory_space<semaphore_mem>>) src(%dma_wait3A_175 : memref<10000x64xbf16, #tpu.memory_space<hbm>>) dst(%arg12 : memref<125x64xbf16, #tpu.memory_space<vmem>>)
      %mul3A_178 = arith.constant 5 : i32
      %mul3A_179 = arith.muli %mul3A_18, %mul3A_178 : i32
      %add3A_180 = arith.constant 0 : i32
      %add3A_181 = arith.addi %mul3A_179, %add3A_180 : i32
      %dma_start3A_182 = arith.constant 0 : i32
      %dma_start3A_183 = arith.constant 0 : i32
      %dma_start3A_184 = tpu.memref_slice %arg7[%add3A_181, %dma_start3A_183] : memref<80x125xi32, #tpu.memory_space<vmem>> -> memref<1x125xi32, #tpu.memory_space<vmem>>
      %dma_start3A_185 = tpu.memref_squeeze %dma_start3A_184 : memref<1x125xi32, #tpu.memory_space<vmem>> -> memref<125xi32, #tpu.memory_space<vmem>>
      %dma_start3A_186 = arith.constant 0 : i32
      %dma_start3A_187 = arith.constant 0 : i32
      %dma_start3A_188 = tpu.memref_slice %arg18[%dma_start3A_186, %dma_start3A_187] : memref<10240x64xbf16, #tpu.memory_space<vmem_shared>> -> memref<10240x64xbf16, #tpu.memory_space<vmem_shared>>
      %dma_start3A_189 = tpu.memref_slice %arg21[%dma_start3A_182] : memref<5x!tpu.dma_semaphore, #tpu.memory_space<semaphore_mem>> -> memref<1x!tpu.dma_semaphore, #tpu.memory_space<semaphore_mem>>
      %dma_start3A_190 = tpu.memref_squeeze %dma_start3A_189 : memref<1x!tpu.dma_semaphore, #tpu.memory_space<semaphore_mem>> -> memref<!tpu.dma_semaphore, #tpu.memory_space<semaphore_mem>>
      tpu.enqueue_indirect_dma source(%arg8 : memref<125x64xbf16, #tpu.memory_space<vmem>>) target(%dma_start3A_188 : memref<10240x64xbf16, #tpu.memory_space<vmem_shared>>) offsets(%dma_start3A_185 : memref<125xi32, #tpu.memory_space<vmem>>) semaphore(%dma_start3A_190 : memref<!tpu.dma_semaphore, #tpu.memory_space<semaphore_mem>>) {add = true}
      %add3A_191 = arith.constant 1 : i32
      %add3A_192 = arith.addi %mul3A_179, %add3A_191 : i32
      %dma_start3A_193 = arith.constant 1 : i32
      %dma_start3A_194 = arith.constant 0 : i32
      %dma_start3A_195 = tpu.memref_slice %arg7[%add3A_192, %dma_start3A_194] : memref<80x125xi32, #tpu.memory_space<vmem>> -> memref<1x125xi32, #tpu.memory_space<vmem>>
      %dma_start3A_196 = tpu.memref_squeeze %dma_start3A_195 : memref<1x125xi32, #tpu.memory_space<vmem>> -> memref<125xi32, #tpu.memory_space<vmem>>
      %dma_start3A_197 = arith.constant 0 : i32
      %dma_start3A_198 = arith.constant 0 : i32
      %dma_start3A_199 = tpu.memref_slice %arg18[%dma_start3A_197, %dma_start3A_198] : memref<10240x64xbf16, #tpu.memory_space<vmem_shared>> -> memref<10240x64xbf16, #tpu.memory_space<vmem_shared>>
      %dma_start3A_200 = tpu.memref_slice %arg21[%dma_start3A_193] : memref<5x!tpu.dma_semaphore, #tpu.memory_space<semaphore_mem>> -> memref<1x!tpu.dma_semaphore, #tpu.memory_space<semaphore_mem>>
      %dma_start3A_201 = tpu.memref_squeeze %dma_start3A_200 : memref<1x!tpu.dma_semaphore, #tpu.memory_space<semaphore_mem>> -> memref<!tpu.dma_semaphore, #tpu.memory_space<semaphore_mem>>
      tpu.enqueue_indirect_dma source(%arg9 : memref<125x64xbf16, #tpu.memory_space<vmem>>) target(%dma_start3A_199 : memref<10240x64xbf16, #tpu.memory_space<vmem_shared>>) offsets(%dma_start3A_196 : memref<125xi32, #tpu.memory_space<vmem>>) semaphore(%dma_start3A_201 : memref<!tpu.dma_semaphore, #tpu.memory_space<semaphore_mem>>) {add = true}
      %add3A_202 = arith.constant 2 : i32
      %add3A_203 = arith.addi %mul3A_179, %add3A_202 : i32
      %dma_start3A_204 = arith.constant 2 : i32
      %dma_start3A_205 = arith.constant 0 : i32
      %dma_start3A_206 = tpu.memref_slice %arg7[%add3A_203, %dma_start3A_205] : memref<80x125xi32, #tpu.memory_space<vmem>> -> memref<1x125xi32, #tpu.memory_space<vmem>>
      %dma_start3A_207 = tpu.memref_squeeze %dma_start3A_206 : memref<1x125xi32, #tpu.memory_space<vmem>> -> memref<125xi32, #tpu.memory_space<vmem>>
      %dma_start3A_208 = arith.constant 0 : i32
      %dma_start3A_209 = arith.constant 0 : i32
      %dma_start3A_210 = tpu.memref_slice %arg18[%dma_start3A_208, %dma_start3A_209] : memref<10240x64xbf16, #tpu.memory_space<vmem_shared>> -> memref<10240x64xbf16, #tpu.memory_space<vmem_shared>>
      %dma_start3A_211 = tpu.memref_slice %arg21[%dma_start3A_204] : memref<5x!tpu.dma_semaphore, #tpu.memory_space<semaphore_mem>> -> memref<1x!tpu.dma_semaphore, #tpu.memory_space<semaphore_mem>>
      %dma_start3A_212 = tpu.memref_squeeze %dma_start3A_211 : memref<1x!tpu.dma_semaphore, #tpu.memory_space<semaphore_mem>> -> memref<!tpu.dma_semaphore, #tpu.memory_space<semaphore_mem>>
      tpu.enqueue_indirect_dma source(%arg10 : memref<125x64xbf16, #tpu.memory_space<vmem>>) target(%dma_start3A_210 : memref<10240x64xbf16, #tpu.memory_space<vmem_shared>>) offsets(%dma_start3A_207 : memref<125xi32, #tpu.memory_space<vmem>>) semaphore(%dma_start3A_212 : memref<!tpu.dma_semaphore, #tpu.memory_space<semaphore_mem>>) {add = true}
      %add3A_213 = arith.constant 3 : i32
      %add3A_214 = arith.addi %mul3A_179, %add3A_213 : i32
      %dma_start3A_215 = arith.constant 3 : i32
      %dma_start3A_216 = arith.constant 0 : i32
      %dma_start3A_217 = tpu.memref_slice %arg7[%add3A_214, %dma_start3A_216] : memref<80x125xi32, #tpu.memory_space<vmem>> -> memref<1x125xi32, #tpu.memory_space<vmem>>
      %dma_start3A_218 = tpu.memref_squeeze %dma_start3A_217 : memref<1x125xi32, #tpu.memory_space<vmem>> -> memref<125xi32, #tpu.memory_space<vmem>>
      %dma_start3A_219 = arith.constant 0 : i32
      %dma_start3A_220 = arith.constant 0 : i32
      %dma_start3A_221 = tpu.memref_slice %arg18[%dma_start3A_219, %dma_start3A_220] : memref<10240x64xbf16, #tpu.memory_space<vmem_shared>> -> memref<10240x64xbf16, #tpu.memory_space<vmem_shared>>
      %dma_start3A_222 = tpu.memref_slice %arg21[%dma_start3A_215] : memref<5x!tpu.dma_semaphore, #tpu.memory_space<semaphore_mem>> -> memref<1x!tpu.dma_semaphore, #tpu.memory_space<semaphore_mem>>
      %dma_start3A_223 = tpu.memref_squeeze %dma_start3A_222 : memref<1x!tpu.dma_semaphore, #tpu.memory_space<semaphore_mem>> -> memref<!tpu.dma_semaphore, #tpu.memory_space<semaphore_mem>>
      tpu.enqueue_indirect_dma source(%arg11 : memref<125x64xbf16, #tpu.memory_space<vmem>>) target(%dma_start3A_221 : memref<10240x64xbf16, #tpu.memory_space<vmem_shared>>) offsets(%dma_start3A_218 : memref<125xi32, #tpu.memory_space<vmem>>) semaphore(%dma_start3A_223 : memref<!tpu.dma_semaphore, #tpu.memory_space<semaphore_mem>>) {add = true}
      %add3A_224 = arith.constant 4 : i32
      %add3A_225 = arith.addi %mul3A_179, %add3A_224 : i32
      %dma_start3A_226 = arith.constant 4 : i32
      %dma_start3A_227 = arith.constant 0 : i32
      %dma_start3A_228 = tpu.memref_slice %arg7[%add3A_225, %dma_start3A_227] : memref<80x125xi32, #tpu.memory_space<vmem>> -> memref<1x125xi32, #tpu.memory_space<vmem>>
      %dma_start3A_229 = tpu.memref_squeeze %dma_start3A_228 : memref<1x125xi32, #tpu.memory_space<vmem>> -> memref<125xi32, #tpu.memory_space<vmem>>
      %dma_start3A_230 = arith.constant 0 : i32
      %dma_start3A_231 = arith.constant 0 : i32
      %dma_start3A_232 = tpu.memref_slice %arg18[%dma_start3A_230, %dma_start3A_231] : memref<10240x64xbf16, #tpu.memory_space<vmem_shared>> -> memref<10240x64xbf16, #tpu.memory_space<vmem_shared>>
      %dma_start3A_233 = tpu.memref_slice %arg21[%dma_start3A_226] : memref<5x!tpu.dma_semaphore, #tpu.memory_space<semaphore_mem>> -> memref<1x!tpu.dma_semaphore, #tpu.memory_space<semaphore_mem>>
      %dma_start3A_234 = tpu.memref_squeeze %dma_start3A_233 : memref<1x!tpu.dma_semaphore, #tpu.memory_space<semaphore_mem>> -> memref<!tpu.dma_semaphore, #tpu.memory_space<semaphore_mem>>
      tpu.enqueue_indirect_dma source(%arg12 : memref<125x64xbf16, #tpu.memory_space<vmem>>) target(%dma_start3A_232 : memref<10240x64xbf16, #tpu.memory_space<vmem_shared>>) offsets(%dma_start3A_229 : memref<125xi32, #tpu.memory_space<vmem>>) semaphore(%dma_start3A_234 : memref<!tpu.dma_semaphore, #tpu.memory_space<semaphore_mem>>) {add = true}
      %dma_wait3A_235 = arith.constant 0 : i32
      %dma_wait3A_236 = arith.constant 0 : i32
      %dma_wait3A_237 = tpu.memref_slice %arg6[%add3A_80, %dma_wait3A_236] : memref<80x125xi32, #tpu.memory_space<vmem>> -> memref<1x125xi32, #tpu.memory_space<vmem>>
      %dma_wait3A_238 = tpu.memref_squeeze %dma_wait3A_237 : memref<1x125xi32, #tpu.memory_space<vmem>> -> memref<125xi32, #tpu.memory_space<vmem>>
      %dma_wait3A_239 = arith.constant 0 : i32
      %dma_wait3A_240 = arith.constant 0 : i32
      %dma_wait3A_241 = tpu.memref_slice %arg3[%dma_wait3A_239, %dma_wait3A_240] : memref<10000x64xbf16, #tpu.memory_space<hbm>> -> memref<10000x64xbf16, #tpu.memory_space<hbm>>
      %dma_wait3A_242 = tpu.memref_slice %arg20[%dma_wait3A_235] : memref<5x!tpu.dma_semaphore, #tpu.memory_space<semaphore_mem>> -> memref<1x!tpu.dma_semaphore, #tpu.memory_space<semaphore_mem>>
      %dma_wait3A_243 = tpu.memref_squeeze %dma_wait3A_242 : memref<1x!tpu.dma_semaphore, #tpu.memory_space<semaphore_mem>> -> memref<!tpu.dma_semaphore, #tpu.memory_space<semaphore_mem>>
      tpu.wait_indirect_dma semaphore(%dma_wait3A_243 : memref<!tpu.dma_semaphore, #tpu.memory_space<semaphore_mem>>) src(%dma_wait3A_241 : memref<10000x64xbf16, #tpu.memory_space<hbm>>) dst(%arg13 : memref<125x64xbf16, #tpu.memory_space<vmem>>)
      %dma_wait3A_244 = arith.constant 1 : i32
      %dma_wait3A_245 = arith.constant 0 : i32
      %dma_wait3A_246 = tpu.memref_slice %arg6[%add3A_91, %dma_wait3A_245] : memref<80x125xi32, #tpu.memory_space<vmem>> -> memref<1x125xi32, #tpu.memory_space<vmem>>
      %dma_wait3A_247 = tpu.memref_squeeze %dma_wait3A_246 : memref<1x125xi32, #tpu.memory_space<vmem>> -> memref<125xi32, #tpu.memory_space<vmem>>
      %dma_wait3A_248 = arith.constant 0 : i32
      %dma_wait3A_249 = arith.constant 0 : i32
      %dma_wait3A_250 = tpu.memref_slice %arg3[%dma_wait3A_248, %dma_wait3A_249] : memref<10000x64xbf16, #tpu.memory_space<hbm>> -> memref<10000x64xbf16, #tpu.memory_space<hbm>>
      %dma_wait3A_251 = tpu.memref_slice %arg20[%dma_wait3A_244] : memref<5x!tpu.dma_semaphore, #tpu.memory_space<semaphore_mem>> -> memref<1x!tpu.dma_semaphore, #tpu.memory_space<semaphore_mem>>
      %dma_wait3A_252 = tpu.memref_squeeze %dma_wait3A_251 : memref<1x!tpu.dma_semaphore, #tpu.memory_space<semaphore_mem>> -> memref<!tpu.dma_semaphore, #tpu.memory_space<semaphore_mem>>
      tpu.wait_indirect_dma semaphore(%dma_wait3A_252 : memref<!tpu.dma_semaphore, #tpu.memory_space<semaphore_mem>>) src(%dma_wait3A_250 : memref<10000x64xbf16, #tpu.memory_space<hbm>>) dst(%arg14 : memref<125x64xbf16, #tpu.memory_space<vmem>>)
      %dma_wait3A_253 = arith.constant 2 : i32
      %dma_wait3A_254 = arith.constant 0 : i32
      %dma_wait3A_255 = tpu.memref_slice %arg6[%add3A_102, %dma_wait3A_254] : memref<80x125xi32, #tpu.memory_space<vmem>> -> memref<1x125xi32, #tpu.memory_space<vmem>>
      %dma_wait3A_256 = tpu.memref_squeeze %dma_wait3A_255 : memref<1x125xi32, #tpu.memory_space<vmem>> -> memref<125xi32, #tpu.memory_space<vmem>>
      %dma_wait3A_257 = arith.constant 0 : i32
      %dma_wait3A_258 = arith.constant 0 : i32
      %dma_wait3A_259 = tpu.memref_slice %arg3[%dma_wait3A_257, %dma_wait3A_258] : memref<10000x64xbf16, #tpu.memory_space<hbm>> -> memref<10000x64xbf16, #tpu.memory_space<hbm>>
      %dma_wait3A_260 = tpu.memref_slice %arg20[%dma_wait3A_253] : memref<5x!tpu.dma_semaphore, #tpu.memory_space<semaphore_mem>> -> memref<1x!tpu.dma_semaphore, #tpu.memory_space<semaphore_mem>>
      %dma_wait3A_261 = tpu.memref_squeeze %dma_wait3A_260 : memref<1x!tpu.dma_semaphore, #tpu.memory_space<semaphore_mem>> -> memref<!tpu.dma_semaphore, #tpu.memory_space<semaphore_mem>>
      tpu.wait_indirect_dma semaphore(%dma_wait3A_261 : memref<!tpu.dma_semaphore, #tpu.memory_space<semaphore_mem>>) src(%dma_wait3A_259 : memref<10000x64xbf16, #tpu.memory_space<hbm>>) dst(%arg15 : memref<125x64xbf16, #tpu.memory_space<vmem>>)
      %dma_wait3A_262 = arith.constant 3 : i32
      %dma_wait3A_263 = arith.constant 0 : i32
      %dma_wait3A_264 = tpu.memref_slice %arg6[%add3A_113, %dma_wait3A_263] : memref<80x125xi32, #tpu.memory_space<vmem>> -> memref<1x125xi32, #tpu.memory_space<vmem>>
      %dma_wait3A_265 = tpu.memref_squeeze %dma_wait3A_264 : memref<1x125xi32, #tpu.memory_space<vmem>> -> memref<125xi32, #tpu.memory_space<vmem>>
      %dma_wait3A_266 = arith.constant 0 : i32
      %dma_wait3A_267 = arith.constant 0 : i32
      %dma_wait3A_268 = tpu.memref_slice %arg3[%dma_wait3A_266, %dma_wait3A_267] : memref<10000x64xbf16, #tpu.memory_space<hbm>> -> memref<10000x64xbf16, #tpu.memory_space<hbm>>
      %dma_wait3A_269 = tpu.memref_slice %arg20[%dma_wait3A_262] : memref<5x!tpu.dma_semaphore, #tpu.memory_space<semaphore_mem>> -> memref<1x!tpu.dma_semaphore, #tpu.memory_space<semaphore_mem>>
      %dma_wait3A_270 = tpu.memref_squeeze %dma_wait3A_269 : memref<1x!tpu.dma_semaphore, #tpu.memory_space<semaphore_mem>> -> memref<!tpu.dma_semaphore, #tpu.memory_space<semaphore_mem>>
      tpu.wait_indirect_dma semaphore(%dma_wait3A_270 : memref<!tpu.dma_semaphore, #tpu.memory_space<semaphore_mem>>) src(%dma_wait3A_268 : memref<10000x64xbf16, #tpu.memory_space<hbm>>) dst(%arg16 : memref<125x64xbf16, #tpu.memory_space<vmem>>)
      %dma_wait3A_271 = arith.constant 4 : i32
      %dma_wait3A_272 = arith.constant 0 : i32
      %dma_wait3A_273 = tpu.memref_slice %arg6[%add3A_124, %dma_wait3A_272] : memref<80x125xi32, #tpu.memory_space<vmem>> -> memref<1x125xi32, #tpu.memory_space<vmem>>
      %dma_wait3A_274 = tpu.memref_squeeze %dma_wait3A_273 : memref<1x125xi32, #tpu.memory_space<vmem>> -> memref<125xi32, #tpu.memory_space<vmem>>
      %dma_wait3A_275 = arith.constant 0 : i32
      %dma_wait3A_276 = arith.constant 0 : i32
      %dma_wait3A_277 = tpu.memref_slice %arg3[%dma_wait3A_275, %dma_wait3A_276] : memref<10000x64xbf16, #tpu.memory_space<hbm>> -> memref<10000x64xbf16, #tpu.memory_space<hbm>>
      %dma_wait3A_278 = tpu.memref_slice %arg20[%dma_wait3A_271] : memref<5x!tpu.dma_semaphore, #tpu.memory_space<semaphore_mem>> -> memref<1x!tpu.dma_semaphore, #tpu.memory_space<semaphore_mem>>
      %dma_wait3A_279 = tpu.memref_squeeze %dma_wait3A_278 : memref<1x!tpu.dma_semaphore, #tpu.memory_space<semaphore_mem>> -> memref<!tpu.dma_semaphore, #tpu.memory_space<semaphore_mem>>
      tpu.wait_indirect_dma semaphore(%dma_wait3A_279 : memref<!tpu.dma_semaphore, #tpu.memory_space<semaphore_mem>>) src(%dma_wait3A_277 : memref<10000x64xbf16, #tpu.memory_space<hbm>>) dst(%arg17 : memref<125x64xbf16, #tpu.memory_space<vmem>>)
      %add3A_280 = arith.constant 1 : i32
      %add3A_281 = arith.addi %mul3A_18, %add3A_280 : i32
      %mul3A_282 = arith.constant 5 : i32
      %mul3A_283 = arith.muli %add3A_281, %mul3A_282 : i32
      %add3A_284 = arith.constant 0 : i32
      %add3A_285 = arith.addi %mul3A_283, %add3A_284 : i32
      %dma_start3A_286 = arith.constant 0 : i32
      %dma_start3A_287 = arith.constant 0 : i32
      %dma_start3A_288 = tpu.memref_slice %arg7[%add3A_285, %dma_start3A_287] : memref<80x125xi32, #tpu.memory_space<vmem>> -> memref<1x125xi32, #tpu.memory_space<vmem>>
      %dma_start3A_289 = tpu.memref_squeeze %dma_start3A_288 : memref<1x125xi32, #tpu.memory_space<vmem>> -> memref<125xi32, #tpu.memory_space<vmem>>
      %dma_start3A_290 = arith.constant 0 : i32
      %dma_start3A_291 = arith.constant 0 : i32
      %dma_start3A_292 = tpu.memref_slice %arg18[%dma_start3A_290, %dma_start3A_291] : memref<10240x64xbf16, #tpu.memory_space<vmem_shared>> -> memref<10240x64xbf16, #tpu.memory_space<vmem_shared>>
      %dma_start3A_293 = tpu.memref_slice %arg22[%dma_start3A_286] : memref<5x!tpu.dma_semaphore, #tpu.memory_space<semaphore_mem>> -> memref<1x!tpu.dma_semaphore, #tpu.memory_space<semaphore_mem>>
      %dma_start3A_294 = tpu.memref_squeeze %dma_start3A_293 : memref<1x!tpu.dma_semaphore, #tpu.memory_space<semaphore_mem>> -> memref<!tpu.dma_semaphore, #tpu.memory_space<semaphore_mem>>
      tpu.enqueue_indirect_dma source(%arg13 : memref<125x64xbf16, #tpu.memory_space<vmem>>) target(%dma_start3A_292 : memref<10240x64xbf16, #tpu.memory_space<vmem_shared>>) offsets(%dma_start3A_289 : memref<125xi32, #tpu.memory_space<vmem>>) semaphore(%dma_start3A_294 : memref<!tpu.dma_semaphore, #tpu.memory_space<semaphore_mem>>) {add = true}
      %add3A_295 = arith.constant 1 : i32
      %add3A_296 = arith.addi %mul3A_283, %add3A_295 : i32
      %dma_start3A_297 = arith.constant 1 : i32
      %dma_start3A_298 = arith.constant 0 : i32
      %dma_start3A_299 = tpu.memref_slice %arg7[%add3A_296, %dma_start3A_298] : memref<80x125xi32, #tpu.memory_space<vmem>> -> memref<1x125xi32, #tpu.memory_space<vmem>>
      %dma_start3A_300 = tpu.memref_squeeze %dma_start3A_299 : memref<1x125xi32, #tpu.memory_space<vmem>> -> memref<125xi32, #tpu.memory_space<vmem>>
      %dma_start3A_301 = arith.constant 0 : i32
      %dma_start3A_302 = arith.constant 0 : i32
      %dma_start3A_303 = tpu.memref_slice %arg18[%dma_start3A_301, %dma_start3A_302] : memref<10240x64xbf16, #tpu.memory_space<vmem_shared>> -> memref<10240x64xbf16, #tpu.memory_space<vmem_shared>>
      %dma_start3A_304 = tpu.memref_slice %arg22[%dma_start3A_297] : memref<5x!tpu.dma_semaphore, #tpu.memory_space<semaphore_mem>> -> memref<1x!tpu.dma_semaphore, #tpu.memory_space<semaphore_mem>>
      %dma_start3A_305 = tpu.memref_squeeze %dma_start3A_304 : memref<1x!tpu.dma_semaphore, #tpu.memory_space<semaphore_mem>> -> memref<!tpu.dma_semaphore, #tpu.memory_space<semaphore_mem>>
      tpu.enqueue_indirect_dma source(%arg14 : memref<125x64xbf16, #tpu.memory_space<vmem>>) target(%dma_start3A_303 : memref<10240x64xbf16, #tpu.memory_space<vmem_shared>>) offsets(%dma_start3A_300 : memref<125xi32, #tpu.memory_space<vmem>>) semaphore(%dma_start3A_305 : memref<!tpu.dma_semaphore, #tpu.memory_space<semaphore_mem>>) {add = true}
      %add3A_306 = arith.constant 2 : i32
      %add3A_307 = arith.addi %mul3A_283, %add3A_306 : i32
      %dma_start3A_308 = arith.constant 2 : i32
      %dma_start3A_309 = arith.constant 0 : i32
      %dma_start3A_310 = tpu.memref_slice %arg7[%add3A_307, %dma_start3A_309] : memref<80x125xi32, #tpu.memory_space<vmem>> -> memref<1x125xi32, #tpu.memory_space<vmem>>
      %dma_start3A_311 = tpu.memref_squeeze %dma_start3A_310 : memref<1x125xi32, #tpu.memory_space<vmem>> -> memref<125xi32, #tpu.memory_space<vmem>>
      %dma_start3A_312 = arith.constant 0 : i32
      %dma_start3A_313 = arith.constant 0 : i32
      %dma_start3A_314 = tpu.memref_slice %arg18[%dma_start3A_312, %dma_start3A_313] : memref<10240x64xbf16, #tpu.memory_space<vmem_shared>> -> memref<10240x64xbf16, #tpu.memory_space<vmem_shared>>
      %dma_start3A_315 = tpu.memref_slice %arg22[%dma_start3A_308] : memref<5x!tpu.dma_semaphore, #tpu.memory_space<semaphore_mem>> -> memref<1x!tpu.dma_semaphore, #tpu.memory_space<semaphore_mem>>
      %dma_start3A_316 = tpu.memref_squeeze %dma_start3A_315 : memref<1x!tpu.dma_semaphore, #tpu.memory_space<semaphore_mem>> -> memref<!tpu.dma_semaphore, #tpu.memory_space<semaphore_mem>>
      tpu.enqueue_indirect_dma source(%arg15 : memref<125x64xbf16, #tpu.memory_space<vmem>>) target(%dma_start3A_314 : memref<10240x64xbf16, #tpu.memory_space<vmem_shared>>) offsets(%dma_start3A_311 : memref<125xi32, #tpu.memory_space<vmem>>) semaphore(%dma_start3A_316 : memref<!tpu.dma_semaphore, #tpu.memory_space<semaphore_mem>>) {add = true}
      %add3A_317 = arith.constant 3 : i32
      %add3A_318 = arith.addi %mul3A_283, %add3A_317 : i32
      %dma_start3A_319 = arith.constant 3 : i32
      %dma_start3A_320 = arith.constant 0 : i32
      %dma_start3A_321 = tpu.memref_slice %arg7[%add3A_318, %dma_start3A_320] : memref<80x125xi32, #tpu.memory_space<vmem>> -> memref<1x125xi32, #tpu.memory_space<vmem>>
      %dma_start3A_322 = tpu.memref_squeeze %dma_start3A_321 : memref<1x125xi32, #tpu.memory_space<vmem>> -> memref<125xi32, #tpu.memory_space<vmem>>
      %dma_start3A_323 = arith.constant 0 : i32
      %dma_start3A_324 = arith.constant 0 : i32
      %dma_start3A_325 = tpu.memref_slice %arg18[%dma_start3A_323, %dma_start3A_324] : memref<10240x64xbf16, #tpu.memory_space<vmem_shared>> -> memref<10240x64xbf16, #tpu.memory_space<vmem_shared>>
      %dma_start3A_326 = tpu.memref_slice %arg22[%dma_start3A_319] : memref<5x!tpu.dma_semaphore, #tpu.memory_space<semaphore_mem>> -> memref<1x!tpu.dma_semaphore, #tpu.memory_space<semaphore_mem>>
      %dma_start3A_327 = tpu.memref_squeeze %dma_start3A_326 : memref<1x!tpu.dma_semaphore, #tpu.memory_space<semaphore_mem>> -> memref<!tpu.dma_semaphore, #tpu.memory_space<semaphore_mem>>
      tpu.enqueue_indirect_dma source(%arg16 : memref<125x64xbf16, #tpu.memory_space<vmem>>) target(%dma_start3A_325 : memref<10240x64xbf16, #tpu.memory_space<vmem_shared>>) offsets(%dma_start3A_322 : memref<125xi32, #tpu.memory_space<vmem>>) semaphore(%dma_start3A_327 : memref<!tpu.dma_semaphore, #tpu.memory_space<semaphore_mem>>) {add = true}
      %add3A_328 = arith.constant 4 : i32
      %add3A_329 = arith.addi %mul3A_283, %add3A_328 : i32
      %dma_start3A_330 = arith.constant 4 : i32
      %dma_start3A_331 = arith.constant 0 : i32
      %dma_start3A_332 = tpu.memref_slice %arg7[%add3A_329, %dma_start3A_331] : memref<80x125xi32, #tpu.memory_space<vmem>> -> memref<1x125xi32, #tpu.memory_space<vmem>>
      %dma_start3A_333 = tpu.memref_squeeze %dma_start3A_332 : memref<1x125xi32, #tpu.memory_space<vmem>> -> memref<125xi32, #tpu.memory_space<vmem>>
      %dma_start3A_334 = arith.constant 0 : i32
      %dma_start3A_335 = arith.constant 0 : i32
      %dma_start3A_336 = tpu.memref_slice %arg18[%dma_start3A_334, %dma_start3A_335] : memref<10240x64xbf16, #tpu.memory_space<vmem_shared>> -> memref<10240x64xbf16, #tpu.memory_space<vmem_shared>>
      %dma_start3A_337 = tpu.memref_slice %arg22[%dma_start3A_330] : memref<5x!tpu.dma_semaphore, #tpu.memory_space<semaphore_mem>> -> memref<1x!tpu.dma_semaphore, #tpu.memory_space<semaphore_mem>>
      %dma_start3A_338 = tpu.memref_squeeze %dma_start3A_337 : memref<1x!tpu.dma_semaphore, #tpu.memory_space<semaphore_mem>> -> memref<!tpu.dma_semaphore, #tpu.memory_space<semaphore_mem>>
      tpu.enqueue_indirect_dma source(%arg17 : memref<125x64xbf16, #tpu.memory_space<vmem>>) target(%dma_start3A_336 : memref<10240x64xbf16, #tpu.memory_space<vmem_shared>>) offsets(%dma_start3A_333 : memref<125xi32, #tpu.memory_space<vmem>>) semaphore(%dma_start3A_338 : memref<!tpu.dma_semaphore, #tpu.memory_space<semaphore_mem>>) {add = true}
      %dma_wait3A_339 = arith.constant 0 : i32
      %dma_wait3A_340 = arith.constant 0 : i32
      %dma_wait3A_341 = tpu.memref_slice %arg7[%add3A_181, %dma_wait3A_340] : memref<80x125xi32, #tpu.memory_space<vmem>> -> memref<1x125xi32, #tpu.memory_space<vmem>>
      %dma_wait3A_342 = tpu.memref_squeeze %dma_wait3A_341 : memref<1x125xi32, #tpu.memory_space<vmem>> -> memref<125xi32, #tpu.memory_space<vmem>>
      %dma_wait3A_343 = arith.constant 0 : i32
      %dma_wait3A_344 = arith.constant 0 : i32
      %dma_wait3A_345 = tpu.memref_slice %arg18[%dma_wait3A_343, %dma_wait3A_344] : memref<10240x64xbf16, #tpu.memory_space<vmem_shared>> -> memref<10240x64xbf16, #tpu.memory_space<vmem_shared>>
      %dma_wait3A_346 = tpu.memref_slice %arg21[%dma_wait3A_339] : memref<5x!tpu.dma_semaphore, #tpu.memory_space<semaphore_mem>> -> memref<1x!tpu.dma_semaphore, #tpu.memory_space<semaphore_mem>>
      %dma_wait3A_347 = tpu.memref_squeeze %dma_wait3A_346 : memref<1x!tpu.dma_semaphore, #tpu.memory_space<semaphore_mem>> -> memref<!tpu.dma_semaphore, #tpu.memory_space<semaphore_mem>>
      tpu.wait_indirect_dma semaphore(%dma_wait3A_347 : memref<!tpu.dma_semaphore, #tpu.memory_space<semaphore_mem>>) src(%arg8 : memref<125x64xbf16, #tpu.memory_space<vmem>>) dst(%dma_wait3A_345 : memref<10240x64xbf16, #tpu.memory_space<vmem_shared>>)
      %dma_wait3A_348 = arith.constant 1 : i32
      %dma_wait3A_349 = arith.constant 0 : i32
      %dma_wait3A_350 = tpu.memref_slice %arg7[%add3A_192, %dma_wait3A_349] : memref<80x125xi32, #tpu.memory_space<vmem>> -> memref<1x125xi32, #tpu.memory_space<vmem>>
      %dma_wait3A_351 = tpu.memref_squeeze %dma_wait3A_350 : memref<1x125xi32, #tpu.memory_space<vmem>> -> memref<125xi32, #tpu.memory_space<vmem>>
      %dma_wait3A_352 = arith.constant 0 : i32
      %dma_wait3A_353 = arith.constant 0 : i32
      %dma_wait3A_354 = tpu.memref_slice %arg18[%dma_wait3A_352, %dma_wait3A_353] : memref<10240x64xbf16, #tpu.memory_space<vmem_shared>> -> memref<10240x64xbf16, #tpu.memory_space<vmem_shared>>
      %dma_wait3A_355 = tpu.memref_slice %arg21[%dma_wait3A_348] : memref<5x!tpu.dma_semaphore, #tpu.memory_space<semaphore_mem>> -> memref<1x!tpu.dma_semaphore, #tpu.memory_space<semaphore_mem>>
      %dma_wait3A_356 = tpu.memref_squeeze %dma_wait3A_355 : memref<1x!tpu.dma_semaphore, #tpu.memory_space<semaphore_mem>> -> memref<!tpu.dma_semaphore, #tpu.memory_space<semaphore_mem>>
      tpu.wait_indirect_dma semaphore(%dma_wait3A_356 : memref<!tpu.dma_semaphore, #tpu.memory_space<semaphore_mem>>) src(%arg9 : memref<125x64xbf16, #tpu.memory_space<vmem>>) dst(%dma_wait3A_354 : memref<10240x64xbf16, #tpu.memory_space<vmem_shared>>)
      %dma_wait3A_357 = arith.constant 2 : i32
      %dma_wait3A_358 = arith.constant 0 : i32
      %dma_wait3A_359 = tpu.memref_slice %arg7[%add3A_203, %dma_wait3A_358] : memref<80x125xi32, #tpu.memory_space<vmem>> -> memref<1x125xi32, #tpu.memory_space<vmem>>
      %dma_wait3A_360 = tpu.memref_squeeze %dma_wait3A_359 : memref<1x125xi32, #tpu.memory_space<vmem>> -> memref<125xi32, #tpu.memory_space<vmem>>
      %dma_wait3A_361 = arith.constant 0 : i32
      %dma_wait3A_362 = arith.constant 0 : i32
      %dma_wait3A_363 = tpu.memref_slice %arg18[%dma_wait3A_361, %dma_wait3A_362] : memref<10240x64xbf16, #tpu.memory_space<vmem_shared>> -> memref<10240x64xbf16, #tpu.memory_space<vmem_shared>>
      %dma_wait3A_364 = tpu.memref_slice %arg21[%dma_wait3A_357] : memref<5x!tpu.dma_semaphore, #tpu.memory_space<semaphore_mem>> -> memref<1x!tpu.dma_semaphore, #tpu.memory_space<semaphore_mem>>
      %dma_wait3A_365 = tpu.memref_squeeze %dma_wait3A_364 : memref<1x!tpu.dma_semaphore, #tpu.memory_space<semaphore_mem>> -> memref<!tpu.dma_semaphore, #tpu.memory_space<semaphore_mem>>
      tpu.wait_indirect_dma semaphore(%dma_wait3A_365 : memref<!tpu.dma_semaphore, #tpu.memory_space<semaphore_mem>>) src(%arg10 : memref<125x64xbf16, #tpu.memory_space<vmem>>) dst(%dma_wait3A_363 : memref<10240x64xbf16, #tpu.memory_space<vmem_shared>>)
      %dma_wait3A_366 = arith.constant 3 : i32
      %dma_wait3A_367 = arith.constant 0 : i32
      %dma_wait3A_368 = tpu.memref_slice %arg7[%add3A_214, %dma_wait3A_367] : memref<80x125xi32, #tpu.memory_space<vmem>> -> memref<1x125xi32, #tpu.memory_space<vmem>>
      %dma_wait3A_369 = tpu.memref_squeeze %dma_wait3A_368 : memref<1x125xi32, #tpu.memory_space<vmem>> -> memref<125xi32, #tpu.memory_space<vmem>>
      %dma_wait3A_370 = arith.constant 0 : i32
      %dma_wait3A_371 = arith.constant 0 : i32
      %dma_wait3A_372 = tpu.memref_slice %arg18[%dma_wait3A_370, %dma_wait3A_371] : memref<10240x64xbf16, #tpu.memory_space<vmem_shared>> -> memref<10240x64xbf16, #tpu.memory_space<vmem_shared>>
      %dma_wait3A_373 = tpu.memref_slice %arg21[%dma_wait3A_366] : memref<5x!tpu.dma_semaphore, #tpu.memory_space<semaphore_mem>> -> memref<1x!tpu.dma_semaphore, #tpu.memory_space<semaphore_mem>>
      %dma_wait3A_374 = tpu.memref_squeeze %dma_wait3A_373 : memref<1x!tpu.dma_semaphore, #tpu.memory_space<semaphore_mem>> -> memref<!tpu.dma_semaphore, #tpu.memory_space<semaphore_mem>>
      tpu.wait_indirect_dma semaphore(%dma_wait3A_374 : memref<!tpu.dma_semaphore, #tpu.memory_space<semaphore_mem>>) src(%arg11 : memref<125x64xbf16, #tpu.memory_space<vmem>>) dst(%dma_wait3A_372 : memref<10240x64xbf16, #tpu.memory_space<vmem_shared>>)
      %dma_wait3A_375 = arith.constant 4 : i32
      %dma_wait3A_376 = arith.constant 0 : i32
      %dma_wait3A_377 = tpu.memref_slice %arg7[%add3A_225, %dma_wait3A_376] : memref<80x125xi32, #tpu.memory_space<vmem>> -> memref<1x125xi32, #tpu.memory_space<vmem>>
      %dma_wait3A_378 = tpu.memref_squeeze %dma_wait3A_377 : memref<1x125xi32, #tpu.memory_space<vmem>> -> memref<125xi32, #tpu.memory_space<vmem>>
      %dma_wait3A_379 = arith.constant 0 : i32
      %dma_wait3A_380 = arith.constant 0 : i32
      %dma_wait3A_381 = tpu.memref_slice %arg18[%dma_wait3A_379, %dma_wait3A_380] : memref<10240x64xbf16, #tpu.memory_space<vmem_shared>> -> memref<10240x64xbf16, #tpu.memory_space<vmem_shared>>
      %dma_wait3A_382 = tpu.memref_slice %arg21[%dma_wait3A_375] : memref<5x!tpu.dma_semaphore, #tpu.memory_space<semaphore_mem>> -> memref<1x!tpu.dma_semaphore, #tpu.memory_space<semaphore_mem>>
      %dma_wait3A_383 = tpu.memref_squeeze %dma_wait3A_382 : memref<1x!tpu.dma_semaphore, #tpu.memory_space<semaphore_mem>> -> memref<!tpu.dma_semaphore, #tpu.memory_space<semaphore_mem>>
      tpu.wait_indirect_dma semaphore(%dma_wait3A_383 : memref<!tpu.dma_semaphore, #tpu.memory_space<semaphore_mem>>) src(%arg12 : memref<125x64xbf16, #tpu.memory_space<vmem>>) dst(%dma_wait3A_381 : memref<10240x64xbf16, #tpu.memory_space<vmem_shared>>)
      %dma_wait3A_384 = arith.constant 0 : i32
      %dma_wait3A_385 = arith.constant 0 : i32
      %dma_wait3A_386 = tpu.memref_slice %arg7[%add3A_285, %dma_wait3A_385] : memref<80x125xi32, #tpu.memory_space<vmem>> -> memref<1x125xi32, #tpu.memory_space<vmem>>
      %dma_wait3A_387 = tpu.memref_squeeze %dma_wait3A_386 : memref<1x125xi32, #tpu.memory_space<vmem>> -> memref<125xi32, #tpu.memory_space<vmem>>
      %dma_wait3A_388 = arith.constant 0 : i32
      %dma_wait3A_389 = arith.constant 0 : i32
      %dma_wait3A_390 = tpu.memref_slice %arg18[%dma_wait3A_388, %dma_wait3A_389] : memref<10240x64xbf16, #tpu.memory_space<vmem_shared>> -> memref<10240x64xbf16, #tpu.memory_space<vmem_shared>>
      %dma_wait3A_391 = tpu.memref_slice %arg22[%dma_wait3A_384] : memref<5x!tpu.dma_semaphore, #tpu.memory_space<semaphore_mem>> -> memref<1x!tpu.dma_semaphore, #tpu.memory_space<semaphore_mem>>
      %dma_wait3A_392 = tpu.memref_squeeze %dma_wait3A_391 : memref<1x!tpu.dma_semaphore, #tpu.memory_space<semaphore_mem>> -> memref<!tpu.dma_semaphore, #tpu.memory_space<semaphore_mem>>
      tpu.wait_indirect_dma semaphore(%dma_wait3A_392 : memref<!tpu.dma_semaphore, #tpu.memory_space<semaphore_mem>>) src(%arg13 : memref<125x64xbf16, #tpu.memory_space<vmem>>) dst(%dma_wait3A_390 : memref<10240x64xbf16, #tpu.memory_space<vmem_shared>>)
      %dma_wait3A_393 = arith.constant 1 : i32
      %dma_wait3A_394 = arith.constant 0 : i32
      %dma_wait3A_395 = tpu.memref_slice %arg7[%add3A_296, %dma_wait3A_394] : memref<80x125xi32, #tpu.memory_space<vmem>> -> memref<1x125xi32, #tpu.memory_space<vmem>>
      %dma_wait3A_396 = tpu.memref_squeeze %dma_wait3A_395 : memref<1x125xi32, #tpu.memory_space<vmem>> -> memref<125xi32, #tpu.memory_space<vmem>>
      %dma_wait3A_397 = arith.constant 0 : i32
      %dma_wait3A_398 = arith.constant 0 : i32
      %dma_wait3A_399 = tpu.memref_slice %arg18[%dma_wait3A_397, %dma_wait3A_398] : memref<10240x64xbf16, #tpu.memory_space<vmem_shared>> -> memref<10240x64xbf16, #tpu.memory_space<vmem_shared>>
      %dma_wait3A_400 = tpu.memref_slice %arg22[%dma_wait3A_393] : memref<5x!tpu.dma_semaphore, #tpu.memory_space<semaphore_mem>> -> memref<1x!tpu.dma_semaphore, #tpu.memory_space<semaphore_mem>>
      %dma_wait3A_401 = tpu.memref_squeeze %dma_wait3A_400 : memref<1x!tpu.dma_semaphore, #tpu.memory_space<semaphore_mem>> -> memref<!tpu.dma_semaphore, #tpu.memory_space<semaphore_mem>>
      tpu.wait_indirect_dma semaphore(%dma_wait3A_401 : memref<!tpu.dma_semaphore, #tpu.memory_space<semaphore_mem>>) src(%arg14 : memref<125x64xbf16, #tpu.memory_space<vmem>>) dst(%dma_wait3A_399 : memref<10240x64xbf16, #tpu.memory_space<vmem_shared>>)
      %dma_wait3A_402 = arith.constant 2 : i32
      %dma_wait3A_403 = arith.constant 0 : i32
      %dma_wait3A_404 = tpu.memref_slice %arg7[%add3A_307, %dma_wait3A_403] : memref<80x125xi32, #tpu.memory_space<vmem>> -> memref<1x125xi32, #tpu.memory_space<vmem>>
      %dma_wait3A_405 = tpu.memref_squeeze %dma_wait3A_404 : memref<1x125xi32, #tpu.memory_space<vmem>> -> memref<125xi32, #tpu.memory_space<vmem>>
      %dma_wait3A_406 = arith.constant 0 : i32
      %dma_wait3A_407 = arith.constant 0 : i32
      %dma_wait3A_408 = tpu.memref_slice %arg18[%dma_wait3A_406, %dma_wait3A_407] : memref<10240x64xbf16, #tpu.memory_space<vmem_shared>> -> memref<10240x64xbf16, #tpu.memory_space<vmem_shared>>
      %dma_wait3A_409 = tpu.memref_slice %arg22[%dma_wait3A_402] : memref<5x!tpu.dma_semaphore, #tpu.memory_space<semaphore_mem>> -> memref<1x!tpu.dma_semaphore, #tpu.memory_space<semaphore_mem>>
      %dma_wait3A_410 = tpu.memref_squeeze %dma_wait3A_409 : memref<1x!tpu.dma_semaphore, #tpu.memory_space<semaphore_mem>> -> memref<!tpu.dma_semaphore, #tpu.memory_space<semaphore_mem>>
      tpu.wait_indirect_dma semaphore(%dma_wait3A_410 : memref<!tpu.dma_semaphore, #tpu.memory_space<semaphore_mem>>) src(%arg15 : memref<125x64xbf16, #tpu.memory_space<vmem>>) dst(%dma_wait3A_408 : memref<10240x64xbf16, #tpu.memory_space<vmem_shared>>)
      %dma_wait3A_411 = arith.constant 3 : i32
      %dma_wait3A_412 = arith.constant 0 : i32
      %dma_wait3A_413 = tpu.memref_slice %arg7[%add3A_318, %dma_wait3A_412] : memref<80x125xi32, #tpu.memory_space<vmem>> -> memref<1x125xi32, #tpu.memory_space<vmem>>
      %dma_wait3A_414 = tpu.memref_squeeze %dma_wait3A_413 : memref<1x125xi32, #tpu.memory_space<vmem>> -> memref<125xi32, #tpu.memory_space<vmem>>
      %dma_wait3A_415 = arith.constant 0 : i32
      %dma_wait3A_416 = arith.constant 0 : i32
      %dma_wait3A_417 = tpu.memref_slice %arg18[%dma_wait3A_415, %dma_wait3A_416] : memref<10240x64xbf16, #tpu.memory_space<vmem_shared>> -> memref<10240x64xbf16, #tpu.memory_space<vmem_shared>>
      %dma_wait3A_418 = tpu.memref_slice %arg22[%dma_wait3A_411] : memref<5x!tpu.dma_semaphore, #tpu.memory_space<semaphore_mem>> -> memref<1x!tpu.dma_semaphore, #tpu.memory_space<semaphore_mem>>
      %dma_wait3A_419 = tpu.memref_squeeze %dma_wait3A_418 : memref<1x!tpu.dma_semaphore, #tpu.memory_space<semaphore_mem>> -> memref<!tpu.dma_semaphore, #tpu.memory_space<semaphore_mem>>
      tpu.wait_indirect_dma semaphore(%dma_wait3A_419 : memref<!tpu.dma_semaphore, #tpu.memory_space<semaphore_mem>>) src(%arg16 : memref<125x64xbf16, #tpu.memory_space<vmem>>) dst(%dma_wait3A_417 : memref<10240x64xbf16, #tpu.memory_space<vmem_shared>>)
      %dma_wait3A_420 = arith.constant 4 : i32
      %dma_wait3A_421 = arith.constant 0 : i32
      %dma_wait3A_422 = tpu.memref_slice %arg7[%add3A_329, %dma_wait3A_421] : memref<80x125xi32, #tpu.memory_space<vmem>> -> memref<1x125xi32, #tpu.memory_space<vmem>>
      %dma_wait3A_423 = tpu.memref_squeeze %dma_wait3A_422 : memref<1x125xi32, #tpu.memory_space<vmem>> -> memref<125xi32, #tpu.memory_space<vmem>>
      %dma_wait3A_424 = arith.constant 0 : i32
      %dma_wait3A_425 = arith.constant 0 : i32
      %dma_wait3A_426 = tpu.memref_slice %arg18[%dma_wait3A_424, %dma_wait3A_425] : memref<10240x64xbf16, #tpu.memory_space<vmem_shared>> -> memref<10240x64xbf16, #tpu.memory_space<vmem_shared>>
      %dma_wait3A_427 = tpu.memref_slice %arg22[%dma_wait3A_420] : memref<5x!tpu.dma_semaphore, #tpu.memory_space<semaphore_mem>> -> memref<1x!tpu.dma_semaphore, #tpu.memory_space<semaphore_mem>>
      %dma_wait3A_428 = tpu.memref_squeeze %dma_wait3A_427 : memref<1x!tpu.dma_semaphore, #tpu.memory_space<semaphore_mem>> -> memref<!tpu.dma_semaphore, #tpu.memory_space<semaphore_mem>>
      tpu.wait_indirect_dma semaphore(%dma_wait3A_428 : memref<!tpu.dma_semaphore, #tpu.memory_space<semaphore_mem>>) src(%arg17 : memref<125x64xbf16, #tpu.memory_space<vmem>>) dst(%dma_wait3A_426 : memref<10240x64xbf16, #tpu.memory_space<vmem_shared>>)
    }
    %scan3A_10 = arith.constant 8 : i32
    %barrier3A_11 = arith.constant 0 : index
    tpu.barrier barrier_id(%barrier3A_11)
    %mul3A_12 = arith.constant 640 : i32
    %mul3A_13 = arith.muli %arg1, %mul3A_12 : i32
    %mul3A_14 = arith.constant 640 : i32
    %mul3A_15 = arith.muli %arg1, %mul3A_14 : i32
    "tpu.region"() ({
      %run_scoped3A_16 = tpu.sem_alloc : memref<!tpu.dma_semaphore, #tpu.memory_space<semaphore_mem>>
      %dma_start3A = arith.constant 0 : i32
      %dma_start3A_17 = tpu.memref_slice %arg5[%arg0, %mul3A_15, %dma_start3A] : memref<2x10240x64xbf16, #tpu.memory_space<hbm>> -> memref<1x640x64xbf16, #tpu.memory_space<hbm>>
      %dma_start3A_18 = tpu.memref_squeeze %dma_start3A_17 : memref<1x640x64xbf16, #tpu.memory_space<hbm>> -> memref<640x64xbf16, #tpu.memory_space<hbm>>
      %dma_start3A_19 = arith.constant 0 : i32
      %dma_start3A_20 = tpu.memref_slice %arg18[%mul3A_13, %dma_start3A_19] : memref<10240x64xbf16, #tpu.memory_space<vmem_shared>> -> memref<640x64xbf16, #tpu.memory_space<vmem_shared>>
      tpu.enqueue_dma source(%dma_start3A_20 : memref<640x64xbf16, #tpu.memory_space<vmem_shared>>) target(%dma_start3A_18 : memref<640x64xbf16, #tpu.memory_space<hbm>>) target_semaphore(%run_scoped3A_16 : memref<!tpu.dma_semaphore, #tpu.memory_space<semaphore_mem>>)
      %dma_wait3A = arith.constant 0 : i32
      %dma_wait3A_21 = tpu.memref_slice %arg5[%arg0, %mul3A_15, %dma_wait3A] : memref<2x10240x64xbf16, #tpu.memory_space<hbm>> -> memref<1x640x64xbf16, #tpu.memory_space<hbm>>
      %dma_wait3A_22 = tpu.memref_squeeze %dma_wait3A_21 : memref<1x640x64xbf16, #tpu.memory_space<hbm>> -> memref<640x64xbf16, #tpu.memory_space<hbm>>
      %dma_wait3A_23 = arith.constant 0 : i32
      %dma_wait3A_24 = tpu.memref_slice %arg18[%mul3A_13, %dma_wait3A_23] : memref<10240x64xbf16, #tpu.memory_space<vmem_shared>> -> memref<640x64xbf16, #tpu.memory_space<vmem_shared>>
      tpu.wait_dma2 semaphore(%run_scoped3A_16 : memref<!tpu.dma_semaphore, #tpu.memory_space<semaphore_mem>>) src(%dma_wait3A_24 : memref<640x64xbf16, #tpu.memory_space<vmem_shared>>) dst(%dma_wait3A_22 : memref<640x64xbf16, #tpu.memory_space<hbm>>)
      tpu.yield
    }) : () -> ()
    return
  }
}

module attributes {stable_mosaic.version = 14 : i64} {
  func.func @_tc1(%arg0: memref<10000x128xf32, #tpu.memory_space<vmem>>, %arg1: memref<128x64xf32, #tpu.memory_space<vmem>>, %arg2: memref<10000x1xf32, #tpu.memory_space<vmem>>, %arg3: memref<10000x1xf32, #tpu.memory_space<vmem>>, %arg4: memref<10000x64xbf16, #tpu.memory_space<vmem>>, %arg5: memref<10000x1xf32, #tpu.memory_space<vmem>>) attributes {dimension_semantics = [], scalar_prefetch = 0 : i64, scratch_operands = 0 : i64, tpu.core_type = #tpu.core_type<tc>} {
    %get3A = arith.constant 0 : index
    %get3A_0 = arith.constant 0 : index
    %get3A_1 = vector.load %arg2[%get3A, %get3A_0] : memref<10000x1xf32, #tpu.memory_space<vmem>>, vector<10000x1xf32>
    %get3A_2 = arith.constant 0 : index
    %get3A_3 = arith.constant 0 : index
    %get3A_4 = vector.load %arg3[%get3A_2, %get3A_3] : memref<10000x1xf32, #tpu.memory_space<vmem>>, vector<10000x1xf32>
    %add3A = arith.addf %get3A_1, %get3A_4 : vector<10000x1xf32>
    %add3A_5 = arith.constant 1.000000e+00 : f32
    %add3A_6 = vector.broadcast %add3A_5 : f32 to vector<10000x1xf32>
    %add3A_7 = arith.addf %add3A, %add3A_6 : vector<10000x1xf32>
    %rsqrt3A = math.rsqrt %add3A_7 : vector<10000x1xf32>
    %get3A_8 = arith.constant 0 : index
    %get3A_9 = arith.constant 0 : index
    %get3A_10 = vector.load %arg0[%get3A_8, %get3A_9] : memref<10000x128xf32, #tpu.memory_space<vmem>>, vector<10000x128xf32>
    %get3A_11 = arith.constant 0 : index
    %get3A_12 = arith.constant 0 : index
    %get3A_13 = vector.load %arg1[%get3A_11, %get3A_12] : memref<128x64xf32, #tpu.memory_space<vmem>>, vector<128x64xf32>
    %dot_general3A = arith.constant dense<0.000000e+00> : vector<10000x64xf32>
    %dot_general3A_14 = tpu.matmul %get3A_10, %get3A_13, %dot_general3A {dimension_numbers = #tpu.dot_dimension_numbers<[1], [0], [0], [1], [0, 0, 1, 1], [], []>, transpose_lhs_hint = false} : vector<10000x128xf32>, vector<128x64xf32>, vector<10000x64xf32> -> vector<10000x64xf32>
    %mul3A = vector.broadcast %rsqrt3A : vector<10000x1xf32> to vector<10000x64xf32>
    %mul3A_15 = arith.mulf %dot_general3A_14, %mul3A : vector<10000x64xf32>
    %convert_element_type3A = arith.truncf %mul3A_15 : vector<10000x64xf32> to vector<10000x64xbf16>
    %swap3A = arith.constant 0 : index
    %swap3A_16 = arith.constant 0 : index
    %swap3A_17 = vector.load %arg4[%swap3A, %swap3A_16] : memref<10000x64xbf16, #tpu.memory_space<vmem>>, vector<10000x64xbf16>
    tpu.vector_store %arg4[%swap3A, %swap3A_16], %convert_element_type3A {strides = array<i32>} : memref<10000x64xbf16, #tpu.memory_space<vmem>>, vector<10000x64xbf16>,
    %swap3A_18 = arith.constant 0 : index
    %swap3A_19 = arith.constant 0 : index
    %swap3A_20 = vector.load %arg5[%swap3A_18, %swap3A_19] : memref<10000x1xf32, #tpu.memory_space<vmem>>, vector<10000x1xf32>
    tpu.vector_store %arg5[%swap3A_18, %swap3A_19], %rsqrt3A {strides = array<i32>} : memref<10000x1xf32, #tpu.memory_space<vmem>>, vector<10000x1xf32>,
    return
  }
}

module attributes {stable_mosaic.version = 14 : i64} {
  func.func @_tc2(%arg0: memref<2x10240x64xbf16, #tpu.memory_space<vmem>>, %arg1: memref<10000x64xbf16, #tpu.memory_space<vmem>>, %arg2: memref<10000x1xf32, #tpu.memory_space<vmem>>, %arg3: memref<64xf32, #tpu.memory_space<vmem>>, %arg4: memref<64x32xf32, #tpu.memory_space<vmem>>, %arg5: memref<10000x32xbf16, #tpu.memory_space<vmem>>) attributes {dimension_semantics = [], scalar_prefetch = 0 : i64, scratch_operands = 0 : i64, tpu.core_type = #tpu.core_type<tc>} {
    %get3A = arith.constant 0 : index
    %get3A_0 = arith.constant 0 : index
    %get3A_1 = arith.constant 0 : index
    %get3A_2 = vector.load %arg0[%get3A, %get3A_0, %get3A_1] : memref<2x10240x64xbf16, #tpu.memory_space<vmem>>, vector<1x10000x64xbf16>
    %get3A_3 = vector.shape_cast %get3A_2 : vector<1x10000x64xbf16> to vector<10000x64xbf16>
    %convert_element_type3A = arith.extf %get3A_3 : vector<10000x64xbf16> to vector<10000x64xf32>
    %get3A_4 = arith.constant 1 : index
    %get3A_5 = arith.constant 0 : index
    %get3A_6 = arith.constant 0 : index
    %get3A_7 = vector.load %arg0[%get3A_4, %get3A_5, %get3A_6] : memref<2x10240x64xbf16, #tpu.memory_space<vmem>>, vector<1x10000x64xbf16>
    %get3A_8 = vector.shape_cast %get3A_7 : vector<1x10000x64xbf16> to vector<10000x64xbf16>
    %convert_element_type3A_9 = arith.extf %get3A_8 : vector<10000x64xbf16> to vector<10000x64xf32>
    %add3A = arith.addf %convert_element_type3A, %convert_element_type3A_9 : vector<10000x64xf32>
    %get3A_10 = arith.constant 0 : index
    %get3A_11 = arith.constant 0 : index
    %get3A_12 = vector.load %arg1[%get3A_10, %get3A_11] : memref<10000x64xbf16, #tpu.memory_space<vmem>>, vector<10000x64xbf16>
    %convert_element_type3A_13 = arith.extf %get3A_12 : vector<10000x64xbf16> to vector<10000x64xf32>
    %add3A_14 = arith.addf %add3A, %convert_element_type3A_13 : vector<10000x64xf32>
    %get3A_15 = arith.constant 0 : index
    %get3A_16 = arith.constant 0 : index
    %get3A_17 = vector.load %arg2[%get3A_15, %get3A_16] : memref<10000x1xf32, #tpu.memory_space<vmem>>, vector<10000x1xf32>
    %mul3A = vector.broadcast %get3A_17 : vector<10000x1xf32> to vector<10000x64xf32>
    %mul3A_18 = arith.mulf %add3A_14, %mul3A : vector<10000x64xf32>
    %get3A_19 = arith.constant 0 : index
    %get3A_20 = vector.load %arg3[%get3A_19] : memref<64xf32, #tpu.memory_space<vmem>>, vector<64xf32>
    %broadcast_in_dim3A = vector.shape_cast %get3A_20 : vector<64xf32> to vector<1x64xf32>
    %add3A_21 = vector.broadcast %broadcast_in_dim3A : vector<1x64xf32> to vector<10000x64xf32>
    %add3A_22 = arith.addf %mul3A_18, %add3A_21 : vector<10000x64xf32>
    %max3A = arith.constant 0.000000e+00 : f32
    %max3A_23 = vector.broadcast %max3A : f32 to vector<10000x64xf32>
    %max3A_24 = arith.maximumf %add3A_22, %max3A_23 : vector<10000x64xf32>
    %get3A_25 = arith.constant 0 : index
    %get3A_26 = arith.constant 0 : index
    %get3A_27 = vector.load %arg4[%get3A_25, %get3A_26] : memref<64x32xf32, #tpu.memory_space<vmem>>, vector<64x32xf32>
    %dot_general3A = arith.constant dense<0.000000e+00> : vector<10000x32xf32>
    %dot_general3A_28 = tpu.matmul %max3A_24, %get3A_27, %dot_general3A {dimension_numbers = #tpu.dot_dimension_numbers<[1], [0], [0], [1], [0, 0, 1, 1], [], []>, transpose_lhs_hint = false} : vector<10000x64xf32>, vector<64x32xf32>, vector<10000x32xf32> -> vector<10000x32xf32>
    %get3A_29 = arith.constant 0 : index
    %get3A_30 = arith.constant 0 : index
    %get3A_31 = vector.load %arg2[%get3A_29, %get3A_30] : memref<10000x1xf32, #tpu.memory_space<vmem>>, vector<10000x1xf32>
    %mul3A_32 = vector.broadcast %get3A_31 : vector<10000x1xf32> to vector<10000x32xf32>
    %mul3A_33 = arith.mulf %dot_general3A_28, %mul3A_32 : vector<10000x32xf32>
    %convert_element_type3A_34 = arith.truncf %mul3A_33 : vector<10000x32xf32> to vector<10000x32xbf16>
    %swap3A = arith.constant 0 : index
    %swap3A_35 = arith.constant 0 : index
    %swap3A_36 = vector.load %arg5[%swap3A, %swap3A_35] : memref<10000x32xbf16, #tpu.memory_space<vmem>>, vector<10000x32xbf16>
    tpu.vector_store %arg5[%swap3A, %swap3A_35], %convert_element_type3A_34 {strides = array<i32>} : memref<10000x32xbf16, #tpu.memory_space<vmem>>, vector<10000x32xbf16>,
    return
  }
}

module attributes {stable_mosaic.version = 14 : i64} {
  func.func @_tc3(%arg0: memref<2x10240x32xbf16, #tpu.memory_space<vmem>>, %arg1: memref<10000x32xbf16, #tpu.memory_space<vmem>>, %arg2: memref<10000x1xf32, #tpu.memory_space<vmem>>, %arg3: memref<32xf32, #tpu.memory_space<vmem>>, %arg4: memref<32x16xf32, #tpu.memory_space<vmem>>, %arg5: memref<16xf32, #tpu.memory_space<vmem>>, %arg6: memref<1x16xf32, #tpu.memory_space<vmem>>) attributes {dimension_semantics = [], scalar_prefetch = 0 : i64, scratch_operands = 0 : i64, tpu.core_type = #tpu.core_type<tc>} {
    %get3A = arith.constant 0 : index
    %get3A_0 = arith.constant 0 : index
    %get3A_1 = arith.constant 0 : index
    %get3A_2 = vector.load %arg0[%get3A, %get3A_0, %get3A_1] : memref<2x10240x32xbf16, #tpu.memory_space<vmem>>, vector<1x10000x32xbf16>
    %get3A_3 = vector.shape_cast %get3A_2 : vector<1x10000x32xbf16> to vector<10000x32xbf16>
    %convert_element_type3A = arith.extf %get3A_3 : vector<10000x32xbf16> to vector<10000x32xf32>
    %get3A_4 = arith.constant 1 : index
    %get3A_5 = arith.constant 0 : index
    %get3A_6 = arith.constant 0 : index
    %get3A_7 = vector.load %arg0[%get3A_4, %get3A_5, %get3A_6] : memref<2x10240x32xbf16, #tpu.memory_space<vmem>>, vector<1x10000x32xbf16>
    %get3A_8 = vector.shape_cast %get3A_7 : vector<1x10000x32xbf16> to vector<10000x32xbf16>
    %convert_element_type3A_9 = arith.extf %get3A_8 : vector<10000x32xbf16> to vector<10000x32xf32>
    %add3A = arith.addf %convert_element_type3A, %convert_element_type3A_9 : vector<10000x32xf32>
    %get3A_10 = arith.constant 0 : index
    %get3A_11 = arith.constant 0 : index
    %get3A_12 = vector.load %arg1[%get3A_10, %get3A_11] : memref<10000x32xbf16, #tpu.memory_space<vmem>>, vector<10000x32xbf16>
    %convert_element_type3A_13 = arith.extf %get3A_12 : vector<10000x32xbf16> to vector<10000x32xf32>
    %add3A_14 = arith.addf %add3A, %convert_element_type3A_13 : vector<10000x32xf32>
    %get3A_15 = arith.constant 0 : index
    %get3A_16 = arith.constant 0 : index
    %get3A_17 = vector.load %arg2[%get3A_15, %get3A_16] : memref<10000x1xf32, #tpu.memory_space<vmem>>, vector<10000x1xf32>
    %mul3A = vector.broadcast %get3A_17 : vector<10000x1xf32> to vector<10000x32xf32>
    %mul3A_18 = arith.mulf %add3A_14, %mul3A : vector<10000x32xf32>
    %get3A_19 = arith.constant 0 : index
    %get3A_20 = vector.load %arg3[%get3A_19] : memref<32xf32, #tpu.memory_space<vmem>>, vector<32xf32>
    %broadcast_in_dim3A = vector.shape_cast %get3A_20 : vector<32xf32> to vector<1x32xf32>
    %add3A_21 = vector.broadcast %broadcast_in_dim3A : vector<1x32xf32> to vector<10000x32xf32>
    %add3A_22 = arith.addf %mul3A_18, %add3A_21 : vector<10000x32xf32>
    %max3A = arith.constant 0.000000e+00 : f32
    %max3A_23 = vector.broadcast %max3A : f32 to vector<10000x32xf32>
    %max3A_24 = arith.maximumf %add3A_22, %max3A_23 : vector<10000x32xf32>
    %reduce_sum3A = arith.constant dense<0.000000e+00> : vector<32xf32>
    %reduce_sum3A_25 = vector.multi_reduction <add>, %max3A_24, %reduce_sum3A [0] : vector<10000x32xf32> to vector<32xf32>
    %broadcast_in_dim3A_26 = vector.shape_cast %reduce_sum3A_25 : vector<32xf32> to vector<1x32xf32>
    %mul3A_27 = arith.constant 9.99999974E-5 : f32
    %mul3A_28 = vector.broadcast %mul3A_27 : f32 to vector<1x32xf32>
    %mul3A_29 = arith.mulf %broadcast_in_dim3A_26, %mul3A_28 : vector<1x32xf32>
    %get3A_30 = arith.constant 0 : index
    %get3A_31 = arith.constant 0 : index
    %get3A_32 = vector.load %arg4[%get3A_30, %get3A_31] : memref<32x16xf32, #tpu.memory_space<vmem>>, vector<32x16xf32>
    %dot_general3A = arith.constant dense<0.000000e+00> : vector<1x16xf32>
    %dot_general3A_33 = tpu.matmul %mul3A_29, %get3A_32, %dot_general3A {dimension_numbers = #tpu.dot_dimension_numbers<[1], [0], [0], [1], [0, 0, 1, 1], [], []>, transpose_lhs_hint = false} : vector<1x32xf32>, vector<32x16xf32>, vector<1x16xf32> -> vector<1x16xf32>
    %get3A_34 = arith.constant 0 : index
    %get3A_35 = vector.load %arg5[%get3A_34] : memref<16xf32, #tpu.memory_space<vmem>>, vector<16xf32>
    %broadcast_in_dim3A_36 = vector.shape_cast %get3A_35 : vector<16xf32> to vector<1x16xf32>
    %add3A_37 = arith.addf %dot_general3A_33, %broadcast_in_dim3A_36 : vector<1x16xf32>
    %swap3A = arith.constant 0 : index
    %swap3A_38 = arith.constant 0 : index
    %swap3A_39 = vector.load %arg6[%swap3A, %swap3A_38] : memref<1x16xf32, #tpu.memory_space<vmem>>, vector<1x16xf32>
    tpu.vector_store %arg6[%swap3A, %swap3A_38], %add3A_37 {strides = array<i32>} : memref<1x16xf32, #tpu.memory_space<vmem>>, vector<1x16xf32>,
    return
  }
}

</mosaic_0001>

<sc_bundles>
// kernel: kernel.11.cloned.1.call-start
scs
__scs_entry_jumppad:
0x0: {  	(pc) =	sbr.rel $0x88, $3  }
0x1: {  	(tag) =	ssettag $0x0;
	lr =	simm.s32 $0x1  }
0x2: {  	[smem:$0x3F99] =	sst lr;
	_ =	strace $0xD0000000  }
0x3: {  	_ = 	snop  }
0x4: {  	_ = 	snop  }
0x5: {  	_ = 	snop  }
0x6: {  	_ = 	snop  }
0x7: {  	_ = 	snop  }
__scs_overlays_trampoline_lowered:
0x8: {  	[smem:$0x3FA8] =	sst s0  }
0x9: {  	[smem:$0x3FA9] =	sst s1  }
0xa: {  	[smem:$0x3FAA] =	sst s2  }
0xb: {  	[smem:$0x3FAB] =	sst s3  }
0xc: {  	[smem:$0x3FAC] =	sst s4  }
0xd: {  	[smem:$0x3FAD] =	sst s5  }
0xe: {  	[smem:$0x3FAE] =	sst s6  }
0xf: {  	[smem:$0x3FAF] =	sst s7  }
0x10: {  	[smem:$0x3FB0] =	sst s8  }
0x11: {  	[smem:$0x3FB1] =	sst s9;
	s0 =	simm.s32 @!p0 $0x0  }
0x12: {  	s1 =	sld [smem:$0x3F97];
	s0 =	simm.s32 @p0 $0x1  }
0x13: {  	[smem:$0x3FB2] =	sst s0;
	s0 =	simm.s32 @!p1 $0x0  }
0x14: {  	s2 =	sld [smem:$0x3F96];
	s0 =	simm.s32 @p1 $0x1  }
0x15: {  	[smem:$0x3FB3] =	sst s0;
	s0 =	simm.s32 @!p2 $0x0  }
0x16: {  	s3 =	sld [smem:$0x3FDB];
	s0 =	simm.s32 @p2 $0x1  }
0x17: {  	s4 =	simm.s32 $0x1BF5;
	[smem:$0x3FB5] =	sst s0  }
0x18: {  	s0 =	sld [smem:$0x3F98];
	_ =	swait.ge [sflag:s4], $0x0  }
0x19: {  	s7 =	sld [smem:$0x3F99]  }
0x1a: {  	s8 =	sadd.s32 $0xFFFFE003, lr  }
0x1b: {  	s9 =	sadd.s32 $0xFFFFFEF7, lr;
	s5 =	simm.s32 $0xFFFFFFFF;
	p2 =	slt.u32 s8, $0xFFFFF086  }
0x1c: {  	p1 =	slt.u32 s9, $0xF7A;
	s5 =	simm.s32 @!p2 $0x0  }
0x1d: {  	s5 =	simm.s32 @p1 $0x1;
	p0 =	seq.s32 s7, s2  }
0x1e: {  	s7 =	smul.u32 @!p0 $0xF7A, s2;
	p2 =	seq.s32 @!p0 s5, $0x0  }
0x1f: {  	s9 =	smul.u32 $0xF7A, s1;
	s8 =	simm.s32 @!p0 $0x1BF5;
	p2 =	por !p2, p0  }
0x20: {  	[sflag:s8] =	ssyncset.s32 @!p0 $0xFFFFF086;
	s6 =	sadd.s32 @!p0 s3, s7;
	s7 =	simm.s32 @!p0 $0x108  }
0x21: {  	s3 =	sadd.s32 s3, s9;
	s6 =	sadd.s32 @!p0 $0x88, s6;
	s7 =	simm.s32 @p2 $0x1082  }
0x22: {  	[simem:s7], [sflag:s8] =	dma.local @!p0 [hbm:s6], $0xF7A  }
0x23: {  	s9 =	sor.u32 $0xD0000000, s2;
	s6 =	simm.s32 $0x108;
	_ =	swait.ge @!p0 [sflag:s8], $0x0  }
0x24: {  	s3 =	sadd.s32 $0x88, s3;
	s6 =	simm.s32 @!p1 $0x1082;
	[sflag:s4] =	ssyncset.s32 $0xFFFFF086  }
0x25: {  	[simem:s6], [sflag:s4] =	dma.local [hbm:s3], $0xF7A  }
0x26: {  	[smem:$0x3F99] =	sst s1;
	(tag) =	ssettag s2;
	_ =	strace s9  }
0x27: {  	s1 =	sld [smem:$0x3FA9]  }
0x28: {  	s2 =	sld [smem:$0x3FAA]  }
0x29: {  	s4 =	sld [smem:$0x3FAC]  }
0x2a: {  	p0 =	seq.s32 s5, $0x0;
	s5 =	sld [smem:$0x3FAD]  }
0x2b: {  	s6 =	sld [smem:$0x3FAE]  }
0x2c: {  	s7 =	sld [smem:$0x3FAF]  }
0x2d: {  	s3 =	simm.s32 $0x108;
	s8 =	sld [smem:$0x3FB0]  }
0x2e: {  	s3 =	simm.s32 @!p0 $0x1082;
	s9 =	sld [smem:$0x3FB1]  }
0x2f: {  	lr =	sadd.s32 s0, s3;
	s0 =	sld [smem:$0x3FA8]  }
0x30: {  	s3 =	sld [smem:$0x3FAB]  }
0x31: {  	[smem:$0x3FB4] =	sst s10  }
0x32: {  	s10 =	sld [smem:$0x3FB2];
	_ =	sdelay $0x3  }
0x33: {  	p0 =	seq.s32 s10, $0x1;
	s10 =	sld [smem:$0x3FB4];
	_ =	sdelay $0x3  }
0x34: {  	[smem:$0x3FB4] =	sst s10  }
0x35: {  	s10 =	sld [smem:$0x3FB3];
	_ =	sdelay $0x3  }
0x36: {  	p1 =	seq.s32 s10, $0x1;
	s10 =	sld [smem:$0x3FB4];
	_ =	sdelay $0x3  }
0x37: {  	[smem:$0x3FB4] =	sst s10  }
0x38: {  	s10 =	sld [smem:$0x3FB5]  }
0x39: {  	_ = 	snop;
	(pc) =	sbr.ind lr, $3  }
0x3a: {  	_ = 	snop  }
0x3b: {  	_ = 	snop  }
0x3c: {  	p2 =	seq.s32 s10, $0x1;
	s10 =	sld [smem:$0x3FB4]  }
0x3d: {  	_ =	shalt  }
0x3e: {  	_ =	shalt  }
0x3f: {  	_ =	shalt  }
0x40: {  	_ =	shalt  }
0x41: {  	_ =	shalt  }
0x42: {  	_ =	shalt  }
0x43: {  	_ =	shalt  }
0x44: {  	_ =	shalt  }
0x45: {  	_ =	shalt  }
0x46: {  	_ =	shalt  }
0x47: {  	_ =	shalt  }
0x48: {  	_ =	shalt  }
0x49: {  	_ =	shalt  }
0x4a: {  	_ =	shalt  }
0x4b: {  	_ =	shalt  }
0x4c: {  	_ =	shalt  }
0x4d: {  	_ =	shalt  }
0x4e: {  	_ =	shalt  }
0x4f: {  	_ =	shalt  }
0x50: {  	_ =	shalt  }
0x51: {  	_ =	shalt  }
0x52: {  	_ =	shalt  }
0x53: {  	_ =	shalt  }
0x54: {  	_ =	shalt  }
0x55: {  	_ =	shalt  }
0x56: {  	_ =	shalt  }
0x57: {  	_ =	shalt  }
0x58: {  	_ =	shalt  }
0x59: {  	_ =	shalt  }
0x5a: {  	_ =	shalt  }
0x5b: {  	_ =	shalt  }
0x5c: {  	_ =	shalt  }
0x5d: {  	_ =	shalt  }
0x5e: {  	_ =	shalt  }
0x5f: {  	_ =	shalt  }
0x60: {  	_ =	shalt  }
0x61: {  	_ =	shalt  }
0x62: {  	_ =	shalt  }
0x63: {  	_ =	shalt  }
0x64: {  	_ =	shalt  }
0x65: {  	_ =	shalt  }
0x66: {  	_ =	shalt  }
0x67: {  	_ =	shalt  }
0x68: {  	_ =	shalt  }
0x69: {  	_ =	shalt  }
0x6a: {  	_ =	shalt  }
0x6b: {  	_ =	shalt  }
0x6c: {  	_ =	shalt  }
0x6d: {  	_ =	shalt  }
0x6e: {  	_ =	shalt  }
0x6f: {  	_ =	shalt  }
0x70: {  	_ =	shalt  }
0x71: {  	_ =	shalt  }
0x72: {  	_ =	shalt  }
0x73: {  	_ =	shalt  }
0x74: {  	_ =	shalt  }
0x75: {  	_ =	shalt  }
0x76: {  	_ =	shalt  }
0x77: {  	_ =	shalt  }
0x78: {  	_ =	shalt  }
0x79: {  	_ =	shalt  }
0x7a: {  	_ =	shalt  }
0x7b: {  	_ =	shalt  }
0x7c: {  	_ =	shalt  }
0x7d: {  	_ =	shalt  }
0x7e: {  	_ =	shalt  }
0x7f: {  	_ =	shalt  }
0x80: {  	_ =	shalt  }
0x81: {  	_ =	shalt  }
0x82: {  	_ =	shalt  }
0x83: {  	_ =	shalt  }
0x84: {  	_ =	shalt  }
0x85: {  	_ =	shalt  }
0x86: {  	_ =	shalt  }
0x87: {  	_ =	shalt  }
.Lfunc_end0:
.L_simem_size_0:
called_computation.1_lowered:
.L_overlay_start_0:
0x88: {  	s2 =	sld [smem:$0x3FD9]  }
0x89: {  	s3 =	sld [smem:$0x3FFE];
	_ =	sdelay $0x1  }
0x8a: {  	s1 =	srdreg.scid  }
0x8b: {  	s0 =	sand.u32 $0x1, s1  }
0x8c: {  	s16 =	sshll.u32 s0, $0xA;
	s2 =	sadd.s32 s3, s2  }
0x8d: {  	s2 =	sadd.s32 s2, s16  }
0x8e: {  	[smem:$0x3FC0] =	sst s2  }
0x8f: {  	_ = 	snop  }
0x90: {  	(tm) =	ssettm $0x1  }
0x91: {  	s17 =	sld [smem:$0x3FFB];
	_ =	sdelay $0x3  }
0x92: {  	_ =	strace s17  }
0x93: {  	s2 =	sld [smem:$0x3FFC];
	_ =	sdelay $0x3  }
0x94: {  	_ =	strace s2  }
0x95: {  	s2 =	sld [smem:$0x3FFD];
	_ =	sdelay $0x3  }
0x96: {  	_ =	strace s2  }
0x97: {  	_ =	strace $0x8FFFFFFF  }
0x98: {  	s18 =	sld [smem:$0x3FDB];
	_ =	sdelay $0x1  }
0x99: {  	s19 =	simm.s32 $_scs_section_size  }
0x9a: {  	s4 =	simm.s32 $_size__tile_overlayer_lowered;
	s5 =	simm.s32 $_tile_overlayer_lowered  }
0x9b: {  	s22 =	simm.s32 $0x1BFF;
	s21 =	sshll.u32 s5, $0x1;
	s2 =	sadd.s32 s19, s18  }
0x9c: {  	s6 =	simm.s32 $0x0;
	s20 =	sshll.u32 s4, $0x1;
	s4 =	sadd.s32 s21, s2  }
0x9d: {  	[timem:s6], [sflag:s22] =	dma.local [hbm:s4], s20  }
0x9e: {  	_ =	swait.ge [sflag:s22], s20  }
0x9f: {  	s3 =	ssub.s32 $0x0, s20;
	[sflag:s22] =	ssyncset.done $0x0  }
0xa0: {  	[sflag:s22] =	ssyncadd.s32 s3;
	_ =	sdelay $0x1  }
0xa1: {  	s23 =	simm.s32 $0x1B8B  }
0xa2: {  	_ =	swait.ge [sflag:s23], $0x1  }
0xa3: {  	[sflag:s23] =	ssyncset.done $0x0  }
0xa4: {  	s25 =	simm.s32 $0x1B8E;
	s24 =	sld [smem:$0x3FFE];
	[sflag:s23] =	ssyncadd.s32 $0xFFFFFFFF  }
0xa5: {  	s26 =	simm.s32 $execute0_lowered;
	[smem:$0x3FD2] =	sst s25  }
0xa6: {  	s4 =	sshll.u32 s26, $0x1;
	_ =	strace $0x80000049;
	[dreg:$0x1] =	wrdreg $0xFFFFFFFF  }
0xa7: {  	s28 =	simm.s32 $_size_execute0_lowered;
	s2 =	sadd.s32 s2, s4;
	[dreg:$0x0] =	wrdreg $0x0  }
0xa8: {  	s4 =	sshll.u32 s28, $0x1;
	[dreg:$0x2] =	wrdreg s2  }
0xa9: {  	[dreg:$0x3] =	wrdreg s4  }
0xaa: {  	[dreg:$0x4] =	wrdreg $0xC0  }
0xab: {  	_ =	task [dreg:s6], $0x5FFFF  }
0xac: {  	[dreg:$0x1] =	wrdreg $0xFFFFFFFF  }
0xad: {  	[dreg:$0x0] =	wrdreg $0x60  }
0xae: {  	[dreg:$0x2] =	wrdreg s24  }
0xaf: {  	[dreg:$0x3] =	wrdreg $0xEC400  }
0xb0: {  	[dreg:$0x4] =	wrdreg $0x9  }
0xb1: {  	_ =	task.clear_ibuf [dreg:s6], $0x5FFFF;
	_ =	strace $0x90000049  }
0xb2: {  	s29 =	simm.s32 $0x9;
	_ =	strace $0x8000004B  }
0xb3: {  	_ =	swait.ge [sflag:s29], $0x1  }
0xb4: {  	[sflag:s29] =	ssyncadd.s32 $0xFFFFFFFF  }
0xb5: {  	_ =	strace $0x9000004B  }
0xb6: {  	_ =	sfence  }
0xb7: {  	s30 =	sld [smem:$0x0];
	_ =	sdelay $0x2  }
0xb8: {  	s31 =	sshll.u32 s1, $0xD;
	s1 =	sshrl.u32 s1, $0x2  }
0xb9: {  	s3 =	sand.u32 $0x4000, s31;
	s1 =	sadd.s32 s1, s30  }
0xba: {  	s0 =	sor.u32 s3, s0;
	s1 =	sshll.u32 s1, $0x11  }
0xbb: {  	s0 =	sor.u32 s1, s0  }
0xbc: {  	s0 =	sadd.s32 $0x8F2B, s0  }
0xbd: {  	[sflag:s0] =	ssyncadd.remote.s32 $0x1  }
0xbe: {  	_ =	sfence.sel $0xFFFF  }
0xbf: {  	[dreg:$0x0] =	wrdreg $0xFFFFFFFF;
	(pc) =	sbr.abs _section_cstart, $3  }
0xc0: {  	[dreg:$0x1] =	wrdreg $0xFFFFFFFF  }
0xc1: {  	_ =	task.clear_ibuf [dreg:s6], $0x2FFFF;
	_ =	strace $0x9FFFFFFF  }
0xc2: {  	(tm) =	ssettm $0x7FFFFFFF  }
0xc3: {  	_ =	shalt  }
tec
execute0_lowered:
.L_overlay_start_1:
0x0: {  	(tag) =	ssettag $0x1  }
0x1: {  	s0 =	srdreg.scid  }
0x2: {  	s8 =	stileid.u32;
	s3 =	rddreg [dreg:$0x0]  }
0x3: {  	s2 =	rddreg [dreg:$0x1];
	s4 =	simm.s32 $0x0;
	s19 =	simm.s32 $0x15  }
0x4: {  	s14 =	simm.s32 $0x7D;
	s11 =	simm.s32 $0x9;
	s9 =	simm.s32 $0xF  }
0x5: {  	s12 =	simm.s32 $0x10;
	s13 =	simm.s32 $0x11;
	s10 =	simm.s32 $0x12  }
0x6: {  	s15 =	simm.s32 $0x13;
	s16 =	simm.s32 $0x14;
	s21 =	simm.s32 $0x0  }
0x7: {  	s30 =	simm.s32 $0xCD00;
	s31 =	simm.s32 $0xDCA0;
	s0 =	sand.u32 $0x1, s0  }
0x8: {  	s1 =	sshll.u32 s8, $0x1;
	s5 =	smul.u32 $0xA000, s8;
	[smem:$0x7FF] =	sst s4  }
0x9: {  	s4 =	sadd.s32 $0x21400, s3;
	s29 =	sshll.u32 s8, $0x6;
	s8 =	simm.s32 $0xE  }
0xa: {  	s1 =	sor.u32 s0, s1;
	s6 =	smul.u32 $0xA0000, s0;
	_ =	strace $0x8000004A  }
0xb: {  	s0 =	ssub.s32 $0x2, s0;
	s18 =	sor.u32 $0x1C15, s29;
	s1 =	smul.u32 $0x2800, s1  }
0xc: {  	s7 =	sshrl.u32 s5, $0x4;
	s24 =	sshrl.u32 s0, $0x1;
	[dreg:$0x8] =	wrdreg s18  }
0xd: {  	s6 =	sadd.s32 s5, s6;
	s7 =	sadd.s32 s7, s3;
	s0 =	ssub.s32 s0, s24  }
0xe: {  	s5 =	sshrl.u32 s5, $0x1;
	s1 =	sshrl.u32 s1, $0x3;
	s6 =	sshrl.u32 s6, $0x4  }
0xf: {  	s26 =	sadd.s32 s5, s2;
	s28 =	sadd.s32 $0x17400, s7;
	s0 =	smax.u32 s0, $0x1  }
0x10: {  	s5 =	simm.s32 $0xB;
	s7 =	simm.s32 $0xD;
	[dreg:$0x5] =	wrdreg s28  }
0x11: {  	s1 =	sadd.s32 s1, s3;
	[dreg:$0x7] =	wrdreg s0;
	s20 =	sshrl.u32 s26, $0x3  }
0x12: {  	s3 =	sadd.s32 s6, s3;
	s25 =	sadd.s32 $0x2400, s1;
	[dreg:$0x9] =	wrdreg s20  }
0x13: {  	s0 =	simm.s32 $0x8;
	s1 =	sadd.s32 $0xC400, s1;
	[dreg:$0x3] =	wrdreg s25  }
0x14: {  	s6 =	simm.s32 $0xC;
	s3 =	sadd.s32 $0x2B200, s3;
	[dreg:$0x4] =	wrdreg s1  }
0x15: {  	[dreg:$0x6] =	wrdreg s3;
	s1 =	simm.s32 $0x7;
	s3 =	simm.s32 $0xA  }
.LBB2_1:
0x16: {  	[dreg:$0xa] =	wrdreg s21  }
0x17: {  	s17 =	simm.s32 $0x0;
	s26 =	rddreg [dreg:$0x3]  }
0x18: {  	[tilespmem:s17], [sflag:$0x15] =	stream.linear.gather [hbm4b:s26+s17], $0x2800, $0x38;
	[tilespmem:$0x13C40] =	vst v63  }
0x19: {  	_ =	swait.ge [sflag:s19], $0x2800  }
0x1a: {  	[sflag:s19] =	ssyncset.done $0x0  }
0x1b: {  	s29 =	simm.s32 $0x2800;
	s28 =	rddreg [dreg:$0x4];
	[sflag:s19] =	ssyncadd.s32 $0xFFFFD800  }
0x1c: {  	[tilespmem:s29], [sflag:$0x15] =	stream.linear.gather [hbm4b:s28+s17], $0x2800, $0x38;
	[tilespmem:$0x13C40] =	vst v63  }
0x1d: {  	_ =	swait.ge [sflag:s19], $0x2800  }
0x1e: {  	s25 =	smov.u32 s18;
	[sflag:s19] =	ssyncset.done $0x0  }
0x1f: {  	s22 =	smov.u32 s20;
	s18 =	rddreg [dreg:$0x5];
	[sflag:s19] =	ssyncadd.s32 $0xFFFFD800  }
0x20: {  	[spmem:s22], [sflag:s25] =	dma.local [hbm:s18], $0xA00  }
0x21: {  	_ =	swait.ge [sflag:s19], $0xA00  }
0x22: {  	[sflag:s19] =	ssyncset.done $0x0  }
0x23: {  	[sflag:s19] =	ssyncadd.s32 $0xFFFFF600  }
0x24: {  	s18 =	simm.s32 $0x5000;
	s19 =	simm.s32 $0x0;
	[bflag:$0x0] =	sbarrier.arrive $0xFFFF  }
0x25: {  	[tilespmem:s18], [sflag:$0x1] =	stream.indirect.gather [hbm4b:s4+s14], $0x20, s19, s14, $0xb8;
	[tilespmem:$0x13C40] =	vst v63  }
0x26: {  	s20 =	simm.s32 $0x80;
	s19 =	simm.s32 $0x5FA0  }
0x27: {  	[tilespmem:s19], [sflag:$0x2] =	stream.indirect.gather [hbm4b:s4+s14], $0x20, s20, s14, $0xb8;
	[tilespmem:$0x13C40] =	vst v63  }
0x28: {  	s21 =	simm.s32 $0x100;
	s20 =	simm.s32 $0x6F40  }
0x29: {  	[tilespmem:s20], [sflag:$0x3] =	stream.indirect.gather [hbm4b:s4+s14], $0x20, s21, s14, $0xb8;
	[tilespmem:$0x13C40] =	vst v63  }
0x2a: {  	s22 =	simm.s32 $0x180;
	s21 =	simm.s32 $0x7EE0  }
0x2b: {  	[tilespmem:s21], [sflag:$0x4] =	stream.indirect.gather [hbm4b:s4+s14], $0x20, s22, s14, $0xb8;
	[tilespmem:$0x13C40] =	vst v63  }
0x2c: {  	s23 =	simm.s32 $0x200;
	s22 =	simm.s32 $0x8E80  }
0x2d: {  	[tilespmem:s22], [sflag:$0x5] =	stream.indirect.gather [hbm4b:s4+s14], $0x20, s23, s14, $0xb8;
	[tilespmem:$0x13C40] =	vst v63  }
0x2e: {  	s24 =	simm.s32 $0x280;
	s23 =	simm.s32 $0x9E20  }
0x2f: {  	[tilespmem:s23], [sflag:$0x6] =	stream.indirect.gather [hbm4b:s4+s14], $0x20, s24, s14, $0xb8;
	[tilespmem:$0x13C40] =	vst v63  }
0x30: {  	s25 =	simm.s32 $0x300;
	s24 =	simm.s32 $0xADC0  }
0x31: {  	[tilespmem:s24], [sflag:$0x7] =	stream.indirect.gather [hbm4b:s4+s14], $0x20, s25, s14, $0xb8;
	[tilespmem:$0x13C40] =	vst v63  }
0x32: {  	s26 =	simm.s32 $0x380;
	s25 =	simm.s32 $0xBD60  }
0x33: {  	[tilespmem:s25], [sflag:$0x8] =	stream.indirect.gather [hbm4b:s4+s14], $0x20, s26, s14, $0xb8;
	[tilespmem:$0x13C40] =	vst v63  }
0x34: {  	s28 =	simm.s32 $0x400;
	s26 =	simm.s32 $0xCD00  }
0x35: {  	[tilespmem:s26], [sflag:$0x9] =	stream.indirect.gather [hbm4b:s4+s14], $0x20, s28, s14, $0xb8;
	[tilespmem:$0x13C40] =	vst v63  }
0x36: {  	s29 =	simm.s32 $0x480;
	s28 =	simm.s32 $0xDCA0  }
0x37: {  	[tilespmem:s28], [sflag:$0xA] =	stream.indirect.gather [hbm4b:s4+s14], $0x20, s29, s14, $0xb8;
	[tilespmem:$0x13C40] =	vst v63  }
0x38: {  	s29 =	simm.s32 $0x1  }
0x39: {  	_ =	swait.ge [sflag:s29], $0xFA0  }
0x3a: {  	[sflag:s29] =	ssyncset.done $0x0  }
0x3b: {  	[sflag:s29] =	ssyncadd.s32 $0xFFFFF060;
	s29 =	simm.s32 $0x2  }
0x3c: {  	_ =	swait.ge [sflag:s29], $0xFA0  }
0x3d: {  	[sflag:s29] =	ssyncset.done $0x0  }
0x3e: {  	[sflag:s29] =	ssyncadd.s32 $0xFFFFF060;
	s29 =	simm.s32 $0x3  }
0x3f: {  	_ =	swait.ge [sflag:s29], $0xFA0  }
0x40: {  	[sflag:s29] =	ssyncset.done $0x0  }
0x41: {  	[sflag:s29] =	ssyncadd.s32 $0xFFFFF060;
	s29 =	simm.s32 $0x4  }
0x42: {  	_ =	swait.ge [sflag:s29], $0xFA0  }
0x43: {  	[sflag:s29] =	ssyncset.done $0x0  }
0x44: {  	[sflag:s29] =	ssyncadd.s32 $0xFFFFF060;
	s29 =	simm.s32 $0x5  }
0x45: {  	_ =	swait.ge [sflag:s29], $0xFA0  }
0x46: {  	[sflag:s29] =	ssyncset.done $0x0  }
0x47: {  	[sflag:s29] =	ssyncadd.s32 $0xFFFFF060;
	s29 =	simm.s32 $0x2800  }
0x48: {  	[spmem:s2] =	stream.indirect.scatter.add.bf16 [tilespmem:s18], [sflag:$0xB], $0x20, s29, s14, $0xb8;
	[tilespmem:$0x13C40] =	vst v63  }
0x49: {  	s29 =	simm.s32 $0x2880  }
0x4a: {  	[spmem:s2] =	stream.indirect.scatter.add.bf16 [tilespmem:s19], [sflag:$0xC], $0x20, s29, s14, $0xb8;
	[tilespmem:$0x13C40] =	vst v63  }
0x4b: {  	s18 =	simm.s32 $0x2900  }
0x4c: {  	[spmem:s2] =	stream.indirect.scatter.add.bf16 [tilespmem:s20], [sflag:$0xD], $0x20, s18, s14, $0xb8;
	[tilespmem:$0x13C40] =	vst v63  }
0x4d: {  	s19 =	simm.s32 $0x2980  }
0x4e: {  	[spmem:s2] =	stream.indirect.scatter.add.bf16 [tilespmem:s21], [sflag:$0xE], $0x20, s19, s14, $0xb8;
	[tilespmem:$0x13C40] =	vst v63  }
0x4f: {  	s20 =	simm.s32 $0x2A00;
	s21 =	simm.s32 $0x6  }
0x50: {  	[spmem:s2] =	stream.indirect.scatter.add.bf16 [tilespmem:s22], [sflag:$0xF], $0x20, s20, s14, $0xb8;
	[tilespmem:$0x13C40] =	vst v63  }
0x51: {  	_ =	swait.ge [sflag:s21], $0xFA0  }
0x52: {  	[sflag:s21] =	ssyncset.done $0x0  }
0x53: {  	[sflag:s21] =	ssyncadd.s32 $0xFFFFF060  }
0x54: {  	_ =	swait.ge [sflag:s1], $0xFA0  }
0x55: {  	[sflag:s1] =	ssyncset.done $0x0  }
0x56: {  	[sflag:s1] =	ssyncadd.s32 $0xFFFFF060  }
0x57: {  	_ =	swait.ge [sflag:s0], $0xFA0  }
0x58: {  	[sflag:s0] =	ssyncset.done $0x0  }
0x59: {  	[sflag:s0] =	ssyncadd.s32 $0xFFFFF060  }
0x5a: {  	_ =	swait.ge [sflag:s11], $0xFA0  }
0x5b: {  	[sflag:s11] =	ssyncset.done $0x0  }
0x5c: {  	[sflag:s11] =	ssyncadd.s32 $0xFFFFF060  }
0x5d: {  	_ =	swait.ge [sflag:s3], $0xFA0  }
0x5e: {  	[sflag:s3] =	ssyncset.done $0x0  }
0x5f: {  	s22 =	simm.s32 $0x2A80;
	[sflag:s3] =	ssyncadd.s32 $0xFFFFF060  }
0x60: {  	[spmem:s2] =	stream.indirect.scatter.add.bf16 [tilespmem:s23], [sflag:$0x10], $0x20, s22, s14, $0xb8;
	[tilespmem:$0x13C40] =	vst v63  }
0x61: {  	s23 =	simm.s32 $0x2B00  }
0x62: {  	[spmem:s2] =	stream.indirect.scatter.add.bf16 [tilespmem:s24], [sflag:$0x11], $0x20, s23, s14, $0xb8;
	[tilespmem:$0x13C40] =	vst v63  }
0x63: {  	s24 =	simm.s32 $0x2B80  }
0x64: {  	[spmem:s2] =	stream.indirect.scatter.add.bf16 [tilespmem:s25], [sflag:$0x12], $0x20, s24, s14, $0xb8;
	[tilespmem:$0x13C40] =	vst v63  }
0x65: {  	s25 =	simm.s32 $0x2C00  }
0x66: {  	[spmem:s2] =	stream.indirect.scatter.add.bf16 [tilespmem:s26], [sflag:$0x13], $0x20, s25, s14, $0xb8;
	[tilespmem:$0x13C40] =	vst v63  }
0x67: {  	s29 =	simm.s32 $0x2C80  }
0x68: {  	[spmem:s2] =	stream.indirect.scatter.add.bf16 [tilespmem:s28], [sflag:$0x14], $0x20, s29, s14, $0xb8;
	[tilespmem:$0x13C40] =	vst v63  }
0x69: {  	_ =	swait.ge [sflag:s5], $0xFA0  }
0x6a: {  	[sflag:s5] =	ssyncset.done $0x0  }
0x6b: {  	[sflag:s5] =	ssyncadd.s32 $0xFFFFF060  }
0x6c: {  	_ =	swait.ge [sflag:s6], $0xFA0  }
0x6d: {  	[sflag:s6] =	ssyncset.done $0x0  }
0x6e: {  	[sflag:s6] =	ssyncadd.s32 $0xFFFFF060  }
0x6f: {  	_ =	swait.ge [sflag:s7], $0xFA0  }
0x70: {  	[sflag:s7] =	ssyncset.done $0x0  }
0x71: {  	[sflag:s7] =	ssyncadd.s32 $0xFFFFF060  }
0x72: {  	_ =	swait.ge [sflag:s8], $0xFA0  }
0x73: {  	[sflag:s8] =	ssyncset.done $0x0  }
0x74: {  	[sflag:s8] =	ssyncadd.s32 $0xFFFFF060  }
0x75: {  	_ =	swait.ge [sflag:s9], $0xFA0  }
0x76: {  	[sflag:s9] =	ssyncset.done $0x0  }
0x77: {  	[sflag:s9] =	ssyncadd.s32 $0xFFFFF060  }
0x78: {  	_ =	swait.ge [sflag:s12], $0xFA0  }
0x79: {  	[sflag:s12] =	ssyncset.done $0x0  }
0x7a: {  	[sflag:s12] =	ssyncadd.s32 $0xFFFFF060  }
0x7b: {  	_ =	swait.ge [sflag:s13], $0xFA0  }
0x7c: {  	[sflag:s13] =	ssyncset.done $0x0  }
0x7d: {  	[sflag:s13] =	ssyncadd.s32 $0xFFFFF060  }
0x7e: {  	_ =	swait.ge [sflag:s10], $0xFA0  }
0x7f: {  	[sflag:s10] =	ssyncset.done $0x0  }
0x80: {  	[sflag:s10] =	ssyncadd.s32 $0xFFFFF060  }
0x81: {  	_ =	swait.ge [sflag:s15], $0xFA0  }
0x82: {  	[sflag:s15] =	ssyncset.done $0x0  }
0x83: {  	[sflag:s15] =	ssyncadd.s32 $0xFFFFF060  }
0x84: {  	_ =	swait.ge [sflag:s16], $0xFA0  }
0x85: {  	s17 =	simm.s32 $0x1400;
	s18 =	simm.s32 $0x2800;
	[sflag:s16] =	ssyncset.done $0x0  }
.LBB2_2:
0x86: {  	s19 =	sshra.s32 s17, $0x2;
	[sflag:s16] =	ssyncadd.s32 $0xFFFFF060  }
0x87: {  	s17 =	smov.u32 s18;
	s20 =	sadd.s32 $0x1400, s18;
	s21 =	simm.s32 $0x5000  }
0x88: {  	[tilespmem:s21], [sflag:$0x1] =	stream.indirect.gather [hbm4b:s4+s14], $0x20, s19, s14, $0xb8;
	[tilespmem:$0x13C40] =	vst v63  }
0x89: {  	p0 =	sne.s32 s18, $0x8C00;
	s22 =	simm.s32 $0x5FA0;
	s18 =	sadd.s32 $0x80, s19  }
0x8a: {  	[tilespmem:s22], [sflag:$0x2] =	stream.indirect.gather [hbm4b:s4+s14], $0x20, s18, s14, $0xb8;
	[tilespmem:$0x13C40] =	vst v63  }
0x8b: {  	s23 =	simm.s32 $0x6F40;
	s18 =	sadd.s32 $0x100, s19  }
0x8c: {  	[tilespmem:s23], [sflag:$0x3] =	stream.indirect.gather [hbm4b:s4+s14], $0x20, s18, s14, $0xb8;
	[tilespmem:$0x13C40] =	vst v63  }
0x8d: {  	s24 =	simm.s32 $0x7EE0;
	s18 =	sadd.s32 $0x180, s19  }
0x8e: {  	[tilespmem:s24], [sflag:$0x4] =	stream.indirect.gather [hbm4b:s4+s14], $0x20, s18, s14, $0xb8;
	[tilespmem:$0x13C40] =	vst v63  }
0x8f: {  	s25 =	simm.s32 $0x8E80;
	s18 =	sadd.s32 $0x200, s19  }
0x90: {  	[tilespmem:s25], [sflag:$0x5] =	stream.indirect.gather [hbm4b:s4+s14], $0x20, s18, s14, $0xb8;
	[tilespmem:$0x13C40] =	vst v63  }
0x91: {  	s26 =	simm.s32 $0x9E20;
	s18 =	sadd.s32 $0x280, s19  }
0x92: {  	[tilespmem:s26], [sflag:$0x6] =	stream.indirect.gather [hbm4b:s4+s14], $0x20, s18, s14, $0xb8;
	[tilespmem:$0x13C40] =	vst v63  }
0x93: {  	s28 =	simm.s32 $0xADC0;
	s18 =	sadd.s32 $0x300, s19  }
0x94: {  	[tilespmem:s28], [sflag:$0x7] =	stream.indirect.gather [hbm4b:s4+s14], $0x20, s18, s14, $0xb8;
	[tilespmem:$0x13C40] =	vst v63  }
0x95: {  	s29 =	simm.s32 $0xBD60;
	s18 =	sadd.s32 $0x380, s19  }
0x96: {  	[tilespmem:s29], [sflag:$0x8] =	stream.indirect.gather [hbm4b:s4+s14], $0x20, s18, s14, $0xb8;
	[tilespmem:$0x13C40] =	vst v63  }
0x97: {  	s18 =	sadd.s32 $0x400, s19  }
0x98: {  	[tilespmem:s30], [sflag:$0x9] =	stream.indirect.gather [hbm4b:s4+s14], $0x20, s18, s14, $0xb8;
	[tilespmem:$0x13C40] =	vst v63  }
0x99: {  	s18 =	sadd.s32 $0x480, s19  }
0x9a: {  	[tilespmem:s31], [sflag:$0xA] =	stream.indirect.gather [hbm4b:s4+s14], $0x20, s18, s14, $0xb8;
	[tilespmem:$0x13C40] =	vst v63  }
0x9b: {  	s18 =	simm.s32 $0x1  }
0x9c: {  	_ =	swait.ge [sflag:s18], $0xFA0  }
0x9d: {  	[sflag:s18] =	ssyncset.done $0x0  }
0x9e: {  	[sflag:s18] =	ssyncadd.s32 $0xFFFFF060;
	s18 =	simm.s32 $0x2  }
0x9f: {  	_ =	swait.ge [sflag:s18], $0xFA0  }
0xa0: {  	[sflag:s18] =	ssyncset.done $0x0  }
0xa1: {  	[sflag:s18] =	ssyncadd.s32 $0xFFFFF060;
	s18 =	simm.s32 $0x3  }
0xa2: {  	_ =	swait.ge [sflag:s18], $0xFA0  }
0xa3: {  	[sflag:s18] =	ssyncset.done $0x0  }
0xa4: {  	[sflag:s18] =	ssyncadd.s32 $0xFFFFF060;
	s18 =	simm.s32 $0x4  }
0xa5: {  	_ =	swait.ge [sflag:s18], $0xFA0  }
0xa6: {  	[sflag:s18] =	ssyncset.done $0x0  }
0xa7: {  	[sflag:s18] =	ssyncadd.s32 $0xFFFFF060;
	s18 =	simm.s32 $0x5  }
0xa8: {  	_ =	swait.ge [sflag:s18], $0xFA0  }
0xa9: {  	[sflag:s18] =	ssyncset.done $0x0  }
0xaa: {  	[sflag:s18] =	ssyncadd.s32 $0xFFFFF060;
	s18 =	sadd.s32 $0x2800, s19  }
0xab: {  	[spmem:s2] =	stream.indirect.scatter.add.bf16 [tilespmem:s21], [sflag:$0xB], $0x20, s18, s14, $0xb8;
	[tilespmem:$0x13C40] =	vst v63  }
0xac: {  	s18 =	sadd.s32 $0x2880, s19  }
0xad: {  	[spmem:s2] =	stream.indirect.scatter.add.bf16 [tilespmem:s22], [sflag:$0xC], $0x20, s18, s14, $0xb8;
	[tilespmem:$0x13C40] =	vst v63  }
0xae: {  	s18 =	sadd.s32 $0x2900, s19  }
0xaf: {  	[spmem:s2] =	stream.indirect.scatter.add.bf16 [tilespmem:s23], [sflag:$0xD], $0x20, s18, s14, $0xb8;
	[tilespmem:$0x13C40] =	vst v63  }
0xb0: {  	s18 =	sadd.s32 $0x2980, s19  }
0xb1: {  	[spmem:s2] =	stream.indirect.scatter.add.bf16 [tilespmem:s24], [sflag:$0xE], $0x20, s18, s14, $0xb8;
	[tilespmem:$0x13C40] =	vst v63  }
0xb2: {  	s18 =	sadd.s32 $0x2A00, s19  }
0xb3: {  	[spmem:s2] =	stream.indirect.scatter.add.bf16 [tilespmem:s25], [sflag:$0xF], $0x20, s18, s14, $0xb8;
	[tilespmem:$0x13C40] =	vst v63  }
0xb4: {  	s18 =	simm.s32 $0x6  }
0xb5: {  	_ =	swait.ge [sflag:s18], $0xFA0  }
0xb6: {  	[sflag:s18] =	ssyncset.done $0x0  }
0xb7: {  	[sflag:s18] =	ssyncadd.s32 $0xFFFFF060  }
0xb8: {  	_ =	swait.ge [sflag:s1], $0xFA0  }
0xb9: {  	[sflag:s1] =	ssyncset.done $0x0  }
0xba: {  	[sflag:s1] =	ssyncadd.s32 $0xFFFFF060  }
0xbb: {  	_ =	swait.ge [sflag:s0], $0xFA0  }
0xbc: {  	[sflag:s0] =	ssyncset.done $0x0  }
0xbd: {  	[sflag:s0] =	ssyncadd.s32 $0xFFFFF060  }
0xbe: {  	_ =	swait.ge [sflag:s11], $0xFA0  }
0xbf: {  	[sflag:s11] =	ssyncset.done $0x0  }
0xc0: {  	[sflag:s11] =	ssyncadd.s32 $0xFFFFF060  }
0xc1: {  	_ =	swait.ge [sflag:s3], $0xFA0  }
0xc2: {  	[sflag:s3] =	ssyncset.done $0x0  }
0xc3: {  	s18 =	sadd.s32 $0x2A80, s19;
	[sflag:s3] =	ssyncadd.s32 $0xFFFFF060  }
0xc4: {  	[spmem:s2] =	stream.indirect.scatter.add.bf16 [tilespmem:s26], [sflag:$0x10], $0x20, s18, s14, $0xb8;
	[tilespmem:$0x13C40] =	vst v63  }
0xc5: {  	s18 =	sadd.s32 $0x2B00, s19  }
0xc6: {  	[spmem:s2] =	stream.indirect.scatter.add.bf16 [tilespmem:s28], [sflag:$0x11], $0x20, s18, s14, $0xb8;
	[tilespmem:$0x13C40] =	vst v63  }
0xc7: {  	s18 =	sadd.s32 $0x2B80, s19  }
0xc8: {  	[spmem:s2] =	stream.indirect.scatter.add.bf16 [tilespmem:s29], [sflag:$0x12], $0x20, s18, s14, $0xb8;
	[tilespmem:$0x13C40] =	vst v63  }
0xc9: {  	s18 =	sadd.s32 $0x2C00, s19  }
0xca: {  	[spmem:s2] =	stream.indirect.scatter.add.bf16 [tilespmem:s30], [sflag:$0x13], $0x20, s18, s14, $0xb8;
	[tilespmem:$0x13C40] =	vst v63  }
0xcb: {  	s18 =	sadd.s32 $0x2C80, s19  }
0xcc: {  	[spmem:s2] =	stream.indirect.scatter.add.bf16 [tilespmem:s31], [sflag:$0x14], $0x20, s18, s14, $0xb8;
	[tilespmem:$0x13C40] =	vst v63  }
0xcd: {  	_ =	swait.ge [sflag:s5], $0xFA0  }
0xce: {  	[sflag:s5] =	ssyncset.done $0x0  }
0xcf: {  	[sflag:s5] =	ssyncadd.s32 $0xFFFFF060  }
0xd0: {  	_ =	swait.ge [sflag:s6], $0xFA0  }
0xd1: {  	[sflag:s6] =	ssyncset.done $0x0  }
0xd2: {  	[sflag:s6] =	ssyncadd.s32 $0xFFFFF060  }
0xd3: {  	_ =	swait.ge [sflag:s7], $0xFA0  }
0xd4: {  	[sflag:s7] =	ssyncset.done $0x0  }
0xd5: {  	[sflag:s7] =	ssyncadd.s32 $0xFFFFF060  }
0xd6: {  	_ =	swait.ge [sflag:s8], $0xFA0  }
0xd7: {  	[sflag:s8] =	ssyncset.done $0x0  }
0xd8: {  	[sflag:s8] =	ssyncadd.s32 $0xFFFFF060  }
0xd9: {  	_ =	swait.ge [sflag:s9], $0xFA0  }
0xda: {  	[sflag:s9] =	ssyncset.done $0x0  }
0xdb: {  	[sflag:s9] =	ssyncadd.s32 $0xFFFFF060  }
0xdc: {  	_ =	swait.ge [sflag:s12], $0xFA0  }
0xdd: {  	[sflag:s12] =	ssyncset.done $0x0  }
0xde: {  	[sflag:s12] =	ssyncadd.s32 $0xFFFFF060  }
0xdf: {  	_ =	swait.ge [sflag:s13], $0xFA0  }
0xe0: {  	[sflag:s13] =	ssyncset.done $0x0  }
0xe1: {  	[sflag:s13] =	ssyncadd.s32 $0xFFFFF060  }
0xe2: {  	_ =	swait.ge [sflag:s10], $0xFA0  }
0xe3: {  	[sflag:s10] =	ssyncset.done $0x0  }
0xe4: {  	[sflag:s10] =	ssyncadd.s32 $0xFFFFF060  }
.Ltmp0:
0xe5: {  	_ =	swait.ge [sflag:s15], $0xFA0;
	(pc) =	sbr.rel @p0 .LBB2_2-.Ltmp0, $4  }
0xe6: {  	[sflag:s15] =	ssyncset.done $0x0  }
0xe7: {  	[sflag:s15] =	ssyncadd.s32 $0xFFFFF060  }
0xe8: {  	_ =	swait.ge [sflag:s16], $0xFA0  }
0xe9: {  	s18 =	smov.u32 s20;
	[sflag:s16] =	ssyncset.done $0x0  }
0xea: {  	s17 =	sshra.s32 s17, $0x2;
	[sflag:s16] =	ssyncadd.s32 $0xFFFFF060;
	s19 =	simm.s32 $0x5000  }
0xeb: {  	[tilespmem:s19], [sflag:$0x1] =	stream.indirect.gather [hbm4b:s4+s14], $0x20, s17, s14, $0xb8;
	[tilespmem:$0x13C40] =	vst v63  }
0xec: {  	s20 =	simm.s32 $0x5FA0;
	s18 =	sadd.s32 $0x80, s17  }
0xed: {  	[tilespmem:s20], [sflag:$0x2] =	stream.indirect.gather [hbm4b:s4+s14], $0x20, s18, s14, $0xb8;
	[tilespmem:$0x13C40] =	vst v63  }
0xee: {  	s21 =	simm.s32 $0x6F40;
	s22 =	sadd.s32 $0x100, s17  }
0xef: {  	[tilespmem:s21], [sflag:$0x3] =	stream.indirect.gather [hbm4b:s4+s14], $0x20, s22, s14, $0xb8;
	[tilespmem:$0x13C40] =	vst v63  }
0xf0: {  	s23 =	sadd.s32 $0x180, s17;
	s22 =	simm.s32 $0x7EE0  }
0xf1: {  	[tilespmem:s22], [sflag:$0x4] =	stream.indirect.gather [hbm4b:s4+s14], $0x20, s23, s14, $0xb8;
	[tilespmem:$0x13C40] =	vst v63  }
0xf2: {  	s24 =	sadd.s32 $0x200, s17;
	s23 =	simm.s32 $0x8E80  }
0xf3: {  	[tilespmem:s23], [sflag:$0x5] =	stream.indirect.gather [hbm4b:s4+s14], $0x20, s24, s14, $0xb8;
	[tilespmem:$0x13C40] =	vst v63  }
0xf4: {  	s25 =	sadd.s32 $0x280, s17;
	s24 =	simm.s32 $0x9E20  }
0xf5: {  	[tilespmem:s24], [sflag:$0x6] =	stream.indirect.gather [hbm4b:s4+s14], $0x20, s25, s14, $0xb8;
	[tilespmem:$0x13C40] =	vst v63  }
0xf6: {  	s26 =	sadd.s32 $0x300, s17;
	s25 =	simm.s32 $0xADC0  }
0xf7: {  	[tilespmem:s25], [sflag:$0x7] =	stream.indirect.gather [hbm4b:s4+s14], $0x20, s26, s14, $0xb8;
	[tilespmem:$0x13C40] =	vst v63  }
0xf8: {  	s28 =	sadd.s32 $0x380, s17;
	s26 =	simm.s32 $0xBD60  }
0xf9: {  	[tilespmem:s26], [sflag:$0x8] =	stream.indirect.gather [hbm4b:s4+s14], $0x20, s28, s14, $0xb8;
	[tilespmem:$0x13C40] =	vst v63  }
0xfa: {  	s29 =	sadd.s32 $0x400, s17;
	s28 =	simm.s32 $0xCD00  }
0xfb: {  	[tilespmem:s28], [sflag:$0x9] =	stream.indirect.gather [hbm4b:s4+s14], $0x20, s29, s14, $0xb8;
	[tilespmem:$0x13C40] =	vst v63  }
0xfc: {  	s18 =	sadd.s32 $0x480, s17;
	s29 =	simm.s32 $0xDCA0  }
0xfd: {  	[tilespmem:s29], [sflag:$0xA] =	stream.indirect.gather [hbm4b:s4+s14], $0x20, s18, s14, $0xb8;
	[tilespmem:$0x13C40] =	vst v63  }
0xfe: {  	s18 =	simm.s32 $0x1  }
0xff: {  	_ =	swait.ge [sflag:s18], $0xFA0  }
0x100: {  	[sflag:s18] =	ssyncset.done $0x0  }
0x101: {  	[sflag:s18] =	ssyncadd.s32 $0xFFFFF060;
	s18 =	simm.s32 $0x2  }
0x102: {  	_ =	swait.ge [sflag:s18], $0xFA0  }
0x103: {  	[sflag:s18] =	ssyncset.done $0x0  }
0x104: {  	[sflag:s18] =	ssyncadd.s32 $0xFFFFF060;
	s18 =	simm.s32 $0x3  }
0x105: {  	_ =	swait.ge [sflag:s18], $0xFA0  }
0x106: {  	[sflag:s18] =	ssyncset.done $0x0  }
0x107: {  	[sflag:s18] =	ssyncadd.s32 $0xFFFFF060;
	s18 =	simm.s32 $0x4  }
0x108: {  	_ =	swait.ge [sflag:s18], $0xFA0  }
0x109: {  	[sflag:s18] =	ssyncset.done $0x0  }
0x10a: {  	[sflag:s18] =	ssyncadd.s32 $0xFFFFF060;
	s18 =	simm.s32 $0x5  }
0x10b: {  	_ =	swait.ge [sflag:s18], $0xFA0  }
0x10c: {  	[sflag:s18] =	ssyncset.done $0x0  }
0x10d: {  	[sflag:s18] =	ssyncadd.s32 $0xFFFFF060;
	s18 =	sadd.s32 $0x2800, s17  }
0x10e: {  	[spmem:s2] =	stream.indirect.scatter.add.bf16 [tilespmem:s19], [sflag:$0xB], $0x20, s18, s14, $0xb8;
	[tilespmem:$0x13C40] =	vst v63  }
0x10f: {  	s19 =	sadd.s32 $0x2880, s17  }
0x110: {  	[spmem:s2] =	stream.indirect.scatter.add.bf16 [tilespmem:s20], [sflag:$0xC], $0x20, s19, s14, $0xb8;
	[tilespmem:$0x13C40] =	vst v63  }
0x111: {  	s20 =	sadd.s32 $0x2900, s17  }
0x112: {  	[spmem:s2] =	stream.indirect.scatter.add.bf16 [tilespmem:s21], [sflag:$0xD], $0x20, s20, s14, $0xb8;
	[tilespmem:$0x13C40] =	vst v63  }
0x113: {  	s19 =	sadd.s32 $0x2980, s17  }
0x114: {  	[spmem:s2] =	stream.indirect.scatter.add.bf16 [tilespmem:s22], [sflag:$0xE], $0x20, s19, s14, $0xb8;
	[tilespmem:$0x13C40] =	vst v63  }
0x115: {  	s20 =	sadd.s32 $0x2A00, s17;
	s21 =	simm.s32 $0x6  }
0x116: {  	[spmem:s2] =	stream.indirect.scatter.add.bf16 [tilespmem:s23], [sflag:$0xF], $0x20, s20, s14, $0xb8;
	[tilespmem:$0x13C40] =	vst v63  }
0x117: {  	_ =	swait.ge [sflag:s21], $0xFA0  }
0x118: {  	[sflag:s21] =	ssyncset.done $0x0  }
0x119: {  	[sflag:s21] =	ssyncadd.s32 $0xFFFFF060  }
0x11a: {  	_ =	swait.ge [sflag:s1], $0xFA0  }
0x11b: {  	[sflag:s1] =	ssyncset.done $0x0  }
0x11c: {  	[sflag:s1] =	ssyncadd.s32 $0xFFFFF060  }
0x11d: {  	_ =	swait.ge [sflag:s0], $0xFA0  }
0x11e: {  	[sflag:s0] =	ssyncset.done $0x0  }
0x11f: {  	[sflag:s0] =	ssyncadd.s32 $0xFFFFF060  }
0x120: {  	_ =	swait.ge [sflag:s11], $0xFA0  }
0x121: {  	[sflag:s11] =	ssyncset.done $0x0  }
0x122: {  	[sflag:s11] =	ssyncadd.s32 $0xFFFFF060  }
0x123: {  	_ =	swait.ge [sflag:s3], $0xFA0  }
0x124: {  	[sflag:s3] =	ssyncset.done $0x0  }
0x125: {  	s22 =	sadd.s32 $0x2A80, s17;
	[sflag:s3] =	ssyncadd.s32 $0xFFFFF060  }
0x126: {  	[spmem:s2] =	stream.indirect.scatter.add.bf16 [tilespmem:s24], [sflag:$0x10], $0x20, s22, s14, $0xb8;
	[tilespmem:$0x13C40] =	vst v63  }
0x127: {  	s23 =	sadd.s32 $0x2B00, s17  }
0x128: {  	[spmem:s2] =	stream.indirect.scatter.add.bf16 [tilespmem:s25], [sflag:$0x11], $0x20, s23, s14, $0xb8;
	[tilespmem:$0x13C40] =	vst v63  }
0x129: {  	s24 =	sadd.s32 $0x2B80, s17  }
0x12a: {  	[spmem:s2] =	stream.indirect.scatter.add.bf16 [tilespmem:s26], [sflag:$0x12], $0x20, s24, s14, $0xb8;
	[tilespmem:$0x13C40] =	vst v63  }
0x12b: {  	s25 =	sadd.s32 $0x2C00, s17  }
0x12c: {  	[spmem:s2] =	stream.indirect.scatter.add.bf16 [tilespmem:s28], [sflag:$0x13], $0x20, s25, s14, $0xb8;
	[tilespmem:$0x13C40] =	vst v63  }
0x12d: {  	s17 =	sadd.s32 $0x2C80, s17  }
0x12e: {  	[spmem:s2] =	stream.indirect.scatter.add.bf16 [tilespmem:s29], [sflag:$0x14], $0x20, s17, s14, $0xb8;
	[tilespmem:$0x13C40] =	vst v63  }
0x12f: {  	_ =	swait.ge [sflag:s5], $0xFA0  }
0x130: {  	[sflag:s5] =	ssyncset.done $0x0  }
0x131: {  	[sflag:s5] =	ssyncadd.s32 $0xFFFFF060  }
0x132: {  	_ =	swait.ge [sflag:s6], $0xFA0  }
0x133: {  	[sflag:s6] =	ssyncset.done $0x0  }
0x134: {  	[sflag:s6] =	ssyncadd.s32 $0xFFFFF060  }
0x135: {  	_ =	swait.ge [sflag:s7], $0xFA0  }
0x136: {  	[sflag:s7] =	ssyncset.done $0x0  }
0x137: {  	[sflag:s7] =	ssyncadd.s32 $0xFFFFF060  }
0x138: {  	_ =	swait.ge [sflag:s8], $0xFA0  }
0x139: {  	[sflag:s8] =	ssyncset.done $0x0  }
0x13a: {  	[sflag:s8] =	ssyncadd.s32 $0xFFFFF060  }
0x13b: {  	_ =	swait.ge [sflag:s9], $0xFA0  }
0x13c: {  	[sflag:s9] =	ssyncset.done $0x0  }
0x13d: {  	[sflag:s9] =	ssyncadd.s32 $0xFFFFF060  }
0x13e: {  	_ =	swait.ge [sflag:s12], $0xFA0  }
0x13f: {  	[sflag:s12] =	ssyncset.done $0x0  }
0x140: {  	[sflag:s12] =	ssyncadd.s32 $0xFFFFF060  }
0x141: {  	_ =	swait.ge [sflag:s13], $0xFA0  }
0x142: {  	[sflag:s13] =	ssyncset.done $0x0  }
0x143: {  	[sflag:s13] =	ssyncadd.s32 $0xFFFFF060  }
0x144: {  	_ =	swait.ge [sflag:s10], $0xFA0  }
0x145: {  	[sflag:s10] =	ssyncset.done $0x0  }
0x146: {  	[sflag:s10] =	ssyncadd.s32 $0xFFFFF060  }
0x147: {  	_ =	swait.ge [sflag:s15], $0xFA0  }
0x148: {  	[sflag:s15] =	ssyncset.done $0x0  }
0x149: {  	[sflag:s15] =	ssyncadd.s32 $0xFFFFF060  }
0x14a: {  	_ =	swait.ge [sflag:s16], $0xFA0  }
0x14b: {  	[sflag:s16] =	ssyncset.done $0x0  }
0x14c: {  	[sflag:s16] =	ssyncadd.s32 $0xFFFFF060  }
0x14d: {  	[bflag:$0x0] =	sbarrier.arrive $0xFFFF  }
0x14e: {  	s26 =	rddreg [dreg:$0x6]  }
0x14f: {  	s18 =	rddreg [dreg:$0x8]  }
0x150: {  	s19 =	simm.s32 $0x15;
	s20 =	rddreg [dreg:$0x9]  }
0x151: {  	[hbm:s26], [sflag:s18] =	dma.local [spmem:s20], $0xA00  }
0x152: {  	_ =	swait.ge [sflag:s19], $0xA00  }
0x153: {  	s28 =	rddreg [dreg:$0xa]  }
0x154: {  	s29 =	rddreg [dreg:$0x7];
	s21 =	sadd.s32 $0x1, s28  }
0x155: {  	p0 =	sne.s32 s21, s29  }
.Ltmp1:
0x156: {  	_ = 	snop;
	(pc) =	sbr.rel @p0 .LBB2_1-.Ltmp1, $3  }
0x157: {  	_ =	sdelay $0x1  }
0x158: {  	[sflag:s19] =	ssyncset.done $0x0  }
0x159: {  	[sflag:s19] =	ssyncadd.s32 $0xFFFFF600  }
0x15a: {  	_ =	sfence.sel $0x180000  }
0x15b: {  	[bflag:$0x0] =	sbarrier.arrive $0xFFFF  }
0x15c: {  	_ =	strace $0x9000004A  }
0x15d: {  	s0 =	stileid.u32;
	[bflag:$0x2] =	sbarrier.arrive $0xFFFF  }
0x15e: {  	p0 =	sne.s32 s0, $0x0;
	s0 =	rddreg [dreg:$0x2]  }
0x15f: {  	s0 =	sadd.s32 @!p0 $0x100000, s0  }
0x160: {  	[sflag:s0] =	ssyncadd.tile.s32 @!p0 $0x1;
	_ =	shalt  }
.Lfunc_end2:
_tile_overlayer_lowered:
.L_overlay_start_2:
0x161: {  	(tag) =	ssettag $0x2  }
0x162: {  	s0 =	rddreg [dreg:$0x0];
	s2 =	stileid.u32  }
0x163: {  	s1 =	rddreg [dreg:$0x1];
	p0 =	sne.s32 s2, $0x0  }
0x164: {  	s3 =	rddreg [dreg:$0x2];
	[bflag:$0x3] =	sbarrier.arrive $0xFFFF;
	s2 =	simm.s32 @!p0 $0x1C15  }
0x165: {  	[timem:s3], [sflag:s2] =	dma.local @!p0 [hbm:s0], s1  }
0x166: {  	s0 =	simm.s32 @!p0 $0x15  }
0x167: {  	_ =	swait.ge @!p0 [sflag:s0], s1  }
0x168: {  	s1 =	ssub.s32 @!p0 $0x0, s1;
	[sflag:s0] =	ssyncset.done @!p0 $0x0  }
0x169: {  	[sflag:s0] =	ssyncadd.s32 @!p0 s1  }
0x16a: {  	[bflag:$0x3] =	sbarrier.arrive $0xFFFF  }
0x16b: {  	_ =	shalt  }

// kernel: kernel.14.cloned.1.call-start
scs
__scs_entry_jumppad:
0x0: {  	(pc) =	sbr.rel $0x88, $3  }
0x1: {  	(tag) =	ssettag $0x0;
	lr =	simm.s32 $0x1  }
0x2: {  	[smem:$0x3F99] =	sst lr;
	_ =	strace $0xD0000000  }
0x3: {  	_ = 	snop  }
0x4: {  	_ = 	snop  }
0x5: {  	_ = 	snop  }
0x6: {  	_ = 	snop  }
0x7: {  	_ = 	snop  }
__scs_overlays_trampoline_lowered:
0x8: {  	[smem:$0x3FA8] =	sst s0  }
0x9: {  	[smem:$0x3FA9] =	sst s1  }
0xa: {  	[smem:$0x3FAA] =	sst s2  }
0xb: {  	[smem:$0x3FAB] =	sst s3  }
0xc: {  	[smem:$0x3FAC] =	sst s4  }
0xd: {  	[smem:$0x3FAD] =	sst s5  }
0xe: {  	[smem:$0x3FAE] =	sst s6  }
0xf: {  	[smem:$0x3FAF] =	sst s7  }
0x10: {  	[smem:$0x3FB0] =	sst s8  }
0x11: {  	[smem:$0x3FB1] =	sst s9;
	s0 =	simm.s32 @!p0 $0x0  }
0x12: {  	s1 =	sld [smem:$0x3F97];
	s0 =	simm.s32 @p0 $0x1  }
0x13: {  	[smem:$0x3FB2] =	sst s0;
	s0 =	simm.s32 @!p1 $0x0  }
0x14: {  	s2 =	sld [smem:$0x3F96];
	s0 =	simm.s32 @p1 $0x1  }
0x15: {  	[smem:$0x3FB3] =	sst s0;
	s0 =	simm.s32 @!p2 $0x0  }
0x16: {  	s3 =	sld [smem:$0x3FDB];
	s0 =	simm.s32 @p2 $0x1  }
0x17: {  	s4 =	simm.s32 $0x1BF5;
	[smem:$0x3FB5] =	sst s0  }
0x18: {  	s0 =	sld [smem:$0x3F98];
	_ =	swait.ge [sflag:s4], $0x0  }
0x19: {  	s7 =	sld [smem:$0x3F99]  }
0x1a: {  	s8 =	sadd.s32 $0xFFFFE003, lr  }
0x1b: {  	s9 =	sadd.s32 $0xFFFFFEF7, lr;
	s5 =	simm.s32 $0xFFFFFFFF;
	p2 =	slt.u32 s8, $0xFFFFF086  }
0x1c: {  	p1 =	slt.u32 s9, $0xF7A;
	s5 =	simm.s32 @!p2 $0x0  }
0x1d: {  	s5 =	simm.s32 @p1 $0x1;
	p0 =	seq.s32 s7, s2  }
0x1e: {  	s7 =	smul.u32 @!p0 $0xF7A, s2;
	p2 =	seq.s32 @!p0 s5, $0x0  }
0x1f: {  	s9 =	smul.u32 $0xF7A, s1;
	s8 =	simm.s32 @!p0 $0x1BF5;
	p2 =	por !p2, p0  }
0x20: {  	[sflag:s8] =	ssyncset.s32 @!p0 $0xFFFFF086;
	s6 =	sadd.s32 @!p0 s3, s7;
	s7 =	simm.s32 @!p0 $0x108  }
0x21: {  	s3 =	sadd.s32 s3, s9;
	s6 =	sadd.s32 @!p0 $0x88, s6;
	s7 =	simm.s32 @p2 $0x1082  }
0x22: {  	[simem:s7], [sflag:s8] =	dma.local @!p0 [hbm:s6], $0xF7A  }
0x23: {  	s9 =	sor.u32 $0xD0000000, s2;
	s6 =	simm.s32 $0x108;
	_ =	swait.ge @!p0 [sflag:s8], $0x0  }
0x24: {  	s3 =	sadd.s32 $0x88, s3;
	s6 =	simm.s32 @!p1 $0x1082;
	[sflag:s4] =	ssyncset.s32 $0xFFFFF086  }
0x25: {  	[simem:s6], [sflag:s4] =	dma.local [hbm:s3], $0xF7A  }
0x26: {  	[smem:$0x3F99] =	sst s1;
	(tag) =	ssettag s2;
	_ =	strace s9  }
0x27: {  	s1 =	sld [smem:$0x3FA9]  }
0x28: {  	s2 =	sld [smem:$0x3FAA]  }
0x29: {  	s4 =	sld [smem:$0x3FAC]  }
0x2a: {  	p0 =	seq.s32 s5, $0x0;
	s5 =	sld [smem:$0x3FAD]  }
0x2b: {  	s6 =	sld [smem:$0x3FAE]  }
0x2c: {  	s7 =	sld [smem:$0x3FAF]  }
0x2d: {  	s3 =	simm.s32 $0x108;
	s8 =	sld [smem:$0x3FB0]  }
0x2e: {  	s3 =	simm.s32 @!p0 $0x1082;
	s9 =	sld [smem:$0x3FB1]  }
0x2f: {  	lr =	sadd.s32 s0, s3;
	s0 =	sld [smem:$0x3FA8]  }
0x30: {  	s3 =	sld [smem:$0x3FAB]  }
0x31: {  	[smem:$0x3FB4] =	sst s10  }
0x32: {  	s10 =	sld [smem:$0x3FB2];
	_ =	sdelay $0x3  }
0x33: {  	p0 =	seq.s32 s10, $0x1;
	s10 =	sld [smem:$0x3FB4];
	_ =	sdelay $0x3  }
0x34: {  	[smem:$0x3FB4] =	sst s10  }
0x35: {  	s10 =	sld [smem:$0x3FB3];
	_ =	sdelay $0x3  }
0x36: {  	p1 =	seq.s32 s10, $0x1;
	s10 =	sld [smem:$0x3FB4];
	_ =	sdelay $0x3  }
0x37: {  	[smem:$0x3FB4] =	sst s10  }
0x38: {  	s10 =	sld [smem:$0x3FB5]  }
0x39: {  	_ = 	snop;
	(pc) =	sbr.ind lr, $3  }
0x3a: {  	_ = 	snop  }
0x3b: {  	_ = 	snop  }
0x3c: {  	p2 =	seq.s32 s10, $0x1;
	s10 =	sld [smem:$0x3FB4]  }
0x3d: {  	_ =	shalt  }
0x3e: {  	_ =	shalt  }
0x3f: {  	_ =	shalt  }
0x40: {  	_ =	shalt  }
0x41: {  	_ =	shalt  }
0x42: {  	_ =	shalt  }
0x43: {  	_ =	shalt  }
0x44: {  	_ =	shalt  }
0x45: {  	_ =	shalt  }
0x46: {  	_ =	shalt  }
0x47: {  	_ =	shalt  }
0x48: {  	_ =	shalt  }
0x49: {  	_ =	shalt  }
0x4a: {  	_ =	shalt  }
0x4b: {  	_ =	shalt  }
0x4c: {  	_ =	shalt  }
0x4d: {  	_ =	shalt  }
0x4e: {  	_ =	shalt  }
0x4f: {  	_ =	shalt  }
0x50: {  	_ =	shalt  }
0x51: {  	_ =	shalt  }
0x52: {  	_ =	shalt  }
0x53: {  	_ =	shalt  }
0x54: {  	_ =	shalt  }
0x55: {  	_ =	shalt  }
0x56: {  	_ =	shalt  }
0x57: {  	_ =	shalt  }
0x58: {  	_ =	shalt  }
0x59: {  	_ =	shalt  }
0x5a: {  	_ =	shalt  }
0x5b: {  	_ =	shalt  }
0x5c: {  	_ =	shalt  }
0x5d: {  	_ =	shalt  }
0x5e: {  	_ =	shalt  }
0x5f: {  	_ =	shalt  }
0x60: {  	_ =	shalt  }
0x61: {  	_ =	shalt  }
0x62: {  	_ =	shalt  }
0x63: {  	_ =	shalt  }
0x64: {  	_ =	shalt  }
0x65: {  	_ =	shalt  }
0x66: {  	_ =	shalt  }
0x67: {  	_ =	shalt  }
0x68: {  	_ =	shalt  }
0x69: {  	_ =	shalt  }
0x6a: {  	_ =	shalt  }
0x6b: {  	_ =	shalt  }
0x6c: {  	_ =	shalt  }
0x6d: {  	_ =	shalt  }
0x6e: {  	_ =	shalt  }
0x6f: {  	_ =	shalt  }
0x70: {  	_ =	shalt  }
0x71: {  	_ =	shalt  }
0x72: {  	_ =	shalt  }
0x73: {  	_ =	shalt  }
0x74: {  	_ =	shalt  }
0x75: {  	_ =	shalt  }
0x76: {  	_ =	shalt  }
0x77: {  	_ =	shalt  }
0x78: {  	_ =	shalt  }
0x79: {  	_ =	shalt  }
0x7a: {  	_ =	shalt  }
0x7b: {  	_ =	shalt  }
0x7c: {  	_ =	shalt  }
0x7d: {  	_ =	shalt  }
0x7e: {  	_ =	shalt  }
0x7f: {  	_ =	shalt  }
0x80: {  	_ =	shalt  }
0x81: {  	_ =	shalt  }
0x82: {  	_ =	shalt  }
0x83: {  	_ =	shalt  }
0x84: {  	_ =	shalt  }
0x85: {  	_ =	shalt  }
0x86: {  	_ =	shalt  }
0x87: {  	_ =	shalt  }
.Lfunc_end0:
.L_simem_size_0:
called_computation.2_lowered:
.L_overlay_start_0:
0x88: {  	s2 =	sld [smem:$0x3FD9]  }
0x89: {  	s3 =	sld [smem:$0x3FFE];
	_ =	sdelay $0x1  }
0x8a: {  	s1 =	srdreg.scid  }
0x8b: {  	s0 =	sand.u32 $0x1, s1  }
0x8c: {  	s16 =	sshll.u32 s0, $0xA;
	s2 =	sadd.s32 s3, s2  }
0x8d: {  	s2 =	sadd.s32 s2, s16  }
0x8e: {  	[smem:$0x3FC0] =	sst s2  }
0x8f: {  	_ = 	snop  }
0x90: {  	(tm) =	ssettm $0x1  }
0x91: {  	s17 =	sld [smem:$0x3FFB];
	_ =	sdelay $0x3  }
0x92: {  	_ =	strace s17  }
0x93: {  	s2 =	sld [smem:$0x3FFC];
	_ =	sdelay $0x3  }
0x94: {  	_ =	strace s2  }
0x95: {  	s2 =	sld [smem:$0x3FFD];
	_ =	sdelay $0x3  }
0x96: {  	_ =	strace s2  }
0x97: {  	_ =	strace $0x8FFFFFFF  }
0x98: {  	s18 =	sld [smem:$0x3FDB];
	_ =	sdelay $0x1  }
0x99: {  	s19 =	simm.s32 $_scs_section_size  }
0x9a: {  	s4 =	simm.s32 $_size__tile_overlayer_lowered;
	s5 =	simm.s32 $_tile_overlayer_lowered  }
0x9b: {  	s22 =	simm.s32 $0x1BFF;
	s21 =	sshll.u32 s5, $0x1;
	s2 =	sadd.s32 s19, s18  }
0x9c: {  	s6 =	simm.s32 $0x0;
	s20 =	sshll.u32 s4, $0x1;
	s4 =	sadd.s32 s21, s2  }
0x9d: {  	[timem:s6], [sflag:s22] =	dma.local [hbm:s4], s20  }
0x9e: {  	_ =	swait.ge [sflag:s22], s20  }
0x9f: {  	s3 =	ssub.s32 $0x0, s20;
	[sflag:s22] =	ssyncset.done $0x0  }
0xa0: {  	[sflag:s22] =	ssyncadd.s32 s3;
	_ =	sdelay $0x1  }
0xa1: {  	s23 =	simm.s32 $0x1B8B  }
0xa2: {  	_ =	swait.ge [sflag:s23], $0x1  }
0xa3: {  	[sflag:s23] =	ssyncset.done $0x0  }
0xa4: {  	s25 =	simm.s32 $0x1B8E;
	s24 =	sld [smem:$0x3FFE];
	[sflag:s23] =	ssyncadd.s32 $0xFFFFFFFF  }
0xa5: {  	s26 =	simm.s32 $execute0_lowered;
	[smem:$0x3FD2] =	sst s25  }
0xa6: {  	s4 =	sshll.u32 s26, $0x1;
	_ =	strace $0x8000004C;
	[dreg:$0x1] =	wrdreg $0xFFFFFFFF  }
0xa7: {  	s28 =	simm.s32 $_size_execute0_lowered;
	s2 =	sadd.s32 s2, s4;
	[dreg:$0x0] =	wrdreg $0x0  }
0xa8: {  	s4 =	sshll.u32 s28, $0x1;
	[dreg:$0x2] =	wrdreg s2  }
0xa9: {  	[dreg:$0x3] =	wrdreg s4  }
0xaa: {  	[dreg:$0x4] =	wrdreg $0xC0  }
0xab: {  	_ =	task [dreg:s6], $0x5FFFF  }
0xac: {  	[dreg:$0x1] =	wrdreg $0xFFFFFFFF  }
0xad: {  	[dreg:$0x0] =	wrdreg $0x60  }
0xae: {  	[dreg:$0x2] =	wrdreg s24  }
0xaf: {  	[dreg:$0x3] =	wrdreg $0x9E200  }
0xb0: {  	[dreg:$0x4] =	wrdreg $0x9  }
0xb1: {  	_ =	task.clear_ibuf [dreg:s6], $0x5FFFF;
	_ =	strace $0x9000004C  }
0xb2: {  	s29 =	simm.s32 $0x9;
	_ =	strace $0x8000004E  }
0xb3: {  	_ =	swait.ge [sflag:s29], $0x1  }
0xb4: {  	[sflag:s29] =	ssyncadd.s32 $0xFFFFFFFF  }
0xb5: {  	_ =	strace $0x9000004E  }
0xb6: {  	_ =	sfence  }
0xb7: {  	s30 =	sld [smem:$0x0];
	_ =	sdelay $0x2  }
0xb8: {  	s31 =	sshll.u32 s1, $0xD;
	s1 =	sshrl.u32 s1, $0x2  }
0xb9: {  	s3 =	sand.u32 $0x4000, s31;
	s1 =	sadd.s32 s1, s30  }
0xba: {  	s0 =	sor.u32 s3, s0;
	s1 =	sshll.u32 s1, $0x11  }
0xbb: {  	s0 =	sor.u32 s1, s0  }
0xbc: {  	s0 =	sadd.s32 $0x8F2B, s0  }
0xbd: {  	[sflag:s0] =	ssyncadd.remote.s32 $0x1  }
0xbe: {  	_ =	sfence.sel $0xFFFF  }
0xbf: {  	[dreg:$0x0] =	wrdreg $0xFFFFFFFF;
	(pc) =	sbr.abs _section_cstart, $3  }
0xc0: {  	[dreg:$0x1] =	wrdreg $0xFFFFFFFF  }
0xc1: {  	_ =	task.clear_ibuf [dreg:s6], $0x2FFFF;
	_ =	strace $0x9FFFFFFF  }
0xc2: {  	(tm) =	ssettm $0x7FFFFFFF  }
0xc3: {  	_ =	shalt  }
tec
execute0_lowered:
.L_overlay_start_1:
0x0: {  	(tag) =	ssettag $0x1  }
0x1: {  	s0 =	srdreg.scid  }
0x2: {  	s8 =	stileid.u32;
	s3 =	rddreg [dreg:$0x0]  }
0x3: {  	s2 =	rddreg [dreg:$0x1];
	s4 =	simm.s32 $0x0;
	s19 =	simm.s32 $0x15  }
0x4: {  	s14 =	simm.s32 $0x7D;
	s11 =	simm.s32 $0x9;
	s9 =	simm.s32 $0xF  }
0x5: {  	s12 =	simm.s32 $0x10;
	s13 =	simm.s32 $0x11;
	s10 =	simm.s32 $0x12  }
0x6: {  	s15 =	simm.s32 $0x13;
	s16 =	simm.s32 $0x14;
	s21 =	simm.s32 $0x0  }
0x7: {  	s30 =	simm.s32 $0x8E80;
	s31 =	simm.s32 $0x9650;
	s0 =	sand.u32 $0x1, s0  }
0x8: {  	s1 =	sshll.u32 s8, $0x1;
	s5 =	smul.u32 $0x5000, s8;
	[smem:$0x7FF] =	sst s4  }
0x9: {  	s4 =	sadd.s32 $0x16400, s3;
	s29 =	sshll.u32 s8, $0x6;
	s8 =	simm.s32 $0xE  }
0xa: {  	s1 =	sor.u32 s0, s1;
	s6 =	smul.u32 $0x50000, s0;
	_ =	strace $0x8000004D  }
0xb: {  	s0 =	ssub.s32 $0x2, s0;
	s18 =	sor.u32 $0x1C15, s29;
	s1 =	smul.u32 $0x2800, s1  }
0xc: {  	s7 =	sshrl.u32 s5, $0x4;
	s24 =	sshrl.u32 s0, $0x1;
	[dreg:$0x8] =	wrdreg s18  }
0xd: {  	s6 =	sadd.s32 s5, s6;
	s7 =	sadd.s32 s7, s3;
	s0 =	ssub.s32 s0, s24  }
0xe: {  	s5 =	sshrl.u32 s5, $0x1;
	s1 =	sshrl.u32 s1, $0x3;
	s6 =	sshrl.u32 s6, $0x4  }
0xf: {  	s26 =	sadd.s32 s5, s2;
	s28 =	sadd.s32 $0x3F200, s7;
	s0 =	smax.u32 s0, $0x1  }
0x10: {  	s5 =	simm.s32 $0xB;
	s7 =	simm.s32 $0xD;
	[dreg:$0x5] =	wrdreg s28  }
0x11: {  	s1 =	sadd.s32 s1, s3;
	[dreg:$0x7] =	wrdreg s0;
	s20 =	sshrl.u32 s26, $0x3  }
0x12: {  	s3 =	sadd.s32 s6, s3;
	s25 =	sadd.s32 $0x2400, s1;
	[dreg:$0x9] =	wrdreg s20  }
0x13: {  	s0 =	simm.s32 $0x8;
	s1 =	sadd.s32 $0xC400, s1;
	[dreg:$0x3] =	wrdreg s25  }
0x14: {  	s6 =	simm.s32 $0xC;
	s3 =	sadd.s32 $0x1B400, s3;
	[dreg:$0x4] =	wrdreg s1  }
0x15: {  	[dreg:$0x6] =	wrdreg s3;
	s1 =	simm.s32 $0x7;
	s3 =	simm.s32 $0xA  }
.LBB2_1:
0x16: {  	[dreg:$0xa] =	wrdreg s21  }
0x17: {  	s17 =	simm.s32 $0x0;
	s26 =	rddreg [dreg:$0x3]  }
0x18: {  	[tilespmem:s17], [sflag:$0x15] =	stream.linear.gather [hbm4b:s26+s17], $0x2800, $0x38;
	[tilespmem:$0xC620] =	vst v63  }
0x19: {  	_ =	swait.ge [sflag:s19], $0x2800  }
0x1a: {  	[sflag:s19] =	ssyncset.done $0x0  }
0x1b: {  	s29 =	simm.s32 $0x2800;
	s28 =	rddreg [dreg:$0x4];
	[sflag:s19] =	ssyncadd.s32 $0xFFFFD800  }
0x1c: {  	[tilespmem:s29], [sflag:$0x15] =	stream.linear.gather [hbm4b:s28+s17], $0x2800, $0x38;
	[tilespmem:$0xC620] =	vst v63  }
0x1d: {  	_ =	swait.ge [sflag:s19], $0x2800  }
0x1e: {  	s25 =	smov.u32 s18;
	[sflag:s19] =	ssyncset.done $0x0  }
0x1f: {  	s22 =	smov.u32 s20;
	s18 =	rddreg [dreg:$0x5];
	[sflag:s19] =	ssyncadd.s32 $0xFFFFD800  }
0x20: {  	[spmem:s22], [sflag:s25] =	dma.local [hbm:s18], $0x500  }
0x21: {  	_ =	swait.ge [sflag:s19], $0x500  }
0x22: {  	[sflag:s19] =	ssyncset.done $0x0  }
0x23: {  	[sflag:s19] =	ssyncadd.s32 $0xFFFFFB00  }
0x24: {  	s18 =	simm.s32 $0x5000;
	s19 =	simm.s32 $0x0;
	[bflag:$0x0] =	sbarrier.arrive $0xFFFF  }
0x25: {  	[tilespmem:s18], [sflag:$0x1] =	stream.indirect.gather [hbm4b:s4+s14], $0x10, s19, s14, $0xb8;
	[tilespmem:$0xC620] =	vst v63  }
0x26: {  	s20 =	simm.s32 $0x80;
	s19 =	simm.s32 $0x57D0  }
0x27: {  	[tilespmem:s19], [sflag:$0x2] =	stream.indirect.gather [hbm4b:s4+s14], $0x10, s20, s14, $0xb8;
	[tilespmem:$0xC620] =	vst v63  }
0x28: {  	s21 =	simm.s32 $0x100;
	s20 =	simm.s32 $0x5FA0  }
0x29: {  	[tilespmem:s20], [sflag:$0x3] =	stream.indirect.gather [hbm4b:s4+s14], $0x10, s21, s14, $0xb8;
	[tilespmem:$0xC620] =	vst v63  }
0x2a: {  	s22 =	simm.s32 $0x180;
	s21 =	simm.s32 $0x6770  }
0x2b: {  	[tilespmem:s21], [sflag:$0x4] =	stream.indirect.gather [hbm4b:s4+s14], $0x10, s22, s14, $0xb8;
	[tilespmem:$0xC620] =	vst v63  }
0x2c: {  	s23 =	simm.s32 $0x200;
	s22 =	simm.s32 $0x6F40  }
0x2d: {  	[tilespmem:s22], [sflag:$0x5] =	stream.indirect.gather [hbm4b:s4+s14], $0x10, s23, s14, $0xb8;
	[tilespmem:$0xC620] =	vst v63  }
0x2e: {  	s24 =	simm.s32 $0x280;
	s23 =	simm.s32 $0x7710  }
0x2f: {  	[tilespmem:s23], [sflag:$0x6] =	stream.indirect.gather [hbm4b:s4+s14], $0x10, s24, s14, $0xb8;
	[tilespmem:$0xC620] =	vst v63  }
0x30: {  	s25 =	simm.s32 $0x300;
	s24 =	simm.s32 $0x7EE0  }
0x31: {  	[tilespmem:s24], [sflag:$0x7] =	stream.indirect.gather [hbm4b:s4+s14], $0x10, s25, s14, $0xb8;
	[tilespmem:$0xC620] =	vst v63  }
0x32: {  	s26 =	simm.s32 $0x380;
	s25 =	simm.s32 $0x86B0  }
0x33: {  	[tilespmem:s25], [sflag:$0x8] =	stream.indirect.gather [hbm4b:s4+s14], $0x10, s26, s14, $0xb8;
	[tilespmem:$0xC620] =	vst v63  }
0x34: {  	s28 =	simm.s32 $0x400;
	s26 =	simm.s32 $0x8E80  }
0x35: {  	[tilespmem:s26], [sflag:$0x9] =	stream.indirect.gather [hbm4b:s4+s14], $0x10, s28, s14, $0xb8;
	[tilespmem:$0xC620] =	vst v63  }
0x36: {  	s29 =	simm.s32 $0x480;
	s28 =	simm.s32 $0x9650  }
0x37: {  	[tilespmem:s28], [sflag:$0xA] =	stream.indirect.gather [hbm4b:s4+s14], $0x10, s29, s14, $0xb8;
	[tilespmem:$0xC620] =	vst v63  }
0x38: {  	s29 =	simm.s32 $0x1  }
0x39: {  	_ =	swait.ge [sflag:s29], $0x7D0  }
0x3a: {  	[sflag:s29] =	ssyncset.done $0x0  }
0x3b: {  	[sflag:s29] =	ssyncadd.s32 $0xFFFFF830;
	s29 =	simm.s32 $0x2  }
0x3c: {  	_ =	swait.ge [sflag:s29], $0x7D0  }
0x3d: {  	[sflag:s29] =	ssyncset.done $0x0  }
0x3e: {  	[sflag:s29] =	ssyncadd.s32 $0xFFFFF830;
	s29 =	simm.s32 $0x3  }
0x3f: {  	_ =	swait.ge [sflag:s29], $0x7D0  }
0x40: {  	[sflag:s29] =	ssyncset.done $0x0  }
0x41: {  	[sflag:s29] =	ssyncadd.s32 $0xFFFFF830;
	s29 =	simm.s32 $0x4  }
0x42: {  	_ =	swait.ge [sflag:s29], $0x7D0  }
0x43: {  	[sflag:s29] =	ssyncset.done $0x0  }
0x44: {  	[sflag:s29] =	ssyncadd.s32 $0xFFFFF830;
	s29 =	simm.s32 $0x5  }
0x45: {  	_ =	swait.ge [sflag:s29], $0x7D0  }
0x46: {  	[sflag:s29] =	ssyncset.done $0x0  }
0x47: {  	[sflag:s29] =	ssyncadd.s32 $0xFFFFF830;
	s29 =	simm.s32 $0x2800  }
0x48: {  	[spmem:s2] =	stream.indirect.scatter.add.bf16 [tilespmem:s18], [sflag:$0xB], $0x10, s29, s14, $0xb8;
	[tilespmem:$0xC620] =	vst v63  }
0x49: {  	s29 =	simm.s32 $0x2880  }
0x4a: {  	[spmem:s2] =	stream.indirect.scatter.add.bf16 [tilespmem:s19], [sflag:$0xC], $0x10, s29, s14, $0xb8;
	[tilespmem:$0xC620] =	vst v63  }
0x4b: {  	s18 =	simm.s32 $0x2900  }
0x4c: {  	[spmem:s2] =	stream.indirect.scatter.add.bf16 [tilespmem:s20], [sflag:$0xD], $0x10, s18, s14, $0xb8;
	[tilespmem:$0xC620] =	vst v63  }
0x4d: {  	s19 =	simm.s32 $0x2980  }
0x4e: {  	[spmem:s2] =	stream.indirect.scatter.add.bf16 [tilespmem:s21], [sflag:$0xE], $0x10, s19, s14, $0xb8;
	[tilespmem:$0xC620] =	vst v63  }
0x4f: {  	s20 =	simm.s32 $0x2A00;
	s21 =	simm.s32 $0x6  }
0x50: {  	[spmem:s2] =	stream.indirect.scatter.add.bf16 [tilespmem:s22], [sflag:$0xF], $0x10, s20, s14, $0xb8;
	[tilespmem:$0xC620] =	vst v63  }
0x51: {  	_ =	swait.ge [sflag:s21], $0x7D0  }
0x52: {  	[sflag:s21] =	ssyncset.done $0x0  }
0x53: {  	[sflag:s21] =	ssyncadd.s32 $0xFFFFF830  }
0x54: {  	_ =	swait.ge [sflag:s1], $0x7D0  }
0x55: {  	[sflag:s1] =	ssyncset.done $0x0  }
0x56: {  	[sflag:s1] =	ssyncadd.s32 $0xFFFFF830  }
0x57: {  	_ =	swait.ge [sflag:s0], $0x7D0  }
0x58: {  	[sflag:s0] =	ssyncset.done $0x0  }
0x59: {  	[sflag:s0] =	ssyncadd.s32 $0xFFFFF830  }
0x5a: {  	_ =	swait.ge [sflag:s11], $0x7D0  }
0x5b: {  	[sflag:s11] =	ssyncset.done $0x0  }
0x5c: {  	[sflag:s11] =	ssyncadd.s32 $0xFFFFF830  }
0x5d: {  	_ =	swait.ge [sflag:s3], $0x7D0  }
0x5e: {  	[sflag:s3] =	ssyncset.done $0x0  }
0x5f: {  	s22 =	simm.s32 $0x2A80;
	[sflag:s3] =	ssyncadd.s32 $0xFFFFF830  }
0x60: {  	[spmem:s2] =	stream.indirect.scatter.add.bf16 [tilespmem:s23], [sflag:$0x10], $0x10, s22, s14, $0xb8;
	[tilespmem:$0xC620] =	vst v63  }
0x61: {  	s23 =	simm.s32 $0x2B00  }
0x62: {  	[spmem:s2] =	stream.indirect.scatter.add.bf16 [tilespmem:s24], [sflag:$0x11], $0x10, s23, s14, $0xb8;
	[tilespmem:$0xC620] =	vst v63  }
0x63: {  	s24 =	simm.s32 $0x2B80  }
0x64: {  	[spmem:s2] =	stream.indirect.scatter.add.bf16 [tilespmem:s25], [sflag:$0x12], $0x10, s24, s14, $0xb8;
	[tilespmem:$0xC620] =	vst v63  }
0x65: {  	s25 =	simm.s32 $0x2C00  }
0x66: {  	[spmem:s2] =	stream.indirect.scatter.add.bf16 [tilespmem:s26], [sflag:$0x13], $0x10, s25, s14, $0xb8;
	[tilespmem:$0xC620] =	vst v63  }
0x67: {  	s29 =	simm.s32 $0x2C80  }
0x68: {  	[spmem:s2] =	stream.indirect.scatter.add.bf16 [tilespmem:s28], [sflag:$0x14], $0x10, s29, s14, $0xb8;
	[tilespmem:$0xC620] =	vst v63  }
0x69: {  	_ =	swait.ge [sflag:s5], $0x7D0  }
0x6a: {  	[sflag:s5] =	ssyncset.done $0x0  }
0x6b: {  	[sflag:s5] =	ssyncadd.s32 $0xFFFFF830  }
0x6c: {  	_ =	swait.ge [sflag:s6], $0x7D0  }
0x6d: {  	[sflag:s6] =	ssyncset.done $0x0  }
0x6e: {  	[sflag:s6] =	ssyncadd.s32 $0xFFFFF830  }
0x6f: {  	_ =	swait.ge [sflag:s7], $0x7D0  }
0x70: {  	[sflag:s7] =	ssyncset.done $0x0  }
0x71: {  	[sflag:s7] =	ssyncadd.s32 $0xFFFFF830  }
0x72: {  	_ =	swait.ge [sflag:s8], $0x7D0  }
0x73: {  	[sflag:s8] =	ssyncset.done $0x0  }
0x74: {  	[sflag:s8] =	ssyncadd.s32 $0xFFFFF830  }
0x75: {  	_ =	swait.ge [sflag:s9], $0x7D0  }
0x76: {  	[sflag:s9] =	ssyncset.done $0x0  }
0x77: {  	[sflag:s9] =	ssyncadd.s32 $0xFFFFF830  }
0x78: {  	_ =	swait.ge [sflag:s12], $0x7D0  }
0x79: {  	[sflag:s12] =	ssyncset.done $0x0  }
0x7a: {  	[sflag:s12] =	ssyncadd.s32 $0xFFFFF830  }
0x7b: {  	_ =	swait.ge [sflag:s13], $0x7D0  }
0x7c: {  	[sflag:s13] =	ssyncset.done $0x0  }
0x7d: {  	[sflag:s13] =	ssyncadd.s32 $0xFFFFF830  }
0x7e: {  	_ =	swait.ge [sflag:s10], $0x7D0  }
0x7f: {  	[sflag:s10] =	ssyncset.done $0x0  }
0x80: {  	[sflag:s10] =	ssyncadd.s32 $0xFFFFF830  }
0x81: {  	_ =	swait.ge [sflag:s15], $0x7D0  }
0x82: {  	[sflag:s15] =	ssyncset.done $0x0  }
0x83: {  	[sflag:s15] =	ssyncadd.s32 $0xFFFFF830  }
0x84: {  	_ =	swait.ge [sflag:s16], $0x7D0  }
0x85: {  	s17 =	simm.s32 $0x1400;
	s18 =	simm.s32 $0x2800;
	[sflag:s16] =	ssyncset.done $0x0  }
.LBB2_2:
0x86: {  	s19 =	sshra.s32 s17, $0x2;
	[sflag:s16] =	ssyncadd.s32 $0xFFFFF830  }
0x87: {  	s17 =	smov.u32 s18;
	s20 =	sadd.s32 $0x1400, s18;
	s21 =	simm.s32 $0x5000  }
0x88: {  	[tilespmem:s21], [sflag:$0x1] =	stream.indirect.gather [hbm4b:s4+s14], $0x10, s19, s14, $0xb8;
	[tilespmem:$0xC620] =	vst v63  }
0x89: {  	p0 =	sne.s32 s18, $0x8C00;
	s22 =	simm.s32 $0x57D0;
	s18 =	sadd.s32 $0x80, s19  }
0x8a: {  	[tilespmem:s22], [sflag:$0x2] =	stream.indirect.gather [hbm4b:s4+s14], $0x10, s18, s14, $0xb8;
	[tilespmem:$0xC620] =	vst v63  }
0x8b: {  	s23 =	simm.s32 $0x5FA0;
	s18 =	sadd.s32 $0x100, s19  }
0x8c: {  	[tilespmem:s23], [sflag:$0x3] =	stream.indirect.gather [hbm4b:s4+s14], $0x10, s18, s14, $0xb8;
	[tilespmem:$0xC620] =	vst v63  }
0x8d: {  	s24 =	simm.s32 $0x6770;
	s18 =	sadd.s32 $0x180, s19  }
0x8e: {  	[tilespmem:s24], [sflag:$0x4] =	stream.indirect.gather [hbm4b:s4+s14], $0x10, s18, s14, $0xb8;
	[tilespmem:$0xC620] =	vst v63  }
0x8f: {  	s25 =	simm.s32 $0x6F40;
	s18 =	sadd.s32 $0x200, s19  }
0x90: {  	[tilespmem:s25], [sflag:$0x5] =	stream.indirect.gather [hbm4b:s4+s14], $0x10, s18, s14, $0xb8;
	[tilespmem:$0xC620] =	vst v63  }
0x91: {  	s26 =	simm.s32 $0x7710;
	s18 =	sadd.s32 $0x280, s19  }
0x92: {  	[tilespmem:s26], [sflag:$0x6] =	stream.indirect.gather [hbm4b:s4+s14], $0x10, s18, s14, $0xb8;
	[tilespmem:$0xC620] =	vst v63  }
0x93: {  	s28 =	simm.s32 $0x7EE0;
	s18 =	sadd.s32 $0x300, s19  }
0x94: {  	[tilespmem:s28], [sflag:$0x7] =	stream.indirect.gather [hbm4b:s4+s14], $0x10, s18, s14, $0xb8;
	[tilespmem:$0xC620] =	vst v63  }
0x95: {  	s29 =	simm.s32 $0x86B0;
	s18 =	sadd.s32 $0x380, s19  }
0x96: {  	[tilespmem:s29], [sflag:$0x8] =	stream.indirect.gather [hbm4b:s4+s14], $0x10, s18, s14, $0xb8;
	[tilespmem:$0xC620] =	vst v63  }
0x97: {  	s18 =	sadd.s32 $0x400, s19  }
0x98: {  	[tilespmem:s30], [sflag:$0x9] =	stream.indirect.gather [hbm4b:s4+s14], $0x10, s18, s14, $0xb8;
	[tilespmem:$0xC620] =	vst v63  }
0x99: {  	s18 =	sadd.s32 $0x480, s19  }
0x9a: {  	[tilespmem:s31], [sflag:$0xA] =	stream.indirect.gather [hbm4b:s4+s14], $0x10, s18, s14, $0xb8;
	[tilespmem:$0xC620] =	vst v63  }
0x9b: {  	s18 =	simm.s32 $0x1  }
0x9c: {  	_ =	swait.ge [sflag:s18], $0x7D0  }
0x9d: {  	[sflag:s18] =	ssyncset.done $0x0  }
0x9e: {  	[sflag:s18] =	ssyncadd.s32 $0xFFFFF830;
	s18 =	simm.s32 $0x2  }
0x9f: {  	_ =	swait.ge [sflag:s18], $0x7D0  }
0xa0: {  	[sflag:s18] =	ssyncset.done $0x0  }
0xa1: {  	[sflag:s18] =	ssyncadd.s32 $0xFFFFF830;
	s18 =	simm.s32 $0x3  }
0xa2: {  	_ =	swait.ge [sflag:s18], $0x7D0  }
0xa3: {  	[sflag:s18] =	ssyncset.done $0x0  }
0xa4: {  	[sflag:s18] =	ssyncadd.s32 $0xFFFFF830;
	s18 =	simm.s32 $0x4  }
0xa5: {  	_ =	swait.ge [sflag:s18], $0x7D0  }
0xa6: {  	[sflag:s18] =	ssyncset.done $0x0  }
0xa7: {  	[sflag:s18] =	ssyncadd.s32 $0xFFFFF830;
	s18 =	simm.s32 $0x5  }
0xa8: {  	_ =	swait.ge [sflag:s18], $0x7D0  }
0xa9: {  	[sflag:s18] =	ssyncset.done $0x0  }
0xaa: {  	[sflag:s18] =	ssyncadd.s32 $0xFFFFF830;
	s18 =	sadd.s32 $0x2800, s19  }
0xab: {  	[spmem:s2] =	stream.indirect.scatter.add.bf16 [tilespmem:s21], [sflag:$0xB], $0x10, s18, s14, $0xb8;
	[tilespmem:$0xC620] =	vst v63  }
0xac: {  	s18 =	sadd.s32 $0x2880, s19  }
0xad: {  	[spmem:s2] =	stream.indirect.scatter.add.bf16 [tilespmem:s22], [sflag:$0xC], $0x10, s18, s14, $0xb8;
	[tilespmem:$0xC620] =	vst v63  }
0xae: {  	s18 =	sadd.s32 $0x2900, s19  }
0xaf: {  	[spmem:s2] =	stream.indirect.scatter.add.bf16 [tilespmem:s23], [sflag:$0xD], $0x10, s18, s14, $0xb8;
	[tilespmem:$0xC620] =	vst v63  }
0xb0: {  	s18 =	sadd.s32 $0x2980, s19  }
0xb1: {  	[spmem:s2] =	stream.indirect.scatter.add.bf16 [tilespmem:s24], [sflag:$0xE], $0x10, s18, s14, $0xb8;
	[tilespmem:$0xC620] =	vst v63  }
0xb2: {  	s18 =	sadd.s32 $0x2A00, s19  }
0xb3: {  	[spmem:s2] =	stream.indirect.scatter.add.bf16 [tilespmem:s25], [sflag:$0xF], $0x10, s18, s14, $0xb8;
	[tilespmem:$0xC620] =	vst v63  }
0xb4: {  	s18 =	simm.s32 $0x6  }
0xb5: {  	_ =	swait.ge [sflag:s18], $0x7D0  }
0xb6: {  	[sflag:s18] =	ssyncset.done $0x0  }
0xb7: {  	[sflag:s18] =	ssyncadd.s32 $0xFFFFF830  }
0xb8: {  	_ =	swait.ge [sflag:s1], $0x7D0  }
0xb9: {  	[sflag:s1] =	ssyncset.done $0x0  }
0xba: {  	[sflag:s1] =	ssyncadd.s32 $0xFFFFF830  }
0xbb: {  	_ =	swait.ge [sflag:s0], $0x7D0  }
0xbc: {  	[sflag:s0] =	ssyncset.done $0x0  }
0xbd: {  	[sflag:s0] =	ssyncadd.s32 $0xFFFFF830  }
0xbe: {  	_ =	swait.ge [sflag:s11], $0x7D0  }
0xbf: {  	[sflag:s11] =	ssyncset.done $0x0  }
0xc0: {  	[sflag:s11] =	ssyncadd.s32 $0xFFFFF830  }
0xc1: {  	_ =	swait.ge [sflag:s3], $0x7D0  }
0xc2: {  	[sflag:s3] =	ssyncset.done $0x0  }
0xc3: {  	s18 =	sadd.s32 $0x2A80, s19;
	[sflag:s3] =	ssyncadd.s32 $0xFFFFF830  }
0xc4: {  	[spmem:s2] =	stream.indirect.scatter.add.bf16 [tilespmem:s26], [sflag:$0x10], $0x10, s18, s14, $0xb8;
	[tilespmem:$0xC620] =	vst v63  }
0xc5: {  	s18 =	sadd.s32 $0x2B00, s19  }
0xc6: {  	[spmem:s2] =	stream.indirect.scatter.add.bf16 [tilespmem:s28], [sflag:$0x11], $0x10, s18, s14, $0xb8;
	[tilespmem:$0xC620] =	vst v63  }
0xc7: {  	s18 =	sadd.s32 $0x2B80, s19  }
0xc8: {  	[spmem:s2] =	stream.indirect.scatter.add.bf16 [tilespmem:s29], [sflag:$0x12], $0x10, s18, s14, $0xb8;
	[tilespmem:$0xC620] =	vst v63  }
0xc9: {  	s18 =	sadd.s32 $0x2C00, s19  }
0xca: {  	[spmem:s2] =	stream.indirect.scatter.add.bf16 [tilespmem:s30], [sflag:$0x13], $0x10, s18, s14, $0xb8;
	[tilespmem:$0xC620] =	vst v63  }
0xcb: {  	s18 =	sadd.s32 $0x2C80, s19  }
0xcc: {  	[spmem:s2] =	stream.indirect.scatter.add.bf16 [tilespmem:s31], [sflag:$0x14], $0x10, s18, s14, $0xb8;
	[tilespmem:$0xC620] =	vst v63  }
0xcd: {  	_ =	swait.ge [sflag:s5], $0x7D0  }
0xce: {  	[sflag:s5] =	ssyncset.done $0x0  }
0xcf: {  	[sflag:s5] =	ssyncadd.s32 $0xFFFFF830  }
0xd0: {  	_ =	swait.ge [sflag:s6], $0x7D0  }
0xd1: {  	[sflag:s6] =	ssyncset.done $0x0  }
0xd2: {  	[sflag:s6] =	ssyncadd.s32 $0xFFFFF830  }
0xd3: {  	_ =	swait.ge [sflag:s7], $0x7D0  }
0xd4: {  	[sflag:s7] =	ssyncset.done $0x0  }
0xd5: {  	[sflag:s7] =	ssyncadd.s32 $0xFFFFF830  }
0xd6: {  	_ =	swait.ge [sflag:s8], $0x7D0  }
0xd7: {  	[sflag:s8] =	ssyncset.done $0x0  }
0xd8: {  	[sflag:s8] =	ssyncadd.s32 $0xFFFFF830  }
0xd9: {  	_ =	swait.ge [sflag:s9], $0x7D0  }
0xda: {  	[sflag:s9] =	ssyncset.done $0x0  }
0xdb: {  	[sflag:s9] =	ssyncadd.s32 $0xFFFFF830  }
0xdc: {  	_ =	swait.ge [sflag:s12], $0x7D0  }
0xdd: {  	[sflag:s12] =	ssyncset.done $0x0  }
0xde: {  	[sflag:s12] =	ssyncadd.s32 $0xFFFFF830  }
0xdf: {  	_ =	swait.ge [sflag:s13], $0x7D0  }
0xe0: {  	[sflag:s13] =	ssyncset.done $0x0  }
0xe1: {  	[sflag:s13] =	ssyncadd.s32 $0xFFFFF830  }
0xe2: {  	_ =	swait.ge [sflag:s10], $0x7D0  }
0xe3: {  	[sflag:s10] =	ssyncset.done $0x0  }
0xe4: {  	[sflag:s10] =	ssyncadd.s32 $0xFFFFF830  }
.Ltmp0:
0xe5: {  	_ =	swait.ge [sflag:s15], $0x7D0;
	(pc) =	sbr.rel @p0 .LBB2_2-.Ltmp0, $4  }
0xe6: {  	[sflag:s15] =	ssyncset.done $0x0  }
0xe7: {  	[sflag:s15] =	ssyncadd.s32 $0xFFFFF830  }
0xe8: {  	_ =	swait.ge [sflag:s16], $0x7D0  }
0xe9: {  	s18 =	smov.u32 s20;
	[sflag:s16] =	ssyncset.done $0x0  }
0xea: {  	s17 =	sshra.s32 s17, $0x2;
	[sflag:s16] =	ssyncadd.s32 $0xFFFFF830;
	s19 =	simm.s32 $0x5000  }
0xeb: {  	[tilespmem:s19], [sflag:$0x1] =	stream.indirect.gather [hbm4b:s4+s14], $0x10, s17, s14, $0xb8;
	[tilespmem:$0xC620] =	vst v63  }
0xec: {  	s20 =	simm.s32 $0x57D0;
	s18 =	sadd.s32 $0x80, s17  }
0xed: {  	[tilespmem:s20], [sflag:$0x2] =	stream.indirect.gather [hbm4b:s4+s14], $0x10, s18, s14, $0xb8;
	[tilespmem:$0xC620] =	vst v63  }
0xee: {  	s21 =	simm.s32 $0x5FA0;
	s22 =	sadd.s32 $0x100, s17  }
0xef: {  	[tilespmem:s21], [sflag:$0x3] =	stream.indirect.gather [hbm4b:s4+s14], $0x10, s22, s14, $0xb8;
	[tilespmem:$0xC620] =	vst v63  }
0xf0: {  	s23 =	sadd.s32 $0x180, s17;
	s22 =	simm.s32 $0x6770  }
0xf1: {  	[tilespmem:s22], [sflag:$0x4] =	stream.indirect.gather [hbm4b:s4+s14], $0x10, s23, s14, $0xb8;
	[tilespmem:$0xC620] =	vst v63  }
0xf2: {  	s24 =	sadd.s32 $0x200, s17;
	s23 =	simm.s32 $0x6F40  }
0xf3: {  	[tilespmem:s23], [sflag:$0x5] =	stream.indirect.gather [hbm4b:s4+s14], $0x10, s24, s14, $0xb8;
	[tilespmem:$0xC620] =	vst v63  }
0xf4: {  	s25 =	sadd.s32 $0x280, s17;
	s24 =	simm.s32 $0x7710  }
0xf5: {  	[tilespmem:s24], [sflag:$0x6] =	stream.indirect.gather [hbm4b:s4+s14], $0x10, s25, s14, $0xb8;
	[tilespmem:$0xC620] =	vst v63  }
0xf6: {  	s26 =	sadd.s32 $0x300, s17;
	s25 =	simm.s32 $0x7EE0  }
0xf7: {  	[tilespmem:s25], [sflag:$0x7] =	stream.indirect.gather [hbm4b:s4+s14], $0x10, s26, s14, $0xb8;
	[tilespmem:$0xC620] =	vst v63  }
0xf8: {  	s28 =	sadd.s32 $0x380, s17;
	s26 =	simm.s32 $0x86B0  }
0xf9: {  	[tilespmem:s26], [sflag:$0x8] =	stream.indirect.gather [hbm4b:s4+s14], $0x10, s28, s14, $0xb8;
	[tilespmem:$0xC620] =	vst v63  }
0xfa: {  	s29 =	sadd.s32 $0x400, s17;
	s28 =	simm.s32 $0x8E80  }
0xfb: {  	[tilespmem:s28], [sflag:$0x9] =	stream.indirect.gather [hbm4b:s4+s14], $0x10, s29, s14, $0xb8;
	[tilespmem:$0xC620] =	vst v63  }
0xfc: {  	s18 =	sadd.s32 $0x480, s17;
	s29 =	simm.s32 $0x9650  }
0xfd: {  	[tilespmem:s29], [sflag:$0xA] =	stream.indirect.gather [hbm4b:s4+s14], $0x10, s18, s14, $0xb8;
	[tilespmem:$0xC620] =	vst v63  }
0xfe: {  	s18 =	simm.s32 $0x1  }
0xff: {  	_ =	swait.ge [sflag:s18], $0x7D0  }
0x100: {  	[sflag:s18] =	ssyncset.done $0x0  }
0x101: {  	[sflag:s18] =	ssyncadd.s32 $0xFFFFF830;
	s18 =	simm.s32 $0x2  }
0x102: {  	_ =	swait.ge [sflag:s18], $0x7D0  }
0x103: {  	[sflag:s18] =	ssyncset.done $0x0  }
0x104: {  	[sflag:s18] =	ssyncadd.s32 $0xFFFFF830;
	s18 =	simm.s32 $0x3  }
0x105: {  	_ =	swait.ge [sflag:s18], $0x7D0  }
0x106: {  	[sflag:s18] =	ssyncset.done $0x0  }
0x107: {  	[sflag:s18] =	ssyncadd.s32 $0xFFFFF830;
	s18 =	simm.s32 $0x4  }
0x108: {  	_ =	swait.ge [sflag:s18], $0x7D0  }
0x109: {  	[sflag:s18] =	ssyncset.done $0x0  }
0x10a: {  	[sflag:s18] =	ssyncadd.s32 $0xFFFFF830;
	s18 =	simm.s32 $0x5  }
0x10b: {  	_ =	swait.ge [sflag:s18], $0x7D0  }
0x10c: {  	[sflag:s18] =	ssyncset.done $0x0  }
0x10d: {  	[sflag:s18] =	ssyncadd.s32 $0xFFFFF830;
	s18 =	sadd.s32 $0x2800, s17  }
0x10e: {  	[spmem:s2] =	stream.indirect.scatter.add.bf16 [tilespmem:s19], [sflag:$0xB], $0x10, s18, s14, $0xb8;
	[tilespmem:$0xC620] =	vst v63  }
0x10f: {  	s19 =	sadd.s32 $0x2880, s17  }
0x110: {  	[spmem:s2] =	stream.indirect.scatter.add.bf16 [tilespmem:s20], [sflag:$0xC], $0x10, s19, s14, $0xb8;
	[tilespmem:$0xC620] =	vst v63  }
0x111: {  	s20 =	sadd.s32 $0x2900, s17  }
0x112: {  	[spmem:s2] =	stream.indirect.scatter.add.bf16 [tilespmem:s21], [sflag:$0xD], $0x10, s20, s14, $0xb8;
	[tilespmem:$0xC620] =	vst v63  }
0x113: {  	s19 =	sadd.s32 $0x2980, s17  }
0x114: {  	[spmem:s2] =	stream.indirect.scatter.add.bf16 [tilespmem:s22], [sflag:$0xE], $0x10, s19, s14, $0xb8;
	[tilespmem:$0xC620] =	vst v63  }
0x115: {  	s20 =	sadd.s32 $0x2A00, s17;
	s21 =	simm.s32 $0x6  }
0x116: {  	[spmem:s2] =	stream.indirect.scatter.add.bf16 [tilespmem:s23], [sflag:$0xF], $0x10, s20, s14, $0xb8;
	[tilespmem:$0xC620] =	vst v63  }
0x117: {  	_ =	swait.ge [sflag:s21], $0x7D0  }
0x118: {  	[sflag:s21] =	ssyncset.done $0x0  }
0x119: {  	[sflag:s21] =	ssyncadd.s32 $0xFFFFF830  }
0x11a: {  	_ =	swait.ge [sflag:s1], $0x7D0  }
0x11b: {  	[sflag:s1] =	ssyncset.done $0x0  }
0x11c: {  	[sflag:s1] =	ssyncadd.s32 $0xFFFFF830  }
0x11d: {  	_ =	swait.ge [sflag:s0], $0x7D0  }
0x11e: {  	[sflag:s0] =	ssyncset.done $0x0  }
0x11f: {  	[sflag:s0] =	ssyncadd.s32 $0xFFFFF830  }
0x120: {  	_ =	swait.ge [sflag:s11], $0x7D0  }
0x121: {  	[sflag:s11] =	ssyncset.done $0x0  }
0x122: {  	[sflag:s11] =	ssyncadd.s32 $0xFFFFF830  }
0x123: {  	_ =	swait.ge [sflag:s3], $0x7D0  }
0x124: {  	[sflag:s3] =	ssyncset.done $0x0  }
0x125: {  	s22 =	sadd.s32 $0x2A80, s17;
	[sflag:s3] =	ssyncadd.s32 $0xFFFFF830  }
0x126: {  	[spmem:s2] =	stream.indirect.scatter.add.bf16 [tilespmem:s24], [sflag:$0x10], $0x10, s22, s14, $0xb8;
	[tilespmem:$0xC620] =	vst v63  }
0x127: {  	s23 =	sadd.s32 $0x2B00, s17  }
0x128: {  	[spmem:s2] =	stream.indirect.scatter.add.bf16 [tilespmem:s25], [sflag:$0x11], $0x10, s23, s14, $0xb8;
	[tilespmem:$0xC620] =	vst v63  }
0x129: {  	s24 =	sadd.s32 $0x2B80, s17  }
0x12a: {  	[spmem:s2] =	stream.indirect.scatter.add.bf16 [tilespmem:s26], [sflag:$0x12], $0x10, s24, s14, $0xb8;
	[tilespmem:$0xC620] =	vst v63  }
0x12b: {  	s25 =	sadd.s32 $0x2C00, s17  }
0x12c: {  	[spmem:s2] =	stream.indirect.scatter.add.bf16 [tilespmem:s28], [sflag:$0x13], $0x10, s25, s14, $0xb8;
	[tilespmem:$0xC620] =	vst v63  }
0x12d: {  	s17 =	sadd.s32 $0x2C80, s17  }
0x12e: {  	[spmem:s2] =	stream.indirect.scatter.add.bf16 [tilespmem:s29], [sflag:$0x14], $0x10, s17, s14, $0xb8;
	[tilespmem:$0xC620] =	vst v63  }
0x12f: {  	_ =	swait.ge [sflag:s5], $0x7D0  }
0x130: {  	[sflag:s5] =	ssyncset.done $0x0  }
0x131: {  	[sflag:s5] =	ssyncadd.s32 $0xFFFFF830  }
0x132: {  	_ =	swait.ge [sflag:s6], $0x7D0  }
0x133: {  	[sflag:s6] =	ssyncset.done $0x0  }
0x134: {  	[sflag:s6] =	ssyncadd.s32 $0xFFFFF830  }
0x135: {  	_ =	swait.ge [sflag:s7], $0x7D0  }
0x136: {  	[sflag:s7] =	ssyncset.done $0x0  }
0x137: {  	[sflag:s7] =	ssyncadd.s32 $0xFFFFF830  }
0x138: {  	_ =	swait.ge [sflag:s8], $0x7D0  }
0x139: {  	[sflag:s8] =	ssyncset.done $0x0  }
0x13a: {  	[sflag:s8] =	ssyncadd.s32 $0xFFFFF830  }
0x13b: {  	_ =	swait.ge [sflag:s9], $0x7D0  }
0x13c: {  	[sflag:s9] =	ssyncset.done $0x0  }
0x13d: {  	[sflag:s9] =	ssyncadd.s32 $0xFFFFF830  }
0x13e: {  	_ =	swait.ge [sflag:s12], $0x7D0  }
0x13f: {  	[sflag:s12] =	ssyncset.done $0x0  }
0x140: {  	[sflag:s12] =	ssyncadd.s32 $0xFFFFF830  }
0x141: {  	_ =	swait.ge [sflag:s13], $0x7D0  }
0x142: {  	[sflag:s13] =	ssyncset.done $0x0  }
0x143: {  	[sflag:s13] =	ssyncadd.s32 $0xFFFFF830  }
0x144: {  	_ =	swait.ge [sflag:s10], $0x7D0  }
0x145: {  	[sflag:s10] =	ssyncset.done $0x0  }
0x146: {  	[sflag:s10] =	ssyncadd.s32 $0xFFFFF830  }
0x147: {  	_ =	swait.ge [sflag:s15], $0x7D0  }
0x148: {  	[sflag:s15] =	ssyncset.done $0x0  }
0x149: {  	[sflag:s15] =	ssyncadd.s32 $0xFFFFF830  }
0x14a: {  	_ =	swait.ge [sflag:s16], $0x7D0  }
0x14b: {  	[sflag:s16] =	ssyncset.done $0x0  }
0x14c: {  	[sflag:s16] =	ssyncadd.s32 $0xFFFFF830  }
0x14d: {  	[bflag:$0x0] =	sbarrier.arrive $0xFFFF  }
0x14e: {  	s26 =	rddreg [dreg:$0x6]  }
0x14f: {  	s18 =	rddreg [dreg:$0x8]  }
0x150: {  	s19 =	simm.s32 $0x15;
	s20 =	rddreg [dreg:$0x9]  }
0x151: {  	[hbm:s26], [sflag:s18] =	dma.local [spmem:s20], $0x500  }
0x152: {  	_ =	swait.ge [sflag:s19], $0x500  }
0x153: {  	s28 =	rddreg [dreg:$0xa]  }
0x154: {  	s29 =	rddreg [dreg:$0x7];
	s21 =	sadd.s32 $0x1, s28  }
0x155: {  	p0 =	sne.s32 s21, s29  }
.Ltmp1:
0x156: {  	_ = 	snop;
	(pc) =	sbr.rel @p0 .LBB2_1-.Ltmp1, $3  }
0x157: {  	_ =	sdelay $0x1  }
0x158: {  	[sflag:s19] =	ssyncset.done $0x0  }
0x159: {  	[sflag:s19] =	ssyncadd.s32 $0xFFFFFB00  }
0x15a: {  	_ =	sfence.sel $0x180000  }
0x15b: {  	[bflag:$0x0] =	sbarrier.arrive $0xFFFF  }
0x15c: {  	_ =	strace $0x9000004D  }
0x15d: {  	s0 =	stileid.u32;
	[bflag:$0x2] =	sbarrier.arrive $0xFFFF  }
0x15e: {  	p0 =	sne.s32 s0, $0x0;
	s0 =	rddreg [dreg:$0x2]  }
0x15f: {  	s0 =	sadd.s32 @!p0 $0x100000, s0  }
0x160: {  	[sflag:s0] =	ssyncadd.tile.s32 @!p0 $0x1;
	_ =	shalt  }
.Lfunc_end2:
_tile_overlayer_lowered:
.L_overlay_start_2:
0x161: {  	(tag) =	ssettag $0x2  }
0x162: {  	s0 =	rddreg [dreg:$0x0];
	s2 =	stileid.u32  }
0x163: {  	s1 =	rddreg [dreg:$0x1];
	p0 =	sne.s32 s2, $0x0  }
0x164: {  	s3 =	rddreg [dreg:$0x2];
	[bflag:$0x3] =	sbarrier.arrive $0xFFFF;
	s2 =	simm.s32 @!p0 $0x1C15  }
0x165: {  	[timem:s3], [sflag:s2] =	dma.local @!p0 [hbm:s0], s1  }
0x166: {  	s0 =	simm.s32 @!p0 $0x15  }
0x167: {  	_ =	swait.ge @!p0 [sflag:s0], s1  }
0x168: {  	s1 =	ssub.s32 @!p0 $0x0, s1;
	[sflag:s0] =	ssyncset.done @!p0 $0x0  }
0x169: {  	[sflag:s0] =	ssyncadd.s32 @!p0 s1  }
0x16a: {  	[bflag:$0x3] =	sbarrier.arrive $0xFFFF  }
0x16b: {  	_ =	shalt  }

// kernel: kernel.8.cloned.1.call-start
scs
__scs_entry_jumppad:
0x0: {  	(pc) =	sbr.rel $0x88, $3  }
0x1: {  	(tag) =	ssettag $0x0;
	lr =	simm.s32 $0x1  }
0x2: {  	[smem:$0x3F99] =	sst lr;
	_ =	strace $0xD0000000  }
0x3: {  	_ = 	snop  }
0x4: {  	_ = 	snop  }
0x5: {  	_ = 	snop  }
0x6: {  	_ = 	snop  }
0x7: {  	_ = 	snop  }
__scs_overlays_trampoline_lowered:
0x8: {  	[smem:$0x3FA8] =	sst s0  }
0x9: {  	[smem:$0x3FA9] =	sst s1  }
0xa: {  	[smem:$0x3FAA] =	sst s2  }
0xb: {  	[smem:$0x3FAB] =	sst s3  }
0xc: {  	[smem:$0x3FAC] =	sst s4  }
0xd: {  	[smem:$0x3FAD] =	sst s5  }
0xe: {  	[smem:$0x3FAE] =	sst s6  }
0xf: {  	[smem:$0x3FAF] =	sst s7  }
0x10: {  	[smem:$0x3FB0] =	sst s8  }
0x11: {  	[smem:$0x3FB1] =	sst s9;
	s0 =	simm.s32 @!p0 $0x0  }
0x12: {  	s1 =	sld [smem:$0x3F97];
	s0 =	simm.s32 @p0 $0x1  }
0x13: {  	[smem:$0x3FB2] =	sst s0;
	s0 =	simm.s32 @!p1 $0x0  }
0x14: {  	s2 =	sld [smem:$0x3F96];
	s0 =	simm.s32 @p1 $0x1  }
0x15: {  	[smem:$0x3FB3] =	sst s0;
	s0 =	simm.s32 @!p2 $0x0  }
0x16: {  	s3 =	sld [smem:$0x3FDB];
	s0 =	simm.s32 @p2 $0x1  }
0x17: {  	s4 =	simm.s32 $0x1BF5;
	[smem:$0x3FB5] =	sst s0  }
0x18: {  	s0 =	sld [smem:$0x3F98];
	_ =	swait.ge [sflag:s4], $0x0  }
0x19: {  	s7 =	sld [smem:$0x3F99]  }
0x1a: {  	s8 =	sadd.s32 $0xFFFFE003, lr  }
0x1b: {  	s9 =	sadd.s32 $0xFFFFFEF7, lr;
	s5 =	simm.s32 $0xFFFFFFFF;
	p2 =	slt.u32 s8, $0xFFFFF086  }
0x1c: {  	p1 =	slt.u32 s9, $0xF7A;
	s5 =	simm.s32 @!p2 $0x0  }
0x1d: {  	s5 =	simm.s32 @p1 $0x1;
	p0 =	seq.s32 s7, s2  }
0x1e: {  	s7 =	smul.u32 @!p0 $0xF7A, s2;
	p2 =	seq.s32 @!p0 s5, $0x0  }
0x1f: {  	s9 =	smul.u32 $0xF7A, s1;
	s8 =	simm.s32 @!p0 $0x1BF5;
	p2 =	por !p2, p0  }
0x20: {  	[sflag:s8] =	ssyncset.s32 @!p0 $0xFFFFF086;
	s6 =	sadd.s32 @!p0 s3, s7;
	s7 =	simm.s32 @!p0 $0x108  }
0x21: {  	s3 =	sadd.s32 s3, s9;
	s6 =	sadd.s32 @!p0 $0x88, s6;
	s7 =	simm.s32 @p2 $0x1082  }
0x22: {  	[simem:s7], [sflag:s8] =	dma.local @!p0 [hbm:s6], $0xF7A  }
0x23: {  	s9 =	sor.u32 $0xD0000000, s2;
	s6 =	simm.s32 $0x108;
	_ =	swait.ge @!p0 [sflag:s8], $0x0  }
0x24: {  	s3 =	sadd.s32 $0x88, s3;
	s6 =	simm.s32 @!p1 $0x1082;
	[sflag:s4] =	ssyncset.s32 $0xFFFFF086  }
0x25: {  	[simem:s6], [sflag:s4] =	dma.local [hbm:s3], $0xF7A  }
0x26: {  	[smem:$0x3F99] =	sst s1;
	(tag) =	ssettag s2;
	_ =	strace s9  }
0x27: {  	s1 =	sld [smem:$0x3FA9]  }
0x28: {  	s2 =	sld [smem:$0x3FAA]  }
0x29: {  	s4 =	sld [smem:$0x3FAC]  }
0x2a: {  	p0 =	seq.s32 s5, $0x0;
	s5 =	sld [smem:$0x3FAD]  }
0x2b: {  	s6 =	sld [smem:$0x3FAE]  }
0x2c: {  	s7 =	sld [smem:$0x3FAF]  }
0x2d: {  	s3 =	simm.s32 $0x108;
	s8 =	sld [smem:$0x3FB0]  }
0x2e: {  	s3 =	simm.s32 @!p0 $0x1082;
	s9 =	sld [smem:$0x3FB1]  }
0x2f: {  	lr =	sadd.s32 s0, s3;
	s0 =	sld [smem:$0x3FA8]  }
0x30: {  	s3 =	sld [smem:$0x3FAB]  }
0x31: {  	[smem:$0x3FB4] =	sst s10  }
0x32: {  	s10 =	sld [smem:$0x3FB2];
	_ =	sdelay $0x3  }
0x33: {  	p0 =	seq.s32 s10, $0x1;
	s10 =	sld [smem:$0x3FB4];
	_ =	sdelay $0x3  }
0x34: {  	[smem:$0x3FB4] =	sst s10  }
0x35: {  	s10 =	sld [smem:$0x3FB3];
	_ =	sdelay $0x3  }
0x36: {  	p1 =	seq.s32 s10, $0x1;
	s10 =	sld [smem:$0x3FB4];
	_ =	sdelay $0x3  }
0x37: {  	[smem:$0x3FB4] =	sst s10  }
0x38: {  	s10 =	sld [smem:$0x3FB5]  }
0x39: {  	_ = 	snop;
	(pc) =	sbr.ind lr, $3  }
0x3a: {  	_ = 	snop  }
0x3b: {  	_ = 	snop  }
0x3c: {  	p2 =	seq.s32 s10, $0x1;
	s10 =	sld [smem:$0x3FB4]  }
0x3d: {  	_ =	shalt  }
0x3e: {  	_ =	shalt  }
0x3f: {  	_ =	shalt  }
0x40: {  	_ =	shalt  }
0x41: {  	_ =	shalt  }
0x42: {  	_ =	shalt  }
0x43: {  	_ =	shalt  }
0x44: {  	_ =	shalt  }
0x45: {  	_ =	shalt  }
0x46: {  	_ =	shalt  }
0x47: {  	_ =	shalt  }
0x48: {  	_ =	shalt  }
0x49: {  	_ =	shalt  }
0x4a: {  	_ =	shalt  }
0x4b: {  	_ =	shalt  }
0x4c: {  	_ =	shalt  }
0x4d: {  	_ =	shalt  }
0x4e: {  	_ =	shalt  }
0x4f: {  	_ =	shalt  }
0x50: {  	_ =	shalt  }
0x51: {  	_ =	shalt  }
0x52: {  	_ =	shalt  }
0x53: {  	_ =	shalt  }
0x54: {  	_ =	shalt  }
0x55: {  	_ =	shalt  }
0x56: {  	_ =	shalt  }
0x57: {  	_ =	shalt  }
0x58: {  	_ =	shalt  }
0x59: {  	_ =	shalt  }
0x5a: {  	_ =	shalt  }
0x5b: {  	_ =	shalt  }
0x5c: {  	_ =	shalt  }
0x5d: {  	_ =	shalt  }
0x5e: {  	_ =	shalt  }
0x5f: {  	_ =	shalt  }
0x60: {  	_ =	shalt  }
0x61: {  	_ =	shalt  }
0x62: {  	_ =	shalt  }
0x63: {  	_ =	shalt  }
0x64: {  	_ =	shalt  }
0x65: {  	_ =	shalt  }
0x66: {  	_ =	shalt  }
0x67: {  	_ =	shalt  }
0x68: {  	_ =	shalt  }
0x69: {  	_ =	shalt  }
0x6a: {  	_ =	shalt  }
0x6b: {  	_ =	shalt  }
0x6c: {  	_ =	shalt  }
0x6d: {  	_ =	shalt  }
0x6e: {  	_ =	shalt  }
0x6f: {  	_ =	shalt  }
0x70: {  	_ =	shalt  }
0x71: {  	_ =	shalt  }
0x72: {  	_ =	shalt  }
0x73: {  	_ =	shalt  }
0x74: {  	_ =	shalt  }
0x75: {  	_ =	shalt  }
0x76: {  	_ =	shalt  }
0x77: {  	_ =	shalt  }
0x78: {  	_ =	shalt  }
0x79: {  	_ =	shalt  }
0x7a: {  	_ =	shalt  }
0x7b: {  	_ =	shalt  }
0x7c: {  	_ =	shalt  }
0x7d: {  	_ =	shalt  }
0x7e: {  	_ =	shalt  }
0x7f: {  	_ =	shalt  }
0x80: {  	_ =	shalt  }
0x81: {  	_ =	shalt  }
0x82: {  	_ =	shalt  }
0x83: {  	_ =	shalt  }
0x84: {  	_ =	shalt  }
0x85: {  	_ =	shalt  }
0x86: {  	_ =	shalt  }
0x87: {  	_ =	shalt  }
.Lfunc_end0:
.L_simem_size_0:
called_computation_lowered:
.L_overlay_start_0:
0x88: {  	s2 =	sld [smem:$0x3FD9]  }
0x89: {  	s3 =	sld [smem:$0x3FFE];
	_ =	sdelay $0x1  }
0x8a: {  	s1 =	srdreg.scid  }
0x8b: {  	s0 =	sand.u32 $0x1, s1  }
0x8c: {  	s16 =	sshll.u32 s0, $0xA;
	s2 =	sadd.s32 s3, s2  }
0x8d: {  	s2 =	sadd.s32 s2, s16  }
0x8e: {  	[smem:$0x3FC0] =	sst s2  }
0x8f: {  	_ = 	snop  }
0x90: {  	(tm) =	ssettm $0x1  }
0x91: {  	s17 =	sld [smem:$0x3FFB];
	_ =	sdelay $0x3  }
0x92: {  	_ =	strace s17  }
0x93: {  	s2 =	sld [smem:$0x3FFC];
	_ =	sdelay $0x3  }
0x94: {  	_ =	strace s2  }
0x95: {  	s2 =	sld [smem:$0x3FFD];
	_ =	sdelay $0x3  }
0x96: {  	_ =	strace s2  }
0x97: {  	_ =	strace $0x8FFFFFFF  }
0x98: {  	s18 =	sld [smem:$0x3FDB];
	_ =	sdelay $0x1  }
0x99: {  	s19 =	simm.s32 $_scs_section_size  }
0x9a: {  	s4 =	simm.s32 $_size__tile_overlayer_lowered;
	s5 =	simm.s32 $_tile_overlayer_lowered  }
0x9b: {  	s22 =	simm.s32 $0x1BFF;
	s21 =	sshll.u32 s5, $0x1;
	s2 =	sadd.s32 s19, s18  }
0x9c: {  	s6 =	simm.s32 $0x0;
	s20 =	sshll.u32 s4, $0x1;
	s4 =	sadd.s32 s21, s2  }
0x9d: {  	[timem:s6], [sflag:s22] =	dma.local [hbm:s4], s20  }
0x9e: {  	_ =	swait.ge [sflag:s22], s20  }
0x9f: {  	s3 =	ssub.s32 $0x0, s20;
	[sflag:s22] =	ssyncset.done $0x0  }
0xa0: {  	[sflag:s22] =	ssyncadd.s32 s3;
	_ =	sdelay $0x1  }
0xa1: {  	s23 =	simm.s32 $0x1B8B  }
0xa2: {  	_ =	swait.ge [sflag:s23], $0x1  }
0xa3: {  	[sflag:s23] =	ssyncset.done $0x0  }
0xa4: {  	s25 =	simm.s32 $0x1B8E;
	s24 =	sld [smem:$0x3FFE];
	[sflag:s23] =	ssyncadd.s32 $0xFFFFFFFF  }
0xa5: {  	s26 =	simm.s32 $execute0_lowered;
	[smem:$0x3FD2] =	sst s25  }
0xa6: {  	s4 =	sshll.u32 s26, $0x1;
	_ =	strace $0x80000046;
	[dreg:$0x1] =	wrdreg $0xFFFFFFFF  }
0xa7: {  	s28 =	simm.s32 $_size_execute0_lowered;
	s2 =	sadd.s32 s2, s4;
	[dreg:$0x0] =	wrdreg $0x0  }
0xa8: {  	s4 =	sshll.u32 s28, $0x1;
	[dreg:$0x2] =	wrdreg s2  }
0xa9: {  	[dreg:$0x3] =	wrdreg s4  }
0xaa: {  	[dreg:$0x4] =	wrdreg $0xC0  }
0xab: {  	_ =	task [dreg:s6], $0x5FFFF  }
0xac: {  	[dreg:$0x1] =	wrdreg $0xFFFFFFFF  }
0xad: {  	[dreg:$0x0] =	wrdreg $0x60  }
0xae: {  	[dreg:$0x2] =	wrdreg s24  }
0xaf: {  	[dreg:$0x3] =	wrdreg $0x28800  }
0xb0: {  	[dreg:$0x4] =	wrdreg $0x9  }
0xb1: {  	_ =	task.clear_ibuf [dreg:s6], $0x5FFFF;
	_ =	strace $0x90000046  }
0xb2: {  	s29 =	simm.s32 $0x9;
	_ =	strace $0x80000048  }
0xb3: {  	_ =	swait.ge [sflag:s29], $0x1  }
0xb4: {  	[sflag:s29] =	ssyncadd.s32 $0xFFFFFFFF  }
0xb5: {  	_ =	strace $0x90000048  }
0xb6: {  	_ =	sfence  }
0xb7: {  	s30 =	sld [smem:$0x0];
	_ =	sdelay $0x2  }
0xb8: {  	s31 =	sshll.u32 s1, $0xD;
	s1 =	sshrl.u32 s1, $0x2  }
0xb9: {  	s3 =	sand.u32 $0x4000, s31;
	s1 =	sadd.s32 s1, s30  }
0xba: {  	s0 =	sor.u32 s3, s0;
	s1 =	sshll.u32 s1, $0x11  }
0xbb: {  	s0 =	sor.u32 s1, s0  }
0xbc: {  	s0 =	sadd.s32 $0x8F2B, s0  }
0xbd: {  	[sflag:s0] =	ssyncadd.remote.s32 $0x1  }
0xbe: {  	_ =	sfence.sel $0xFFFF  }
0xbf: {  	[dreg:$0x0] =	wrdreg $0xFFFFFFFF;
	(pc) =	sbr.abs _section_cstart, $3  }
0xc0: {  	[dreg:$0x1] =	wrdreg $0xFFFFFFFF  }
0xc1: {  	_ =	task.clear_ibuf [dreg:s6], $0x2FFFF;
	_ =	strace $0x9FFFFFFF  }
0xc2: {  	(tm) =	ssettm $0x7FFFFFFF  }
0xc3: {  	_ =	shalt  }
tec
execute0_lowered:
.L_overlay_start_1:
0x0: {  	(tag) =	ssettag $0x1  }
0x1: {  	s4 =	rddreg [dreg:$0x0]  }
0x2: {  	s2 =	rddreg [dreg:$0x1]  }
0x3: {  	s0 =	rddreg [dreg:$0x2]  }
0x4: {  	s1 =	stileid.u32;
	s3 =	srdreg.scid  }
0x5: {  	s11 =	simm.s32 $0x7D;
	s12 =	simm.s32 $0x2800;
	s13 =	simm.s32 $0x1  }
0x6: {  	s14 =	simm.s32 $0x2;
	s15 =	simm.s32 $0x3;
	s16 =	simm.s32 $0x4  }
0x7: {  	s17 =	simm.s32 $0x5;
	s18 =	simm.s32 $0x6;
	s19 =	simm.s32 $0x7  }
0x8: {  	s20 =	simm.s32 $0x8;
	s21 =	simm.s32 $0x0;
	s5 =	smul.u32 $0x280, s1  }
0x9: {  	s6 =	sand.u32 $0x1, s3;
	s7 =	sshll.u32 s1, $0x1;
	s3 =	simm.s32 $0x0  }
0xa: {  	s31 =	sshll.u32 s1, $0x6;
	s8 =	smul.u32 $0x2800, s6;
	s7 =	sor.u32 s6, s7  }
0xb: {  	[smem:$0x7FF] =	sst s3;
	s6 =	ssub.s32 $0x2, s6;
	s9 =	sshrl.u32 s5, $0x3  }
0xc: {  	s7 =	smul.u32 $0x2800, s7;
	_ =	strace $0x80000047;
	s10 =	sshrl.u32 s6, $0x1  }
0xd: {  	s30 =	sadd.s32 s5, s2;
	s9 =	sadd.s32 s9, s4;
	s8 =	sadd.s32 s5, s8  }
0xe: {  	s29 =	ssub.s32 s6, s10;
	s10 =	sshrl.u32 s30, $0x3;
	s8 =	sshrl.u32 s8, $0x3  }
0xf: {  	s7 =	sshrl.u32 s7, $0x3;
	s5 =	sadd.s32 $0x16400, s9;
	s9 =	sor.u32 $0x1C09, s31  }
0x10: {  	s8 =	sadd.s32 s8, s4;
	s4 =	sadd.s32 s4, s7;
	s7 =	smax.u32 s29, $0x1  }
0x11: {  	v0 =	vimm.f32 $1.000000000e+00;
	s4 =	sadd.s32 $0xC400, s4;
	s6 =	sadd.s32 $0x16A00, s8;
	s8 =	simm.s32 $0x9  }
.LBB2_1:
0x12: {  	[tilespmem:$0x2800] =	vst v0  }
0x13: {  	[tilespmem:$0x2810] =	vst v0  }
0x14: {  	[tilespmem:$0x2820] =	vst v0  }
0x15: {  	[tilespmem:$0x2830] =	vst v0  }
0x16: {  	[tilespmem:$0x2840] =	vst v0  }
0x17: {  	[tilespmem:$0x2850] =	vst v0  }
0x18: {  	[tilespmem:$0x2860] =	vst v0  }
0x19: {  	[tilespmem:$0x2870] =	vst v0  }
0x1a: {  	[tilespmem:s3], [sflag:$0x9] =	stream.linear.gather [hbm4b:s4+s3], $0x2800, $0x38;
	[tilespmem:$0x2B00] =	vst v63  }
0x1b: {  	_ =	swait.ge [sflag:s8], $0x2800  }
0x1c: {  	[sflag:s8] =	ssyncset.done $0x0  }
0x1d: {  	[sflag:s8] =	ssyncadd.s32 $0xFFFFD800  }
0x1e: {  	[spmem:s10], [sflag:s9] =	dma.local [hbm:s5], $0x50  }
0x1f: {  	_ =	swait.ge [sflag:s8], $0x50  }
0x20: {  	[sflag:s8] =	ssyncset.done $0x0  }
0x21: {  	[sflag:s8] =	ssyncadd.s32 $0xFFFFFFB0  }
0x22: {  	s22 =	simm.s32 $0x0;
	[bflag:$0x0] =	sbarrier.arrive $0xFFFF  }
0x23: {  	[spmem:s2] =	stream.indirect.scatter.add.f32 [tilespmem:s12], [sflag:$0x1], $0x1, s22, s11, $0xb8;
	[tilespmem:$0x2B00] =	vst v63  }
0x24: {  	s24 =	simm.s32 $0x80  }
0x25: {  	[spmem:s2] =	stream.indirect.scatter.add.f32 [tilespmem:s12], [sflag:$0x2], $0x1, s24, s11, $0xb8;
	[tilespmem:$0x2B00] =	vst v63  }
0x26: {  	s25 =	simm.s32 $0x100  }
0x27: {  	[spmem:s2] =	stream.indirect.scatter.add.f32 [tilespmem:s12], [sflag:$0x3], $0x1, s25, s11, $0xb8;
	[tilespmem:$0x2B00] =	vst v63  }
0x28: {  	s26 =	simm.s32 $0x180  }
0x29: {  	[spmem:s2] =	stream.indirect.scatter.add.f32 [tilespmem:s12], [sflag:$0x4], $0x1, s26, s11, $0xb8;
	[tilespmem:$0x2B00] =	vst v63  }
0x2a: {  	s28 =	simm.s32 $0x200  }
0x2b: {  	[spmem:s2] =	stream.indirect.scatter.add.f32 [tilespmem:s12], [sflag:$0x5], $0x1, s28, s11, $0xb8;
	[tilespmem:$0x2B00] =	vst v63  }
0x2c: {  	s29 =	simm.s32 $0x280  }
0x2d: {  	[spmem:s2] =	stream.indirect.scatter.add.f32 [tilespmem:s12], [sflag:$0x6], $0x1, s29, s11, $0xb8;
	[tilespmem:$0x2B00] =	vst v63  }
0x2e: {  	s30 =	simm.s32 $0x300  }
0x2f: {  	[spmem:s2] =	stream.indirect.scatter.add.f32 [tilespmem:s12], [sflag:$0x7], $0x1, s30, s11, $0xb8;
	[tilespmem:$0x2B00] =	vst v63  }
0x30: {  	s31 =	simm.s32 $0x380  }
0x31: {  	[spmem:s2] =	stream.indirect.scatter.add.f32 [tilespmem:s12], [sflag:$0x8], $0x1, s31, s11, $0xb8;
	[tilespmem:$0x2B00] =	vst v63  }
0x32: {  	_ =	swait.ge [sflag:s13], $0x7D  }
0x33: {  	[sflag:s13] =	ssyncset.done $0x0  }
0x34: {  	[sflag:s13] =	ssyncadd.s32 $0xFFFFFF83  }
0x35: {  	_ =	swait.ge [sflag:s14], $0x7D  }
0x36: {  	[sflag:s14] =	ssyncset.done $0x0  }
0x37: {  	[sflag:s14] =	ssyncadd.s32 $0xFFFFFF83  }
0x38: {  	_ =	swait.ge [sflag:s15], $0x7D  }
0x39: {  	[sflag:s15] =	ssyncset.done $0x0  }
0x3a: {  	[sflag:s15] =	ssyncadd.s32 $0xFFFFFF83  }
0x3b: {  	_ =	swait.ge [sflag:s16], $0x7D  }
0x3c: {  	[sflag:s16] =	ssyncset.done $0x0  }
0x3d: {  	[sflag:s16] =	ssyncadd.s32 $0xFFFFFF83  }
0x3e: {  	_ =	swait.ge [sflag:s17], $0x7D  }
0x3f: {  	[sflag:s17] =	ssyncset.done $0x0  }
0x40: {  	[sflag:s17] =	ssyncadd.s32 $0xFFFFFF83  }
0x41: {  	_ =	swait.ge [sflag:s18], $0x7D  }
0x42: {  	[sflag:s18] =	ssyncset.done $0x0  }
0x43: {  	[sflag:s18] =	ssyncadd.s32 $0xFFFFFF83  }
0x44: {  	_ =	swait.ge [sflag:s19], $0x7D  }
0x45: {  	[sflag:s19] =	ssyncset.done $0x0  }
0x46: {  	[sflag:s19] =	ssyncadd.s32 $0xFFFFFF83  }
0x47: {  	_ =	swait.ge [sflag:s20], $0x7D  }
0x48: {  	s22 =	simm.s32 $0x1000;
	s24 =	simm.s32 $0x2000;
	[sflag:s20] =	ssyncset.done $0x0  }
.LBB2_2:
0x49: {  	s25 =	sshra.s32 s22, $0x2  }
0x4a: {  	[sflag:s20] =	ssyncadd.s32 $0xFFFFFF83;
	s22 =	smov.u32 s24;
	s23 =	sadd.s32 $0x1000, s24  }
0x4b: {  	[spmem:s2] =	stream.indirect.scatter.add.f32 [tilespmem:s12], [sflag:$0x1], $0x1, s25, s11, $0xb8;
	[tilespmem:$0x2B00] =	vst v63  }
0x4c: {  	p0 =	sne.s32 s24, $0x9000;
	s24 =	sadd.s32 $0x80, s25  }
0x4d: {  	[spmem:s2] =	stream.indirect.scatter.add.f32 [tilespmem:s12], [sflag:$0x2], $0x1, s24, s11, $0xb8;
	[tilespmem:$0x2B00] =	vst v63  }
0x4e: {  	s24 =	sadd.s32 $0x100, s25  }
0x4f: {  	[spmem:s2] =	stream.indirect.scatter.add.f32 [tilespmem:s12], [sflag:$0x3], $0x1, s24, s11, $0xb8;
	[tilespmem:$0x2B00] =	vst v63  }
0x50: {  	s24 =	sadd.s32 $0x180, s25  }
0x51: {  	[spmem:s2] =	stream.indirect.scatter.add.f32 [tilespmem:s12], [sflag:$0x4], $0x1, s24, s11, $0xb8;
	[tilespmem:$0x2B00] =	vst v63  }
0x52: {  	s24 =	sadd.s32 $0x200, s25  }
0x53: {  	[spmem:s2] =	stream.indirect.scatter.add.f32 [tilespmem:s12], [sflag:$0x5], $0x1, s24, s11, $0xb8;
	[tilespmem:$0x2B00] =	vst v63  }
0x54: {  	s24 =	sadd.s32 $0x280, s25  }
0x55: {  	[spmem:s2] =	stream.indirect.scatter.add.f32 [tilespmem:s12], [sflag:$0x6], $0x1, s24, s11, $0xb8;
	[tilespmem:$0x2B00] =	vst v63  }
0x56: {  	s24 =	sadd.s32 $0x300, s25  }
0x57: {  	[spmem:s2] =	stream.indirect.scatter.add.f32 [tilespmem:s12], [sflag:$0x7], $0x1, s24, s11, $0xb8;
	[tilespmem:$0x2B00] =	vst v63  }
0x58: {  	s24 =	sadd.s32 $0x380, s25  }
0x59: {  	[spmem:s2] =	stream.indirect.scatter.add.f32 [tilespmem:s12], [sflag:$0x8], $0x1, s24, s11, $0xb8;
	[tilespmem:$0x2B00] =	vst v63  }
0x5a: {  	_ =	swait.ge [sflag:s13], $0x7D  }
0x5b: {  	[sflag:s13] =	ssyncset.done $0x0  }
0x5c: {  	[sflag:s13] =	ssyncadd.s32 $0xFFFFFF83  }
0x5d: {  	_ =	swait.ge [sflag:s14], $0x7D  }
0x5e: {  	[sflag:s14] =	ssyncset.done $0x0  }
0x5f: {  	[sflag:s14] =	ssyncadd.s32 $0xFFFFFF83  }
0x60: {  	_ =	swait.ge [sflag:s15], $0x7D  }
0x61: {  	[sflag:s15] =	ssyncset.done $0x0  }
0x62: {  	[sflag:s15] =	ssyncadd.s32 $0xFFFFFF83  }
0x63: {  	_ =	swait.ge [sflag:s16], $0x7D  }
0x64: {  	[sflag:s16] =	ssyncset.done $0x0  }
0x65: {  	[sflag:s16] =	ssyncadd.s32 $0xFFFFFF83  }
0x66: {  	_ =	swait.ge [sflag:s17], $0x7D  }
0x67: {  	[sflag:s17] =	ssyncset.done $0x0  }
0x68: {  	[sflag:s17] =	ssyncadd.s32 $0xFFFFFF83  }
0x69: {  	_ =	swait.ge [sflag:s18], $0x7D  }
0x6a: {  	[sflag:s18] =	ssyncset.done $0x0  }
0x6b: {  	[sflag:s18] =	ssyncadd.s32 $0xFFFFFF83  }
.Ltmp0:
0x6c: {  	_ =	swait.ge [sflag:s19], $0x7D;
	(pc) =	sbr.rel @p0 .LBB2_2-.Ltmp0, $4  }
0x6d: {  	[sflag:s19] =	ssyncset.done $0x0  }
0x6e: {  	[sflag:s19] =	ssyncadd.s32 $0xFFFFFF83  }
0x6f: {  	_ =	swait.ge [sflag:s20], $0x7D  }
0x70: {  	s24 =	smov.u32 s23;
	[sflag:s20] =	ssyncset.done $0x0  }
0x71: {  	s22 =	sshra.s32 s22, $0x2;
	[sflag:s20] =	ssyncadd.s32 $0xFFFFFF83  }
0x72: {  	[spmem:s2] =	stream.indirect.scatter.add.f32 [tilespmem:s12], [sflag:$0x1], $0x1, s22, s11, $0xb8;
	[tilespmem:$0x2B00] =	vst v63  }
0x73: {  	s23 =	sadd.s32 $0x80, s22  }
0x74: {  	[spmem:s2] =	stream.indirect.scatter.add.f32 [tilespmem:s12], [sflag:$0x2], $0x1, s23, s11, $0xb8;
	[tilespmem:$0x2B00] =	vst v63  }
0x75: {  	s26 =	sadd.s32 $0x100, s22  }
0x76: {  	[spmem:s2] =	stream.indirect.scatter.add.f32 [tilespmem:s12], [sflag:$0x3], $0x1, s26, s11, $0xb8;
	[tilespmem:$0x2B00] =	vst v63  }
0x77: {  	s28 =	sadd.s32 $0x180, s22  }
0x78: {  	[spmem:s2] =	stream.indirect.scatter.add.f32 [tilespmem:s12], [sflag:$0x4], $0x1, s28, s11, $0xb8;
	[tilespmem:$0x2B00] =	vst v63  }
0x79: {  	s29 =	sadd.s32 $0x200, s22  }
0x7a: {  	[spmem:s2] =	stream.indirect.scatter.add.f32 [tilespmem:s12], [sflag:$0x5], $0x1, s29, s11, $0xb8;
	[tilespmem:$0x2B00] =	vst v63  }
0x7b: {  	s30 =	sadd.s32 $0x280, s22  }
0x7c: {  	[spmem:s2] =	stream.indirect.scatter.add.f32 [tilespmem:s12], [sflag:$0x6], $0x1, s30, s11, $0xb8;
	[tilespmem:$0x2B00] =	vst v63  }
0x7d: {  	s31 =	sadd.s32 $0x300, s22  }
0x7e: {  	[spmem:s2] =	stream.indirect.scatter.add.f32 [tilespmem:s12], [sflag:$0x7], $0x1, s31, s11, $0xb8;
	[tilespmem:$0x2B00] =	vst v63  }
0x7f: {  	s22 =	sadd.s32 $0x380, s22  }
0x80: {  	[spmem:s2] =	stream.indirect.scatter.add.f32 [tilespmem:s12], [sflag:$0x8], $0x1, s22, s11, $0xb8;
	[tilespmem:$0x2B00] =	vst v63  }
0x81: {  	_ =	swait.ge [sflag:s13], $0x7D  }
0x82: {  	[sflag:s13] =	ssyncset.done $0x0  }
0x83: {  	[sflag:s13] =	ssyncadd.s32 $0xFFFFFF83  }
0x84: {  	_ =	swait.ge [sflag:s14], $0x7D  }
0x85: {  	[sflag:s14] =	ssyncset.done $0x0  }
0x86: {  	[sflag:s14] =	ssyncadd.s32 $0xFFFFFF83  }
0x87: {  	_ =	swait.ge [sflag:s15], $0x7D  }
0x88: {  	[sflag:s15] =	ssyncset.done $0x0  }
0x89: {  	[sflag:s15] =	ssyncadd.s32 $0xFFFFFF83  }
0x8a: {  	_ =	swait.ge [sflag:s16], $0x7D  }
0x8b: {  	[sflag:s16] =	ssyncset.done $0x0  }
0x8c: {  	[sflag:s16] =	ssyncadd.s32 $0xFFFFFF83  }
0x8d: {  	_ =	swait.ge [sflag:s17], $0x7D  }
0x8e: {  	[sflag:s17] =	ssyncset.done $0x0  }
0x8f: {  	[sflag:s17] =	ssyncadd.s32 $0xFFFFFF83  }
0x90: {  	_ =	swait.ge [sflag:s18], $0x7D  }
0x91: {  	[sflag:s18] =	ssyncset.done $0x0  }
0x92: {  	[sflag:s18] =	ssyncadd.s32 $0xFFFFFF83  }
0x93: {  	_ =	swait.ge [sflag:s19], $0x7D  }
0x94: {  	[sflag:s19] =	ssyncset.done $0x0  }
0x95: {  	[sflag:s19] =	ssyncadd.s32 $0xFFFFFF83  }
0x96: {  	_ =	swait.ge [sflag:s20], $0x7D  }
0x97: {  	s21 =	sadd.s32 $0x1, s21;
	[sflag:s20] =	ssyncset.done $0x0  }
0x98: {  	p0 =	sne.s32 s21, s7;
	[sflag:s20] =	ssyncadd.s32 $0xFFFFFF83  }
.Ltmp1:
0x99: {  	[bflag:$0x0] =	sbarrier.arrive $0xFFFF;
	(pc) =	sbr.rel @p0 .LBB2_1-.Ltmp1, $4  }
0x9a: {  	[hbm:s6], [sflag:s9] =	dma.local [spmem:s10], $0x50  }
0x9b: {  	_ =	swait.ge [sflag:s8], $0x50  }
0x9c: {  	[sflag:s8] =	ssyncset.done $0x0  }
0x9d: {  	[sflag:s8] =	ssyncadd.s32 $0xFFFFFFB0  }
0x9e: {  	_ =	sfence.sel $0x180000  }
0x9f: {  	[bflag:$0x0] =	sbarrier.arrive $0xFFFF  }
0xa0: {  	p0 =	sne.s32 s1, $0x0;
	_ =	strace $0x90000047  }
0xa1: {  	s0 =	sadd.s32 @!p0 $0x100000, s0;
	[bflag:$0x2] =	sbarrier.arrive $0xFFFF  }
0xa2: {  	[sflag:s0] =	ssyncadd.tile.s32 @!p0 $0x1;
	_ =	shalt  }
.Lfunc_end2:
_tile_overlayer_lowered:
.L_overlay_start_2:
0xa3: {  	(tag) =	ssettag $0x2  }
0xa4: {  	s0 =	rddreg [dreg:$0x0];
	s2 =	stileid.u32  }
0xa5: {  	s1 =	rddreg [dreg:$0x1];
	p0 =	sne.s32 s2, $0x0  }
0xa6: {  	s3 =	rddreg [dreg:$0x2];
	[bflag:$0x3] =	sbarrier.arrive $0xFFFF;
	s2 =	simm.s32 @!p0 $0x1C09  }
0xa7: {  	[timem:s3], [sflag:s2] =	dma.local @!p0 [hbm:s0], s1  }
0xa8: {  	s0 =	simm.s32 @!p0 $0x9  }
0xa9: {  	_ =	swait.ge @!p0 [sflag:s0], s1  }
0xaa: {  	s1 =	ssub.s32 @!p0 $0x0, s1;
	[sflag:s0] =	ssyncset.done @!p0 $0x0  }
0xab: {  	[sflag:s0] =	ssyncadd.s32 @!p0 s1  }
0xac: {  	[bflag:$0x3] =	sbarrier.arrive $0xFFFF  }
0xad: {  	_ =	shalt  }

</sc_bundles>
